<compile_context>
chip_gen: v7x
topology: tpu7x:2x2x1
jax: 0.10.2.dev20260603
libtpu: 0.0.44.dev20260713+nightly
codegen_flags: <defaults>
</compile_context>

<pallas_src>
import functools

import jax
import jax.numpy as jnp
from jax import lax
from jax.experimental import pallas as pl
from jax.experimental.pallas import tpu as pltpu
from jax.experimental.pallas import tpu_sc as plsc

F = 64
N = F + 1
HID = 4 * F
KIN = N * F * 3
OUT_SIZE = F * F

NSC = 2
NSUB = 16
NW = NSC * NSUB
RPW = 16
R_SC = NW * RPW
R_TC = 3 * HID - R_SC

NG = 4
RPG = RPW // NG
NCH = KIN // 16
UNROLL = 4

NCHUNK = 16
CR = R_TC // NCHUNK


def _gat_body(hF_ref, hT_ref, WfT_ref, WtT_ref, alF_ref, arF_ref, bF_ref,
              alT_ref, arT_ref, bT_ref, outF_ref, outT_ref):
    def one(h, WT, al, ar, b):
        feat = jnp.dot(h, WT, preferred_element_type=jnp.float32)
        el = feat * al
        er0 = feat[0:1, :] * ar
        e = el + er0
        e = jnp.where(e >= 0.0, e, 0.2 * e)
        m = jnp.max(e, axis=0, keepdims=True)
        w = jnp.exp(e - m)
        s = jnp.sum(w, axis=0, keepdims=True)
        att = jnp.sum(w * feat, axis=0, keepdims=True) / s
        return jnp.concatenate([att, feat[1:, :]], axis=0) + b

    outF_ref[...] = one(hF_ref[...], WfT_ref[...], alF_ref[...], arF_ref[...], bF_ref[...])
    outT_ref[...] = one(hT_ref[...], WtT_ref[...], alT_ref[...], arT_ref[...], bT_ref[...])


def _sc_body(W_hbm, x_hbm, out_hbm, xv, wbuf, yv, tred, sems):
    wid = lax.axis_index("s") * NSC + lax.axis_index("c")
    row0 = wid * RPW
    pltpu.sync_copy(x_hbm, xv)

    copies = [
        pltpu.make_async_copy(
            W_hbm.at[pl.ds(row0 + g * RPG, RPG), :],
            wbuf.at[g % 2],
            sems.at[g % 2])
        for g in range(NG)
    ]
    copies[0].start()

    lane = lax.iota(jnp.int32, 16)
    y = jnp.zeros((16,), jnp.float32)
    for g in range(NG):
        if g + 1 < NG:
            copies[g + 1].start()
        copies[g].wait()
        b = g % 2

        def chunk(j, a):
            a = list(a)
            for u in range(UNROLL):
                off = (j * UNROLL + u) * 16
                xj = xv[pl.ds(off, 16)]
                for r in range(RPG):
                    a[r] = a[r] + wbuf[b, r, pl.ds(off, 16)] * xj
            return tuple(a)

        accs = lax.fori_loop(
            0, NCH // UNROLL, chunk,
            tuple(jnp.zeros((16,), jnp.float32) for _ in range(RPG)))
        for r in range(RPG):
            v = accs[r]
            for s in (8, 4, 2, 1):
                tred[...] = v
                v = v + plsc.load_gather(tred, [(lane + s) & 15])
            y = jnp.where(lane == g * RPG + r, v, y)
    yv[...] = y
    pltpu.sync_copy(yv, out_hbm.at[pl.ds(row0, RPW)])


def _tc_body(x_ref, Whbm_ref, out_ref, wbuf, sems):
    copies = [
        pltpu.make_async_copy(
            Whbm_ref.at[pl.ds(R_SC + c * CR, CR), :],
            wbuf.at[pl.ds(c * CR, CR), :],
            sems.at[c])
        for c in range(NCHUNK)
    ]
    for cp in copies:
        cp.start()

    x = x_ref[...]
    for c in range(NCHUNK):
        copies[c].wait()
        w = wbuf[pl.ds(c * CR, CR), :]
        out_ref[0, c * CR:(c + 1) * CR] = jnp.sum(w * x, axis=1)


def _ep_body(ysc_ref, ytc_ref, Whh_ref, bih_ref, bhh_ref, h0_ref,
             out_ref, h1_ref):
    gx = jnp.concatenate([ysc_ref[0, :], ytc_ref[0, :]], axis=0) + bih_ref[0, :]
    h0 = h0_ref[...]
    W = Whh_ref[...]
    xr, xz, xn = gx[0:HID], gx[HID:2 * HID], gx[2 * HID:]
    hr = jnp.sum(W[0:HID, :] * h0, axis=1) + bhh_ref[0, 0:HID]
    hz = jnp.sum(W[HID:2 * HID, :] * h0, axis=1) + bhh_ref[0, HID:2 * HID]
    hn = jnp.sum(W[2 * HID:, :] * h0, axis=1) + bhh_ref[0, 2 * HID:]
    r = jax.nn.sigmoid(xr + hr)
    z = jax.nn.sigmoid(xz + hz)
    n = jnp.tanh(xn + r * hn)
    h1 = (1.0 - z) * n + z * h0[0]
    out_ref[...] = jnp.concatenate(
        [h1, jnp.zeros((OUT_SIZE - HID,), jnp.float32)], axis=0)
    h1_ref[0, 0, :] = h1


def kernel(data, hidden, W_feat, al_feat, ar_feat, b_feat,
           W_time, al_time, ar_time, b_time, W_ih, W_hh, b_ih, b_hh):
    f32 = jnp.float32
    z1 = jnp.zeros((1, F), f32)
    hF = jnp.concatenate([z1, data], axis=0)
    hT = jnp.concatenate([z1, data.T], axis=0)

    gat = pl.pallas_call(
        _gat_body,
        out_shape=(jax.ShapeDtypeStruct((N, F), f32),
                   jax.ShapeDtypeStruct((N, F), f32)),
    )
    fRF, fRT = gat(hF, hT, W_feat.T, W_time.T,
                   al_feat.reshape(1, F), ar_feat.reshape(1, F), b_feat.reshape(1, F),
                   al_time.reshape(1, F), ar_time.reshape(1, F), b_time.reshape(1, F))

    x = jnp.stack([hF, fRF, fRT], axis=-1).reshape(1, KIN)
    x1d = x.reshape(KIN)

    mesh = plsc.VectorSubcoreMesh(core_axis_name="c", subcore_axis_name="s")
    sc_matvec = functools.partial(
        pl.kernel,
        mesh=mesh,
        compiler_params=pltpu.CompilerParams(needs_layout_passes=False),
        out_type=jax.ShapeDtypeStruct((R_SC,), f32),
        scratch_types=[pltpu.VMEM((KIN,), f32),
                       pltpu.VMEM((2, RPG, KIN), f32),
                       pltpu.VMEM((16,), f32),
                       pltpu.VMEM((16,), f32),
                       pltpu.SemaphoreType.DMA((2,))],
    )(_sc_body)
    y_sc = sc_matvec(W_ih, x1d)

    tc_matvec = pl.pallas_call(
        _tc_body,
        in_specs=[
            pl.BlockSpec(memory_space=pltpu.MemorySpace.VMEM),
            pl.BlockSpec(memory_space=pltpu.MemorySpace.HBM),
        ],
        out_specs=pl.BlockSpec(memory_space=pltpu.MemorySpace.VMEM),
        out_shape=jax.ShapeDtypeStruct((1, R_TC), f32),
        scratch_shapes=[pltpu.VMEM((R_TC, KIN), f32),
                        pltpu.SemaphoreType.DMA((NCHUNK,))],
    )
    y_tc = tc_matvec(x, W_ih)

    epilogue = pl.pallas_call(
        _ep_body,
        out_shape=(jax.ShapeDtypeStruct((OUT_SIZE,), f32),
                   jax.ShapeDtypeStruct((1, 1, HID), f32)),
    )
    out, h1 = epilogue(y_sc.reshape(1, R_SC), y_tc, W_hh,
                       b_ih.reshape(1, 3 * HID), b_hh.reshape(1, 3 * HID),
                       hidden.reshape(1, HID))
    return out, h1

# --- scband reference (transcript-rebuilt; emitter-appended) ---
"""Pipeline reference for scband-mtad-gat-89163521065574 (READ-ONLY COPY).

The authoritative reference and input builder live on the scoring server;
editing this copy changes nothing except your own understanding.
"""

import jax, jax.numpy as jnp
import numpy as np

FEATS = 64
N = FEATS + 1
H = FEATS
HID = FEATS * 4
IN_GRU = (FEATS + 1) * FEATS * 3
OUT_SIZE = FEATS * FEATS


def _edges():
    src = jnp.concatenate([jnp.arange(1, FEATS + 1, dtype=jnp.int32), jnp.arange(N, dtype=jnp.int32)])
    dst = jnp.concatenate([jnp.zeros(FEATS, dtype=jnp.int32), jnp.arange(N, dtype=jnp.int32)])
    return src, dst


def _gat(h, W, al, ar, b, src, dst):
    # DGL GATConv(in=FEATS, out=1, num_heads=FEATS)
    feat = (h @ W.T).reshape(N, H, 1)
    el = (feat * al[None]).sum(-1)  # (N, H)
    er = (feat * ar[None]).sum(-1)  # (N, H)
    e = jax.nn.leaky_relu(el[src] + er[dst], 0.2)  # (E, H)
    emax = jax.ops.segment_max(e, dst, num_segments=N)
    ee = jnp.exp(e - jax.lax.stop_gradient(emax)[dst])
    denom = jax.ops.segment_sum(ee, dst, num_segments=N)
    alpha = ee / denom[dst]
    rst = jax.ops.segment_sum(alpha[:, :, None] * feat[src], dst, num_segments=N)
    return rst + b.reshape(1, H, 1)


def setup_inputs(seed: int = 0) -> dict:
    key = jax.random.key(seed)
    ks = jax.random.split(key, 16)
    s = 1.0 / np.sqrt(FEATS)
    sg = 1.0 / np.sqrt(HID)
    return {
        "data": jax.random.normal(ks[0], (FEATS, FEATS), jnp.float32),
        "hidden": jax.random.normal(ks[1], (1, 1, HID), jnp.float32),
        "W_feat": jax.random.normal(ks[2], (H, FEATS), jnp.float32) * s,
        "al_feat": jax.random.normal(ks[3], (H, 1), jnp.float32) * s,
        "ar_feat": jax.random.normal(ks[4], (H, 1), jnp.float32) * s,
        "b_feat": jnp.zeros((H,), jnp.float32),
        "W_time": jax.random.normal(ks[5], (H, FEATS), jnp.float32) * s,
        "al_time": jax.random.normal(ks[6], (H, 1), jnp.float32) * s,
        "ar_time": jax.random.normal(ks[7], (H, 1), jnp.float32) * s,
        "b_time": jnp.zeros((H,), jnp.float32),
        "W_ih": jax.random.normal(ks[8], (3 * HID, IN_GRU), jnp.float32) * sg,
        "W_hh": jax.random.normal(ks[9], (3 * HID, HID), jnp.float32) * sg,
        "b_ih": jax.random.normal(ks[10], (3 * HID,), jnp.float32) * sg,
        "b_hh": jax.random.normal(ks[11], (3 * HID,), jnp.float32) * sg,
    }


def reference(data, hidden, W_feat, al_feat, ar_feat, b_feat, W_time, al_time, ar_time, b_time, W_ih, W_hh, b_ih, b_hh):
    src, dst = _edges()
    data2 = data.reshape(FEATS, FEATS)
    zeros = jnp.zeros((1, FEATS), dtype=data2.dtype)
    data_r = jnp.concatenate([zeros, data2], axis=0)  # (N, FEATS)
    feat_r = _gat(data_r, W_feat, al_feat, ar_feat, b_feat, src, dst)  # (N, H, 1)
    data_t = jnp.concatenate([zeros, data2.T], axis=0)
    time_r = _gat(data_t, W_time, al_time, ar_time, b_time, src, dst)  # (N, H, 1)
    d3 = data_r.reshape(N, FEATS, 1)
    x = jnp.concatenate([d3, feat_r, time_r], axis=2).reshape(-1)  # (IN_GRU,)
    h0 = hidden.reshape(HID)
    gx = W_ih @ x + b_ih
    gh = W_hh @ h0 + b_hh
    xr, xz, xn = jnp.split(gx, 3)
    hr, hz, hn = jnp.split(gh, 3)
    r = jax.nn.sigmoid(xr + hr)
    z = jax.nn.sigmoid(xz + hz)
    n = jnp.tanh(xn + r * hn)
    h1 = (1.0 - z) * n + z * h0  # (HID,)
    # x_view has HID < OUT_SIZE elements -> zero-pad (matches torch branch)
    out = jnp.zeros((OUT_SIZE,), dtype=h1.dtype).at[:HID].set(h1)
    return out, h1.reshape(1, 1, HID)

if __name__ == "__main__":
    import jax
    _d = setup_inputs()
    print(jax.jit(kernel)(*tuple(_d.values())))

</pallas_src>

<mosaic_0001>
#map = affine_map<(d0, d1) -> (0, 0)>
#map1 = affine_map<(d0, d1) -> (0)>
module attributes {stable_mosaic.version = 14 : i64} {
  func.func @_sc_body(%arg0: i32, %arg1: i32, %arg2: memref<768x12480xf32, #tpu.memory_space<hbm>>, %arg3: memref<12480xf32, #tpu.memory_space<hbm>>, %arg4: memref<512xf32, #tpu.memory_space<hbm>>, %arg5: memref<12480xf32, #tpu.memory_space<vmem>>, %arg6: memref<2x4x12480xf32, #tpu.memory_space<vmem>>, %arg7: memref<16xf32, #tpu.memory_space<vmem>>, %arg8: memref<16xf32, #tpu.memory_space<vmem>>, %arg9: memref<2x!tpu.dma_semaphore, #tpu.memory_space<semaphore_mem>>) attributes {dimension_semantics = [#tpu.dimension_semantics<core_parallel>, #tpu.dimension_semantics<subcore_parallel>], iteration_bounds = array<i64: 2, 16>, scalar_prefetch = 0 : i64, scratch_operands = 5 : i64, tpu.core_type = #tpu.core_type<sc_vector_subcore>, window_params = [{transform_indices = #map}, {transform_indices = #map1}, {transform_indices = #map1}]} {
    %mul3A = arith.constant 2 : i32
    %mul3A_0 = arith.muli %arg1, %mul3A : i32
    %add3A = arith.addi %mul3A_0, %arg0 : i32
    %mul3A_1 = arith.constant 16 : i32
    %mul3A_2 = arith.muli %add3A, %mul3A_1 : i32
    "tpu.region"() ({
      %run_scoped3A = tpu.sem_alloc : memref<!tpu.dma_semaphore, #tpu.memory_space<semaphore_mem>>
      tpu.enqueue_dma source(%arg3 : memref<12480xf32, #tpu.memory_space<hbm>>) target(%arg5 : memref<12480xf32, #tpu.memory_space<vmem>>) target_semaphore(%run_scoped3A : memref<!tpu.dma_semaphore, #tpu.memory_space<semaphore_mem>>)
      tpu.wait_dma2 semaphore(%run_scoped3A : memref<!tpu.dma_semaphore, #tpu.memory_space<semaphore_mem>>) src(%arg3 : memref<12480xf32, #tpu.memory_space<hbm>>) dst(%arg5 : memref<12480xf32, #tpu.memory_space<vmem>>)
      tpu.yield
    }) : () -> ()
    %add3A_3 = arith.constant 0 : i32
    %add3A_4 = arith.addi %mul3A_2, %add3A_3 : i32
    %add3A_5 = arith.constant 4 : i32
    %add3A_6 = arith.addi %mul3A_2, %add3A_5 : i32
    %add3A_7 = arith.constant 8 : i32
    %add3A_8 = arith.addi %mul3A_2, %add3A_7 : i32
    %add3A_9 = arith.constant 12 : i32
    %add3A_10 = arith.addi %mul3A_2, %add3A_9 : i32
    %dma_start3A = arith.constant 0 : i32
    %dma_start3A_11 = arith.constant 0 : i32
    %dma_start3A_12 = arith.constant 0 : i32
    %dma_start3A_13 = arith.constant 0 : i32
    %dma_start3A_14 = tpu.memref_slice %arg6[%dma_start3A, %dma_start3A_12, %dma_start3A_13] : memref<2x4x12480xf32, #tpu.memory_space<vmem>> -> memref<1x4x12480xf32, #tpu.memory_space<vmem>>
    %dma_start3A_15 = tpu.memref_squeeze %dma_start3A_14 : memref<1x4x12480xf32, #tpu.memory_space<vmem>> -> memref<4x12480xf32, #tpu.memory_space<vmem>>
    %dma_start3A_16 = arith.constant 0 : i32
    %dma_start3A_17 = tpu.memref_slice %arg2[%add3A_4, %dma_start3A_16] : memref<768x12480xf32, #tpu.memory_space<hbm>> -> memref<4x12480xf32, #tpu.memory_space<hbm>>
    %dma_start3A_18 = tpu.memref_slice %arg9[%dma_start3A_11] : memref<2x!tpu.dma_semaphore, #tpu.memory_space<semaphore_mem>> -> memref<1x!tpu.dma_semaphore, #tpu.memory_space<semaphore_mem>>
    %dma_start3A_19 = tpu.memref_squeeze %dma_start3A_18 : memref<1x!tpu.dma_semaphore, #tpu.memory_space<semaphore_mem>> -> memref<!tpu.dma_semaphore, #tpu.memory_space<semaphore_mem>>
    %dma_start3A_20 = arith.constant 0 : i32
    %dma_start3A_21 = arith.constant 0 : i32
    %dma_start3A_22 = tpu.memref_slice %arg6[%dma_start3A, %dma_start3A_20, %dma_start3A_21] : memref<2x4x12480xf32, #tpu.memory_space<vmem>> -> memref<1x4x12480xf32, #tpu.memory_space<vmem>>
    %dma_start3A_23 = tpu.memref_squeeze %dma_start3A_22 : memref<1x4x12480xf32, #tpu.memory_space<vmem>> -> memref<4x12480xf32, #tpu.memory_space<vmem>>
    %dma_start3A_24 = arith.constant 0 : i32
    %dma_start3A_25 = tpu.memref_slice %arg2[%add3A_4, %dma_start3A_24] : memref<768x12480xf32, #tpu.memory_space<hbm>> -> memref<4x12480xf32, #tpu.memory_space<hbm>>
    tpu.enqueue_dma source(%dma_start3A_25 : memref<4x12480xf32, #tpu.memory_space<hbm>>) target(%dma_start3A_23 : memref<4x12480xf32, #tpu.memory_space<vmem>>) target_semaphore(%dma_start3A_19 : memref<!tpu.dma_semaphore, #tpu.memory_space<semaphore_mem>>)
    %iota3A = tpu.iota {dimensions = array<i32: 0>} : vector<16xi32>
    %broadcast_in_dim3A = arith.constant 0.000000e+00 : f32
    %broadcast_in_dim3A_26 = vector.broadcast %broadcast_in_dim3A : f32 to vector<16xf32>
    %dma_start3A_27 = arith.constant 1 : i32
    %dma_start3A_28 = arith.constant 1 : i32
    %dma_start3A_29 = arith.constant 0 : i32
    %dma_start3A_30 = arith.constant 0 : i32
    %dma_start3A_31 = tpu.memref_slice %arg6[%dma_start3A_27, %dma_start3A_29, %dma_start3A_30] : memref<2x4x12480xf32, #tpu.memory_space<vmem>> -> memref<1x4x12480xf32, #tpu.memory_space<vmem>>
    %dma_start3A_32 = tpu.memref_squeeze %dma_start3A_31 : memref<1x4x12480xf32, #tpu.memory_space<vmem>> -> memref<4x12480xf32, #tpu.memory_space<vmem>>
    %dma_start3A_33 = arith.constant 0 : i32
    %dma_start3A_34 = tpu.memref_slice %arg2[%add3A_6, %dma_start3A_33] : memref<768x12480xf32, #tpu.memory_space<hbm>> -> memref<4x12480xf32, #tpu.memory_space<hbm>>
    %dma_start3A_35 = tpu.memref_slice %arg9[%dma_start3A_28] : memref<2x!tpu.dma_semaphore, #tpu.memory_space<semaphore_mem>> -> memref<1x!tpu.dma_semaphore, #tpu.memory_space<semaphore_mem>>
    %dma_start3A_36 = tpu.memref_squeeze %dma_start3A_35 : memref<1x!tpu.dma_semaphore, #tpu.memory_space<semaphore_mem>> -> memref<!tpu.dma_semaphore, #tpu.memory_space<semaphore_mem>>
    %dma_start3A_37 = arith.constant 0 : i32
    %dma_start3A_38 = arith.constant 0 : i32
    %dma_start3A_39 = tpu.memref_slice %arg6[%dma_start3A_27, %dma_start3A_37, %dma_start3A_38] : memref<2x4x12480xf32, #tpu.memory_space<vmem>> -> memref<1x4x12480xf32, #tpu.memory_space<vmem>>
    %dma_start3A_40 = tpu.memref_squeeze %dma_start3A_39 : memref<1x4x12480xf32, #tpu.memory_space<vmem>> -> memref<4x12480xf32, #tpu.memory_space<vmem>>
    %dma_start3A_41 = arith.constant 0 : i32
    %dma_start3A_42 = tpu.memref_slice %arg2[%add3A_6, %dma_start3A_41] : memref<768x12480xf32, #tpu.memory_space<hbm>> -> memref<4x12480xf32, #tpu.memory_space<hbm>>
    tpu.enqueue_dma source(%dma_start3A_42 : memref<4x12480xf32, #tpu.memory_space<hbm>>) target(%dma_start3A_40 : memref<4x12480xf32, #tpu.memory_space<vmem>>) target_semaphore(%dma_start3A_36 : memref<!tpu.dma_semaphore, #tpu.memory_space<semaphore_mem>>)
    %dma_wait3A = arith.constant 0 : i32
    %dma_wait3A_43 = arith.constant 0 : i32
    %dma_wait3A_44 = arith.constant 0 : i32
    %dma_wait3A_45 = arith.constant 0 : i32
    %dma_wait3A_46 = tpu.memref_slice %arg6[%dma_wait3A, %dma_wait3A_44, %dma_wait3A_45] : memref<2x4x12480xf32, #tpu.memory_space<vmem>> -> memref<1x4x12480xf32, #tpu.memory_space<vmem>>
    %dma_wait3A_47 = tpu.memref_squeeze %dma_wait3A_46 : memref<1x4x12480xf32, #tpu.memory_space<vmem>> -> memref<4x12480xf32, #tpu.memory_space<vmem>>
    %dma_wait3A_48 = arith.constant 0 : i32
    %dma_wait3A_49 = tpu.memref_slice %arg2[%add3A_4, %dma_wait3A_48] : memref<768x12480xf32, #tpu.memory_space<hbm>> -> memref<4x12480xf32, #tpu.memory_space<hbm>>
    %dma_wait3A_50 = tpu.memref_slice %arg9[%dma_wait3A_43] : memref<2x!tpu.dma_semaphore, #tpu.memory_space<semaphore_mem>> -> memref<1x!tpu.dma_semaphore, #tpu.memory_space<semaphore_mem>>
    %dma_wait3A_51 = tpu.memref_squeeze %dma_wait3A_50 : memref<1x!tpu.dma_semaphore, #tpu.memory_space<semaphore_mem>> -> memref<!tpu.dma_semaphore, #tpu.memory_space<semaphore_mem>>
    %dma_wait3A_52 = arith.constant 0 : i32
    %dma_wait3A_53 = arith.constant 0 : i32
    %dma_wait3A_54 = tpu.memref_slice %arg6[%dma_wait3A, %dma_wait3A_52, %dma_wait3A_53] : memref<2x4x12480xf32, #tpu.memory_space<vmem>> -> memref<1x4x12480xf32, #tpu.memory_space<vmem>>
    %dma_wait3A_55 = tpu.memref_squeeze %dma_wait3A_54 : memref<1x4x12480xf32, #tpu.memory_space<vmem>> -> memref<4x12480xf32, #tpu.memory_space<vmem>>
    %dma_wait3A_56 = arith.constant 0 : i32
    %dma_wait3A_57 = tpu.memref_slice %arg2[%add3A_4, %dma_wait3A_56] : memref<768x12480xf32, #tpu.memory_space<hbm>> -> memref<4x12480xf32, #tpu.memory_space<hbm>>
    tpu.wait_dma2 semaphore(%dma_wait3A_51 : memref<!tpu.dma_semaphore, #tpu.memory_space<semaphore_mem>>) src(%dma_wait3A_57 : memref<4x12480xf32, #tpu.memory_space<hbm>>) dst(%dma_wait3A_55 : memref<4x12480xf32, #tpu.memory_space<vmem>>)
    %broadcast_in_dim3A_58 = arith.constant 0.000000e+00 : f32
    %broadcast_in_dim3A_59 = vector.broadcast %broadcast_in_dim3A_58 : f32 to vector<16xf32>
    %broadcast_in_dim3A_60 = arith.constant 0.000000e+00 : f32
    %broadcast_in_dim3A_61 = vector.broadcast %broadcast_in_dim3A_60 : f32 to vector<16xf32>
    %broadcast_in_dim3A_62 = arith.constant 0.000000e+00 : f32
    %broadcast_in_dim3A_63 = vector.broadcast %broadcast_in_dim3A_62 : f32 to vector<16xf32>
    %broadcast_in_dim3A_64 = arith.constant 0.000000e+00 : f32
    %broadcast_in_dim3A_65 = vector.broadcast %broadcast_in_dim3A_64 : f32 to vector<16xf32>
    %scan3A = arith.constant 0 : i32
    %scan3A_66 = arith.constant 195 : i32
    %scan3A_67 = arith.addi %scan3A, %scan3A_66 : i32
    %scan3A_68 = arith.constant 1 : i32
    %scan3A_69:4 = scf.for %scan3A_894 = %scan3A to %scan3A_67 step %scan3A_68 iter_args(%scan3A_895 = %broadcast_in_dim3A_59, %scan3A_896 = %broadcast_in_dim3A_61, %scan3A_897 = %broadcast_in_dim3A_63, %scan3A_898 = %broadcast_in_dim3A_65) -> (vector<16xf32>, vector<16xf32>, vector<16xf32>, vector<16xf32>)  : i32 {
      %mul3A_899 = arith.constant 4 : i32
      %mul3A_900 = arith.muli %scan3A_894, %mul3A_899 : i32
      %add3A_901 = arith.constant 0 : i32
      %add3A_902 = arith.addi %mul3A_900, %add3A_901 : i32
      %mul3A_903 = arith.constant 16 : i32
      %mul3A_904 = arith.muli %add3A_902, %mul3A_903 : i32
      %get3A = arith.index_cast %mul3A_904 : i32 to index
      %get3A_905 = tpu.vector_load %arg5[%get3A] {strides = array<i32>} : memref<12480xf32, #tpu.memory_space<vmem>>, vector<16xf32>,
      %get3A_906 = arith.constant 0 : i32
      %get3A_907 = arith.constant 0 : i32
      %get3A_908 = arith.index_cast %get3A_906 : i32 to index
      %get3A_909 = arith.index_cast %get3A_907 : i32 to index
      %get3A_910 = arith.index_cast %mul3A_904 : i32 to index
      %get3A_911 = tpu.vector_load %arg6[%get3A_908, %get3A_909, %get3A_910] {strides = array<i32>} : memref<2x4x12480xf32, #tpu.memory_space<vmem>>, vector<16xf32>,
      %mul3A_912 = arith.mulf %get3A_911, %get3A_905 : vector<16xf32>
      %add3A_913 = arith.addf %scan3A_895, %mul3A_912 : vector<16xf32>
      %get3A_914 = arith.constant 0 : i32
      %get3A_915 = arith.constant 1 : i32
      %get3A_916 = arith.index_cast %get3A_914 : i32 to index
      %get3A_917 = arith.index_cast %get3A_915 : i32 to index
      %get3A_918 = arith.index_cast %mul3A_904 : i32 to index
      %get3A_919 = tpu.vector_load %arg6[%get3A_916, %get3A_917, %get3A_918] {strides = array<i32>} : memref<2x4x12480xf32, #tpu.memory_space<vmem>>, vector<16xf32>,
      %mul3A_920 = arith.mulf %get3A_919, %get3A_905 : vector<16xf32>
      %add3A_921 = arith.addf %scan3A_896, %mul3A_920 : vector<16xf32>
      %get3A_922 = arith.constant 0 : i32
      %get3A_923 = arith.constant 2 : i32
      %get3A_924 = arith.index_cast %get3A_922 : i32 to index
      %get3A_925 = arith.index_cast %get3A_923 : i32 to index
      %get3A_926 = arith.index_cast %mul3A_904 : i32 to index
      %get3A_927 = tpu.vector_load %arg6[%get3A_924, %get3A_925, %get3A_926] {strides = array<i32>} : memref<2x4x12480xf32, #tpu.memory_space<vmem>>, vector<16xf32>,
      %mul3A_928 = arith.mulf %get3A_927, %get3A_905 : vector<16xf32>
      %add3A_929 = arith.addf %scan3A_897, %mul3A_928 : vector<16xf32>
      %get3A_930 = arith.constant 0 : i32
      %get3A_931 = arith.constant 3 : i32
      %get3A_932 = arith.index_cast %get3A_930 : i32 to index
      %get3A_933 = arith.index_cast %get3A_931 : i32 to index
      %get3A_934 = arith.index_cast %mul3A_904 : i32 to index
      %get3A_935 = tpu.vector_load %arg6[%get3A_932, %get3A_933, %get3A_934] {strides = array<i32>} : memref<2x4x12480xf32, #tpu.memory_space<vmem>>, vector<16xf32>,
      %mul3A_936 = arith.mulf %get3A_935, %get3A_905 : vector<16xf32>
      %add3A_937 = arith.addf %scan3A_898, %mul3A_936 : vector<16xf32>
      %mul3A_938 = arith.constant 4 : i32
      %mul3A_939 = arith.muli %scan3A_894, %mul3A_938 : i32
      %add3A_940 = arith.constant 1 : i32
      %add3A_941 = arith.addi %mul3A_939, %add3A_940 : i32
      %mul3A_942 = arith.constant 16 : i32
      %mul3A_943 = arith.muli %add3A_941, %mul3A_942 : i32
      %get3A_944 = arith.index_cast %mul3A_943 : i32 to index
      %get3A_945 = tpu.vector_load %arg5[%get3A_944] {strides = array<i32>} : memref<12480xf32, #tpu.memory_space<vmem>>, vector<16xf32>,
      %get3A_946 = arith.constant 0 : i32
      %get3A_947 = arith.constant 0 : i32
      %get3A_948 = arith.index_cast %get3A_946 : i32 to index
      %get3A_949 = arith.index_cast %get3A_947 : i32 to index
      %get3A_950 = arith.index_cast %mul3A_943 : i32 to index
      %get3A_951 = tpu.vector_load %arg6[%get3A_948, %get3A_949, %get3A_950] {strides = array<i32>} : memref<2x4x12480xf32, #tpu.memory_space<vmem>>, vector<16xf32>,
      %mul3A_952 = arith.mulf %get3A_951, %get3A_945 : vector<16xf32>
      %add3A_953 = arith.addf %add3A_913, %mul3A_952 : vector<16xf32>
      %get3A_954 = arith.constant 0 : i32
      %get3A_955 = arith.constant 1 : i32
      %get3A_956 = arith.index_cast %get3A_954 : i32 to index
      %get3A_957 = arith.index_cast %get3A_955 : i32 to index
      %get3A_958 = arith.index_cast %mul3A_943 : i32 to index
      %get3A_959 = tpu.vector_load %arg6[%get3A_956, %get3A_957, %get3A_958] {strides = array<i32>} : memref<2x4x12480xf32, #tpu.memory_space<vmem>>, vector<16xf32>,
      %mul3A_960 = arith.mulf %get3A_959, %get3A_945 : vector<16xf32>
      %add3A_961 = arith.addf %add3A_921, %mul3A_960 : vector<16xf32>
      %get3A_962 = arith.constant 0 : i32
      %get3A_963 = arith.constant 2 : i32
      %get3A_964 = arith.index_cast %get3A_962 : i32 to index
      %get3A_965 = arith.index_cast %get3A_963 : i32 to index
      %get3A_966 = arith.index_cast %mul3A_943 : i32 to index
      %get3A_967 = tpu.vector_load %arg6[%get3A_964, %get3A_965, %get3A_966] {strides = array<i32>} : memref<2x4x12480xf32, #tpu.memory_space<vmem>>, vector<16xf32>,
      %mul3A_968 = arith.mulf %get3A_967, %get3A_945 : vector<16xf32>
      %add3A_969 = arith.addf %add3A_929, %mul3A_968 : vector<16xf32>
      %get3A_970 = arith.constant 0 : i32
      %get3A_971 = arith.constant 3 : i32
      %get3A_972 = arith.index_cast %get3A_970 : i32 to index
      %get3A_973 = arith.index_cast %get3A_971 : i32 to index
      %get3A_974 = arith.index_cast %mul3A_943 : i32 to index
      %get3A_975 = tpu.vector_load %arg6[%get3A_972, %get3A_973, %get3A_974] {strides = array<i32>} : memref<2x4x12480xf32, #tpu.memory_space<vmem>>, vector<16xf32>,
      %mul3A_976 = arith.mulf %get3A_975, %get3A_945 : vector<16xf32>
      %add3A_977 = arith.addf %add3A_937, %mul3A_976 : vector<16xf32>
      %mul3A_978 = arith.constant 4 : i32
      %mul3A_979 = arith.muli %scan3A_894, %mul3A_978 : i32
      %add3A_980 = arith.constant 2 : i32
      %add3A_981 = arith.addi %mul3A_979, %add3A_980 : i32
      %mul3A_982 = arith.constant 16 : i32
      %mul3A_983 = arith.muli %add3A_981, %mul3A_982 : i32
      %get3A_984 = arith.index_cast %mul3A_983 : i32 to index
      %get3A_985 = tpu.vector_load %arg5[%get3A_984] {strides = array<i32>} : memref<12480xf32, #tpu.memory_space<vmem>>, vector<16xf32>,
      %get3A_986 = arith.constant 0 : i32
      %get3A_987 = arith.constant 0 : i32
      %get3A_988 = arith.index_cast %get3A_986 : i32 to index
      %get3A_989 = arith.index_cast %get3A_987 : i32 to index
      %get3A_990 = arith.index_cast %mul3A_983 : i32 to index
      %get3A_991 = tpu.vector_load %arg6[%get3A_988, %get3A_989, %get3A_990] {strides = array<i32>} : memref<2x4x12480xf32, #tpu.memory_space<vmem>>, vector<16xf32>,
      %mul3A_992 = arith.mulf %get3A_991, %get3A_985 : vector<16xf32>
      %add3A_993 = arith.addf %add3A_953, %mul3A_992 : vector<16xf32>
      %get3A_994 = arith.constant 0 : i32
      %get3A_995 = arith.constant 1 : i32
      %get3A_996 = arith.index_cast %get3A_994 : i32 to index
      %get3A_997 = arith.index_cast %get3A_995 : i32 to index
      %get3A_998 = arith.index_cast %mul3A_983 : i32 to index
      %get3A_999 = tpu.vector_load %arg6[%get3A_996, %get3A_997, %get3A_998] {strides = array<i32>} : memref<2x4x12480xf32, #tpu.memory_space<vmem>>, vector<16xf32>,
      %mul3A_1000 = arith.mulf %get3A_999, %get3A_985 : vector<16xf32>
      %add3A_1001 = arith.addf %add3A_961, %mul3A_1000 : vector<16xf32>
      %get3A_1002 = arith.constant 0 : i32
      %get3A_1003 = arith.constant 2 : i32
      %get3A_1004 = arith.index_cast %get3A_1002 : i32 to index
      %get3A_1005 = arith.index_cast %get3A_1003 : i32 to index
      %get3A_1006 = arith.index_cast %mul3A_983 : i32 to index
      %get3A_1007 = tpu.vector_load %arg6[%get3A_1004, %get3A_1005, %get3A_1006] {strides = array<i32>} : memref<2x4x12480xf32, #tpu.memory_space<vmem>>, vector<16xf32>,
      %mul3A_1008 = arith.mulf %get3A_1007, %get3A_985 : vector<16xf32>
      %add3A_1009 = arith.addf %add3A_969, %mul3A_1008 : vector<16xf32>
      %get3A_1010 = arith.constant 0 : i32
      %get3A_1011 = arith.constant 3 : i32
      %get3A_1012 = arith.index_cast %get3A_1010 : i32 to index
      %get3A_1013 = arith.index_cast %get3A_1011 : i32 to index
      %get3A_1014 = arith.index_cast %mul3A_983 : i32 to index
      %get3A_1015 = tpu.vector_load %arg6[%get3A_1012, %get3A_1013, %get3A_1014] {strides = array<i32>} : memref<2x4x12480xf32, #tpu.memory_space<vmem>>, vector<16xf32>,
      %mul3A_1016 = arith.mulf %get3A_1015, %get3A_985 : vector<16xf32>
      %add3A_1017 = arith.addf %add3A_977, %mul3A_1016 : vector<16xf32>
      %mul3A_1018 = arith.constant 4 : i32
      %mul3A_1019 = arith.muli %scan3A_894, %mul3A_1018 : i32
      %add3A_1020 = arith.constant 3 : i32
      %add3A_1021 = arith.addi %mul3A_1019, %add3A_1020 : i32
      %mul3A_1022 = arith.constant 16 : i32
      %mul3A_1023 = arith.muli %add3A_1021, %mul3A_1022 : i32
      %get3A_1024 = arith.index_cast %mul3A_1023 : i32 to index
      %get3A_1025 = tpu.vector_load %arg5[%get3A_1024] {strides = array<i32>} : memref<12480xf32, #tpu.memory_space<vmem>>, vector<16xf32>,
      %get3A_1026 = arith.constant 0 : i32
      %get3A_1027 = arith.constant 0 : i32
      %get3A_1028 = arith.index_cast %get3A_1026 : i32 to index
      %get3A_1029 = arith.index_cast %get3A_1027 : i32 to index
      %get3A_1030 = arith.index_cast %mul3A_1023 : i32 to index
      %get3A_1031 = tpu.vector_load %arg6[%get3A_1028, %get3A_1029, %get3A_1030] {strides = array<i32>} : memref<2x4x12480xf32, #tpu.memory_space<vmem>>, vector<16xf32>,
      %mul3A_1032 = arith.mulf %get3A_1031, %get3A_1025 : vector<16xf32>
      %add3A_1033 = arith.addf %add3A_993, %mul3A_1032 : vector<16xf32>
      %get3A_1034 = arith.constant 0 : i32
      %get3A_1035 = arith.constant 1 : i32
      %get3A_1036 = arith.index_cast %get3A_1034 : i32 to index
      %get3A_1037 = arith.index_cast %get3A_1035 : i32 to index
      %get3A_1038 = arith.index_cast %mul3A_1023 : i32 to index
      %get3A_1039 = tpu.vector_load %arg6[%get3A_1036, %get3A_1037, %get3A_1038] {strides = array<i32>} : memref<2x4x12480xf32, #tpu.memory_space<vmem>>, vector<16xf32>,
      %mul3A_1040 = arith.mulf %get3A_1039, %get3A_1025 : vector<16xf32>
      %add3A_1041 = arith.addf %add3A_1001, %mul3A_1040 : vector<16xf32>
      %get3A_1042 = arith.constant 0 : i32
      %get3A_1043 = arith.constant 2 : i32
      %get3A_1044 = arith.index_cast %get3A_1042 : i32 to index
      %get3A_1045 = arith.index_cast %get3A_1043 : i32 to index
      %get3A_1046 = arith.index_cast %mul3A_1023 : i32 to index
      %get3A_1047 = tpu.vector_load %arg6[%get3A_1044, %get3A_1045, %get3A_1046] {strides = array<i32>} : memref<2x4x12480xf32, #tpu.memory_space<vmem>>, vector<16xf32>,
      %mul3A_1048 = arith.mulf %get3A_1047, %get3A_1025 : vector<16xf32>
      %add3A_1049 = arith.addf %add3A_1009, %mul3A_1048 : vector<16xf32>
      %get3A_1050 = arith.constant 0 : i32
      %get3A_1051 = arith.constant 3 : i32
      %get3A_1052 = arith.index_cast %get3A_1050 : i32 to index
      %get3A_1053 = arith.index_cast %get3A_1051 : i32 to index
      %get3A_1054 = arith.index_cast %mul3A_1023 : i32 to index
      %get3A_1055 = tpu.vector_load %arg6[%get3A_1052, %get3A_1053, %get3A_1054] {strides = array<i32>} : memref<2x4x12480xf32, #tpu.memory_space<vmem>>, vector<16xf32>,
      %mul3A_1056 = arith.mulf %get3A_1055, %get3A_1025 : vector<16xf32>
      %add3A_1057 = arith.addf %add3A_1017, %mul3A_1056 : vector<16xf32>
      scf.yield %add3A_1033, %add3A_1041, %add3A_1049, %add3A_1057 : vector<16xf32>, vector<16xf32>, vector<16xf32>, vector<16xf32>
    }
    %scan3A_70 = arith.constant 195 : i32
    %swap3A = arith.constant 0 : index
    %swap3A_71 = tpu.vector_load %arg8[%swap3A] {strides = array<i32>} : memref<16xf32, #tpu.memory_space<vmem>>, vector<16xf32>,
    tpu.vector_store %arg8[%swap3A], %scan3A_69#0 {strides = array<i32>} : memref<16xf32, #tpu.memory_space<vmem>>, vector<16xf32>,
    %add3A_72 = arith.constant 8 : i32
    %add3A_73 = vector.broadcast %add3A_72 : i32 to vector<16xi32>
    %add3A_74 = arith.addi %iota3A, %add3A_73 : vector<16xi32>
    %and3A = arith.constant 15 : i32
    %and3A_75 = vector.broadcast %and3A : i32 to vector<16xi32>
    %and3A_76 = arith.andi %add3A_74, %and3A_75 : vector<16xi32>
    %gather3A = tpu.vector_load_idx %arg8[%and3A_76] : memref<16xf32, #tpu.memory_space<vmem>>[vector<16xi32>], vector<16xf32>,
    %add3A_77 = arith.addf %scan3A_69#0, %gather3A : vector<16xf32>
    %swap3A_78 = arith.constant 0 : index
    %swap3A_79 = tpu.vector_load %arg8[%swap3A_78] {strides = array<i32>} : memref<16xf32, #tpu.memory_space<vmem>>, vector<16xf32>,
    tpu.vector_store %arg8[%swap3A_78], %add3A_77 {strides = array<i32>} : memref<16xf32, #tpu.memory_space<vmem>>, vector<16xf32>,
    %add3A_80 = arith.constant 4 : i32
    %add3A_81 = vector.broadcast %add3A_80 : i32 to vector<16xi32>
    %add3A_82 = arith.addi %iota3A, %add3A_81 : vector<16xi32>
    %and3A_83 = arith.constant 15 : i32
    %and3A_84 = vector.broadcast %and3A_83 : i32 to vector<16xi32>
    %and3A_85 = arith.andi %add3A_82, %and3A_84 : vector<16xi32>
    %gather3A_86 = tpu.vector_load_idx %arg8[%and3A_85] : memref<16xf32, #tpu.memory_space<vmem>>[vector<16xi32>], vector<16xf32>,
    %add3A_87 = arith.addf %add3A_77, %gather3A_86 : vector<16xf32>
    %swap3A_88 = arith.constant 0 : index
    %swap3A_89 = tpu.vector_load %arg8[%swap3A_88] {strides = array<i32>} : memref<16xf32, #tpu.memory_space<vmem>>, vector<16xf32>,
    tpu.vector_store %arg8[%swap3A_88], %add3A_87 {strides = array<i32>} : memref<16xf32, #tpu.memory_space<vmem>>, vector<16xf32>,
    %add3A_90 = arith.constant 2 : i32
    %add3A_91 = vector.broadcast %add3A_90 : i32 to vector<16xi32>
    %add3A_92 = arith.addi %iota3A, %add3A_91 : vector<16xi32>
    %and3A_93 = arith.constant 15 : i32
    %and3A_94 = vector.broadcast %and3A_93 : i32 to vector<16xi32>
    %and3A_95 = arith.andi %add3A_92, %and3A_94 : vector<16xi32>
    %gather3A_96 = tpu.vector_load_idx %arg8[%and3A_95] : memref<16xf32, #tpu.memory_space<vmem>>[vector<16xi32>], vector<16xf32>,
    %add3A_97 = arith.addf %add3A_87, %gather3A_96 : vector<16xf32>
    %swap3A_98 = arith.constant 0 : index
    %swap3A_99 = tpu.vector_load %arg8[%swap3A_98] {strides = array<i32>} : memref<16xf32, #tpu.memory_space<vmem>>, vector<16xf32>,
    tpu.vector_store %arg8[%swap3A_98], %add3A_97 {strides = array<i32>} : memref<16xf32, #tpu.memory_space<vmem>>, vector<16xf32>,
    %add3A_100 = arith.constant 1 : i32
    %add3A_101 = vector.broadcast %add3A_100 : i32 to vector<16xi32>
    %add3A_102 = arith.addi %iota3A, %add3A_101 : vector<16xi32>
    %and3A_103 = arith.constant 15 : i32
    %and3A_104 = vector.broadcast %and3A_103 : i32 to vector<16xi32>
    %and3A_105 = arith.andi %add3A_102, %and3A_104 : vector<16xi32>
    %gather3A_106 = tpu.vector_load_idx %arg8[%and3A_105] : memref<16xf32, #tpu.memory_space<vmem>>[vector<16xi32>], vector<16xf32>,
    %add3A_107 = arith.addf %add3A_97, %gather3A_106 : vector<16xf32>
    %eq3A = arith.constant 0 : i32
    %eq3A_108 = vector.broadcast %eq3A : i32 to vector<16xi32>
    %eq3A_109 = arith.cmpi eq, %iota3A, %eq3A_108 : vector<16xi32>
    %select_n3A = arith.select %eq3A_109, %add3A_107, %broadcast_in_dim3A_26 : vector<16xi1>, vector<16xf32>
    %swap3A_110 = arith.constant 0 : index
    %swap3A_111 = tpu.vector_load %arg8[%swap3A_110] {strides = array<i32>} : memref<16xf32, #tpu.memory_space<vmem>>, vector<16xf32>,
    tpu.vector_store %arg8[%swap3A_110], %scan3A_69#1 {strides = array<i32>} : memref<16xf32, #tpu.memory_space<vmem>>, vector<16xf32>,
    %add3A_112 = arith.constant 8 : i32
    %add3A_113 = vector.broadcast %add3A_112 : i32 to vector<16xi32>
    %add3A_114 = arith.addi %iota3A, %add3A_113 : vector<16xi32>
    %and3A_115 = arith.constant 15 : i32
    %and3A_116 = vector.broadcast %and3A_115 : i32 to vector<16xi32>
    %and3A_117 = arith.andi %add3A_114, %and3A_116 : vector<16xi32>
    %gather3A_118 = tpu.vector_load_idx %arg8[%and3A_117] : memref<16xf32, #tpu.memory_space<vmem>>[vector<16xi32>], vector<16xf32>,
    %add3A_119 = arith.addf %scan3A_69#1, %gather3A_118 : vector<16xf32>
    %swap3A_120 = arith.constant 0 : index
    %swap3A_121 = tpu.vector_load %arg8[%swap3A_120] {strides = array<i32>} : memref<16xf32, #tpu.memory_space<vmem>>, vector<16xf32>,
    tpu.vector_store %arg8[%swap3A_120], %add3A_119 {strides = array<i32>} : memref<16xf32, #tpu.memory_space<vmem>>, vector<16xf32>,
    %add3A_122 = arith.constant 4 : i32
    %add3A_123 = vector.broadcast %add3A_122 : i32 to vector<16xi32>
    %add3A_124 = arith.addi %iota3A, %add3A_123 : vector<16xi32>
    %and3A_125 = arith.constant 15 : i32
    %and3A_126 = vector.broadcast %and3A_125 : i32 to vector<16xi32>
    %and3A_127 = arith.andi %add3A_124, %and3A_126 : vector<16xi32>
    %gather3A_128 = tpu.vector_load_idx %arg8[%and3A_127] : memref<16xf32, #tpu.memory_space<vmem>>[vector<16xi32>], vector<16xf32>,
    %add3A_129 = arith.addf %add3A_119, %gather3A_128 : vector<16xf32>
    %swap3A_130 = arith.constant 0 : index
    %swap3A_131 = tpu.vector_load %arg8[%swap3A_130] {strides = array<i32>} : memref<16xf32, #tpu.memory_space<vmem>>, vector<16xf32>,
    tpu.vector_store %arg8[%swap3A_130], %add3A_129 {strides = array<i32>} : memref<16xf32, #tpu.memory_space<vmem>>, vector<16xf32>,
    %add3A_132 = arith.constant 2 : i32
    %add3A_133 = vector.broadcast %add3A_132 : i32 to vector<16xi32>
    %add3A_134 = arith.addi %iota3A, %add3A_133 : vector<16xi32>
    %and3A_135 = arith.constant 15 : i32
    %and3A_136 = vector.broadcast %and3A_135 : i32 to vector<16xi32>
    %and3A_137 = arith.andi %add3A_134, %and3A_136 : vector<16xi32>
    %gather3A_138 = tpu.vector_load_idx %arg8[%and3A_137] : memref<16xf32, #tpu.memory_space<vmem>>[vector<16xi32>], vector<16xf32>,
    %add3A_139 = arith.addf %add3A_129, %gather3A_138 : vector<16xf32>
    %swap3A_140 = arith.constant 0 : index
    %swap3A_141 = tpu.vector_load %arg8[%swap3A_140] {strides = array<i32>} : memref<16xf32, #tpu.memory_space<vmem>>, vector<16xf32>,
    tpu.vector_store %arg8[%swap3A_140], %add3A_139 {strides = array<i32>} : memref<16xf32, #tpu.memory_space<vmem>>, vector<16xf32>,
    %add3A_142 = arith.constant 1 : i32
    %add3A_143 = vector.broadcast %add3A_142 : i32 to vector<16xi32>
    %add3A_144 = arith.addi %iota3A, %add3A_143 : vector<16xi32>
    %and3A_145 = arith.constant 15 : i32
    %and3A_146 = vector.broadcast %and3A_145 : i32 to vector<16xi32>
    %and3A_147 = arith.andi %add3A_144, %and3A_146 : vector<16xi32>
    %gather3A_148 = tpu.vector_load_idx %arg8[%and3A_147] : memref<16xf32, #tpu.memory_space<vmem>>[vector<16xi32>], vector<16xf32>,
    %add3A_149 = arith.addf %add3A_139, %gather3A_148 : vector<16xf32>
    %eq3A_150 = arith.constant 1 : i32
    %eq3A_151 = vector.broadcast %eq3A_150 : i32 to vector<16xi32>
    %eq3A_152 = arith.cmpi eq, %iota3A, %eq3A_151 : vector<16xi32>
    %select_n3A_153 = arith.select %eq3A_152, %add3A_149, %select_n3A : vector<16xi1>, vector<16xf32>
    %swap3A_154 = arith.constant 0 : index
    %swap3A_155 = tpu.vector_load %arg8[%swap3A_154] {strides = array<i32>} : memref<16xf32, #tpu.memory_space<vmem>>, vector<16xf32>,
    tpu.vector_store %arg8[%swap3A_154], %scan3A_69#2 {strides = array<i32>} : memref<16xf32, #tpu.memory_space<vmem>>, vector<16xf32>,
    %add3A_156 = arith.constant 8 : i32
    %add3A_157 = vector.broadcast %add3A_156 : i32 to vector<16xi32>
    %add3A_158 = arith.addi %iota3A, %add3A_157 : vector<16xi32>
    %and3A_159 = arith.constant 15 : i32
    %and3A_160 = vector.broadcast %and3A_159 : i32 to vector<16xi32>
    %and3A_161 = arith.andi %add3A_158, %and3A_160 : vector<16xi32>
    %gather3A_162 = tpu.vector_load_idx %arg8[%and3A_161] : memref<16xf32, #tpu.memory_space<vmem>>[vector<16xi32>], vector<16xf32>,
    %add3A_163 = arith.addf %scan3A_69#2, %gather3A_162 : vector<16xf32>
    %swap3A_164 = arith.constant 0 : index
    %swap3A_165 = tpu.vector_load %arg8[%swap3A_164] {strides = array<i32>} : memref<16xf32, #tpu.memory_space<vmem>>, vector<16xf32>,
    tpu.vector_store %arg8[%swap3A_164], %add3A_163 {strides = array<i32>} : memref<16xf32, #tpu.memory_space<vmem>>, vector<16xf32>,
    %add3A_166 = arith.constant 4 : i32
    %add3A_167 = vector.broadcast %add3A_166 : i32 to vector<16xi32>
    %add3A_168 = arith.addi %iota3A, %add3A_167 : vector<16xi32>
    %and3A_169 = arith.constant 15 : i32
    %and3A_170 = vector.broadcast %and3A_169 : i32 to vector<16xi32>
    %and3A_171 = arith.andi %add3A_168, %and3A_170 : vector<16xi32>
    %gather3A_172 = tpu.vector_load_idx %arg8[%and3A_171] : memref<16xf32, #tpu.memory_space<vmem>>[vector<16xi32>], vector<16xf32>,
    %add3A_173 = arith.addf %add3A_163, %gather3A_172 : vector<16xf32>
    %swap3A_174 = arith.constant 0 : index
    %swap3A_175 = tpu.vector_load %arg8[%swap3A_174] {strides = array<i32>} : memref<16xf32, #tpu.memory_space<vmem>>, vector<16xf32>,
    tpu.vector_store %arg8[%swap3A_174], %add3A_173 {strides = array<i32>} : memref<16xf32, #tpu.memory_space<vmem>>, vector<16xf32>,
    %add3A_176 = arith.constant 2 : i32
    %add3A_177 = vector.broadcast %add3A_176 : i32 to vector<16xi32>
    %add3A_178 = arith.addi %iota3A, %add3A_177 : vector<16xi32>
    %and3A_179 = arith.constant 15 : i32
    %and3A_180 = vector.broadcast %and3A_179 : i32 to vector<16xi32>
    %and3A_181 = arith.andi %add3A_178, %and3A_180 : vector<16xi32>
    %gather3A_182 = tpu.vector_load_idx %arg8[%and3A_181] : memref<16xf32, #tpu.memory_space<vmem>>[vector<16xi32>], vector<16xf32>,
    %add3A_183 = arith.addf %add3A_173, %gather3A_182 : vector<16xf32>
    %swap3A_184 = arith.constant 0 : index
    %swap3A_185 = tpu.vector_load %arg8[%swap3A_184] {strides = array<i32>} : memref<16xf32, #tpu.memory_space<vmem>>, vector<16xf32>,
    tpu.vector_store %arg8[%swap3A_184], %add3A_183 {strides = array<i32>} : memref<16xf32, #tpu.memory_space<vmem>>, vector<16xf32>,
    %add3A_186 = arith.constant 1 : i32
    %add3A_187 = vector.broadcast %add3A_186 : i32 to vector<16xi32>
    %add3A_188 = arith.addi %iota3A, %add3A_187 : vector<16xi32>
    %and3A_189 = arith.constant 15 : i32
    %and3A_190 = vector.broadcast %and3A_189 : i32 to vector<16xi32>
    %and3A_191 = arith.andi %add3A_188, %and3A_190 : vector<16xi32>
    %gather3A_192 = tpu.vector_load_idx %arg8[%and3A_191] : memref<16xf32, #tpu.memory_space<vmem>>[vector<16xi32>], vector<16xf32>,
    %add3A_193 = arith.addf %add3A_183, %gather3A_192 : vector<16xf32>
    %eq3A_194 = arith.constant 2 : i32
    %eq3A_195 = vector.broadcast %eq3A_194 : i32 to vector<16xi32>
    %eq3A_196 = arith.cmpi eq, %iota3A, %eq3A_195 : vector<16xi32>
    %select_n3A_197 = arith.select %eq3A_196, %add3A_193, %select_n3A_153 : vector<16xi1>, vector<16xf32>
    %swap3A_198 = arith.constant 0 : index
    %swap3A_199 = tpu.vector_load %arg8[%swap3A_198] {strides = array<i32>} : memref<16xf32, #tpu.memory_space<vmem>>, vector<16xf32>,
    tpu.vector_store %arg8[%swap3A_198], %scan3A_69#3 {strides = array<i32>} : memref<16xf32, #tpu.memory_space<vmem>>, vector<16xf32>,
    %add3A_200 = arith.constant 8 : i32
    %add3A_201 = vector.broadcast %add3A_200 : i32 to vector<16xi32>
    %add3A_202 = arith.addi %iota3A, %add3A_201 : vector<16xi32>
    %and3A_203 = arith.constant 15 : i32
    %and3A_204 = vector.broadcast %and3A_203 : i32 to vector<16xi32>
    %and3A_205 = arith.andi %add3A_202, %and3A_204 : vector<16xi32>
    %gather3A_206 = tpu.vector_load_idx %arg8[%and3A_205] : memref<16xf32, #tpu.memory_space<vmem>>[vector<16xi32>], vector<16xf32>,
    %add3A_207 = arith.addf %scan3A_69#3, %gather3A_206 : vector<16xf32>
    %swap3A_208 = arith.constant 0 : index
    %swap3A_209 = tpu.vector_load %arg8[%swap3A_208] {strides = array<i32>} : memref<16xf32, #tpu.memory_space<vmem>>, vector<16xf32>,
    tpu.vector_store %arg8[%swap3A_208], %add3A_207 {strides = array<i32>} : memref<16xf32, #tpu.memory_space<vmem>>, vector<16xf32>,
    %add3A_210 = arith.constant 4 : i32
    %add3A_211 = vector.broadcast %add3A_210 : i32 to vector<16xi32>
    %add3A_212 = arith.addi %iota3A, %add3A_211 : vector<16xi32>
    %and3A_213 = arith.constant 15 : i32
    %and3A_214 = vector.broadcast %and3A_213 : i32 to vector<16xi32>
    %and3A_215 = arith.andi %add3A_212, %and3A_214 : vector<16xi32>
    %gather3A_216 = tpu.vector_load_idx %arg8[%and3A_215] : memref<16xf32, #tpu.memory_space<vmem>>[vector<16xi32>], vector<16xf32>,
    %add3A_217 = arith.addf %add3A_207, %gather3A_216 : vector<16xf32>
    %swap3A_218 = arith.constant 0 : index
    %swap3A_219 = tpu.vector_load %arg8[%swap3A_218] {strides = array<i32>} : memref<16xf32, #tpu.memory_space<vmem>>, vector<16xf32>,
    tpu.vector_store %arg8[%swap3A_218], %add3A_217 {strides = array<i32>} : memref<16xf32, #tpu.memory_space<vmem>>, vector<16xf32>,
    %add3A_220 = arith.constant 2 : i32
    %add3A_221 = vector.broadcast %add3A_220 : i32 to vector<16xi32>
    %add3A_222 = arith.addi %iota3A, %add3A_221 : vector<16xi32>
    %and3A_223 = arith.constant 15 : i32
    %and3A_224 = vector.broadcast %and3A_223 : i32 to vector<16xi32>
    %and3A_225 = arith.andi %add3A_222, %and3A_224 : vector<16xi32>
    %gather3A_226 = tpu.vector_load_idx %arg8[%and3A_225] : memref<16xf32, #tpu.memory_space<vmem>>[vector<16xi32>], vector<16xf32>,
    %add3A_227 = arith.addf %add3A_217, %gather3A_226 : vector<16xf32>
    %swap3A_228 = arith.constant 0 : index
    %swap3A_229 = tpu.vector_load %arg8[%swap3A_228] {strides = array<i32>} : memref<16xf32, #tpu.memory_space<vmem>>, vector<16xf32>,
    tpu.vector_store %arg8[%swap3A_228], %add3A_227 {strides = array<i32>} : memref<16xf32, #tpu.memory_space<vmem>>, vector<16xf32>,
    %add3A_230 = arith.constant 1 : i32
    %add3A_231 = vector.broadcast %add3A_230 : i32 to vector<16xi32>
    %add3A_232 = arith.addi %iota3A, %add3A_231 : vector<16xi32>
    %and3A_233 = arith.constant 15 : i32
    %and3A_234 = vector.broadcast %and3A_233 : i32 to vector<16xi32>
    %and3A_235 = arith.andi %add3A_232, %and3A_234 : vector<16xi32>
    %gather3A_236 = tpu.vector_load_idx %arg8[%and3A_235] : memref<16xf32, #tpu.memory_space<vmem>>[vector<16xi32>], vector<16xf32>,
    %add3A_237 = arith.addf %add3A_227, %gather3A_236 : vector<16xf32>
    %eq3A_238 = arith.constant 3 : i32
    %eq3A_239 = vector.broadcast %eq3A_238 : i32 to vector<16xi32>
    %eq3A_240 = arith.cmpi eq, %iota3A, %eq3A_239 : vector<16xi32>
    %select_n3A_241 = arith.select %eq3A_240, %add3A_237, %select_n3A_197 : vector<16xi1>, vector<16xf32>
    %dma_start3A_242 = arith.constant 0 : i32
    %dma_start3A_243 = arith.constant 0 : i32
    %dma_start3A_244 = arith.constant 0 : i32
    %dma_start3A_245 = arith.constant 0 : i32
    %dma_start3A_246 = tpu.memref_slice %arg6[%dma_start3A_242, %dma_start3A_244, %dma_start3A_245] : memref<2x4x12480xf32, #tpu.memory_space<vmem>> -> memref<1x4x12480xf32, #tpu.memory_space<vmem>>
    %dma_start3A_247 = tpu.memref_squeeze %dma_start3A_246 : memref<1x4x12480xf32, #tpu.memory_space<vmem>> -> memref<4x12480xf32, #tpu.memory_space<vmem>>
    %dma_start3A_248 = arith.constant 0 : i32
    %dma_start3A_249 = tpu.memref_slice %arg2[%add3A_8, %dma_start3A_248] : memref<768x12480xf32, #tpu.memory_space<hbm>> -> memref<4x12480xf32, #tpu.memory_space<hbm>>
    %dma_start3A_250 = tpu.memref_slice %arg9[%dma_start3A_243] : memref<2x!tpu.dma_semaphore, #tpu.memory_space<semaphore_mem>> -> memref<1x!tpu.dma_semaphore, #tpu.memory_space<semaphore_mem>>
    %dma_start3A_251 = tpu.memref_squeeze %dma_start3A_250 : memref<1x!tpu.dma_semaphore, #tpu.memory_space<semaphore_mem>> -> memref<!tpu.dma_semaphore, #tpu.memory_space<semaphore_mem>>
    %dma_start3A_252 = arith.constant 0 : i32
    %dma_start3A_253 = arith.constant 0 : i32
    %dma_start3A_254 = tpu.memref_slice %arg6[%dma_start3A_242, %dma_start3A_252, %dma_start3A_253] : memref<2x4x12480xf32, #tpu.memory_space<vmem>> -> memref<1x4x12480xf32, #tpu.memory_space<vmem>>
    %dma_start3A_255 = tpu.memref_squeeze %dma_start3A_254 : memref<1x4x12480xf32, #tpu.memory_space<vmem>> -> memref<4x12480xf32, #tpu.memory_space<vmem>>
    %dma_start3A_256 = arith.constant 0 : i32
    %dma_start3A_257 = tpu.memref_slice %arg2[%add3A_8, %dma_start3A_256] : memref<768x12480xf32, #tpu.memory_space<hbm>> -> memref<4x12480xf32, #tpu.memory_space<hbm>>
    tpu.enqueue_dma source(%dma_start3A_257 : memref<4x12480xf32, #tpu.memory_space<hbm>>) target(%dma_start3A_255 : memref<4x12480xf32, #tpu.memory_space<vmem>>) target_semaphore(%dma_start3A_251 : memref<!tpu.dma_semaphore, #tpu.memory_space<semaphore_mem>>)
    %dma_wait3A_258 = arith.constant 1 : i32
    %dma_wait3A_259 = arith.constant 1 : i32
    %dma_wait3A_260 = arith.constant 0 : i32
    %dma_wait3A_261 = arith.constant 0 : i32
    %dma_wait3A_262 = tpu.memref_slice %arg6[%dma_wait3A_258, %dma_wait3A_260, %dma_wait3A_261] : memref<2x4x12480xf32, #tpu.memory_space<vmem>> -> memref<1x4x12480xf32, #tpu.memory_space<vmem>>
    %dma_wait3A_263 = tpu.memref_squeeze %dma_wait3A_262 : memref<1x4x12480xf32, #tpu.memory_space<vmem>> -> memref<4x12480xf32, #tpu.memory_space<vmem>>
    %dma_wait3A_264 = arith.constant 0 : i32
    %dma_wait3A_265 = tpu.memref_slice %arg2[%add3A_6, %dma_wait3A_264] : memref<768x12480xf32, #tpu.memory_space<hbm>> -> memref<4x12480xf32, #tpu.memory_space<hbm>>
    %dma_wait3A_266 = tpu.memref_slice %arg9[%dma_wait3A_259] : memref<2x!tpu.dma_semaphore, #tpu.memory_space<semaphore_mem>> -> memref<1x!tpu.dma_semaphore, #tpu.memory_space<semaphore_mem>>
    %dma_wait3A_267 = tpu.memref_squeeze %dma_wait3A_266 : memref<1x!tpu.dma_semaphore, #tpu.memory_space<semaphore_mem>> -> memref<!tpu.dma_semaphore, #tpu.memory_space<semaphore_mem>>
    %dma_wait3A_268 = arith.constant 0 : i32
    %dma_wait3A_269 = arith.constant 0 : i32
    %dma_wait3A_270 = tpu.memref_slice %arg6[%dma_wait3A_258, %dma_wait3A_268, %dma_wait3A_269] : memref<2x4x12480xf32, #tpu.memory_space<vmem>> -> memref<1x4x12480xf32, #tpu.memory_space<vmem>>
    %dma_wait3A_271 = tpu.memref_squeeze %dma_wait3A_270 : memref<1x4x12480xf32, #tpu.memory_space<vmem>> -> memref<4x12480xf32, #tpu.memory_space<vmem>>
    %dma_wait3A_272 = arith.constant 0 : i32
    %dma_wait3A_273 = tpu.memref_slice %arg2[%add3A_6, %dma_wait3A_272] : memref<768x12480xf32, #tpu.memory_space<hbm>> -> memref<4x12480xf32, #tpu.memory_space<hbm>>
    tpu.wait_dma2 semaphore(%dma_wait3A_267 : memref<!tpu.dma_semaphore, #tpu.memory_space<semaphore_mem>>) src(%dma_wait3A_273 : memref<4x12480xf32, #tpu.memory_space<hbm>>) dst(%dma_wait3A_271 : memref<4x12480xf32, #tpu.memory_space<vmem>>)
    %broadcast_in_dim3A_274 = arith.constant 0.000000e+00 : f32
    %broadcast_in_dim3A_275 = vector.broadcast %broadcast_in_dim3A_274 : f32 to vector<16xf32>
    %broadcast_in_dim3A_276 = arith.constant 0.000000e+00 : f32
    %broadcast_in_dim3A_277 = vector.broadcast %broadcast_in_dim3A_276 : f32 to vector<16xf32>
    %broadcast_in_dim3A_278 = arith.constant 0.000000e+00 : f32
    %broadcast_in_dim3A_279 = vector.broadcast %broadcast_in_dim3A_278 : f32 to vector<16xf32>
    %broadcast_in_dim3A_280 = arith.constant 0.000000e+00 : f32
    %broadcast_in_dim3A_281 = vector.broadcast %broadcast_in_dim3A_280 : f32 to vector<16xf32>
    %scan3A_282 = arith.constant 0 : i32
    %scan3A_283 = arith.constant 195 : i32
    %scan3A_284 = arith.addi %scan3A_282, %scan3A_283 : i32
    %scan3A_285 = arith.constant 1 : i32
    %scan3A_286:4 = scf.for %scan3A_894 = %scan3A_282 to %scan3A_284 step %scan3A_285 iter_args(%scan3A_895 = %broadcast_in_dim3A_275, %scan3A_896 = %broadcast_in_dim3A_277, %scan3A_897 = %broadcast_in_dim3A_279, %scan3A_898 = %broadcast_in_dim3A_281) -> (vector<16xf32>, vector<16xf32>, vector<16xf32>, vector<16xf32>)  : i32 {
      %mul3A_899 = arith.constant 4 : i32
      %mul3A_900 = arith.muli %scan3A_894, %mul3A_899 : i32
      %add3A_901 = arith.constant 0 : i32
      %add3A_902 = arith.addi %mul3A_900, %add3A_901 : i32
      %mul3A_903 = arith.constant 16 : i32
      %mul3A_904 = arith.muli %add3A_902, %mul3A_903 : i32
      %get3A = arith.index_cast %mul3A_904 : i32 to index
      %get3A_905 = tpu.vector_load %arg5[%get3A] {strides = array<i32>} : memref<12480xf32, #tpu.memory_space<vmem>>, vector<16xf32>,
      %get3A_906 = arith.constant 1 : i32
      %get3A_907 = arith.constant 0 : i32
      %get3A_908 = arith.index_cast %get3A_906 : i32 to index
      %get3A_909 = arith.index_cast %get3A_907 : i32 to index
      %get3A_910 = arith.index_cast %mul3A_904 : i32 to index
      %get3A_911 = tpu.vector_load %arg6[%get3A_908, %get3A_909, %get3A_910] {strides = array<i32>} : memref<2x4x12480xf32, #tpu.memory_space<vmem>>, vector<16xf32>,
      %mul3A_912 = arith.mulf %get3A_911, %get3A_905 : vector<16xf32>
      %add3A_913 = arith.addf %scan3A_895, %mul3A_912 : vector<16xf32>
      %get3A_914 = arith.constant 1 : i32
      %get3A_915 = arith.constant 1 : i32
      %get3A_916 = arith.index_cast %get3A_914 : i32 to index
      %get3A_917 = arith.index_cast %get3A_915 : i32 to index
      %get3A_918 = arith.index_cast %mul3A_904 : i32 to index
      %get3A_919 = tpu.vector_load %arg6[%get3A_916, %get3A_917, %get3A_918] {strides = array<i32>} : memref<2x4x12480xf32, #tpu.memory_space<vmem>>, vector<16xf32>,
      %mul3A_920 = arith.mulf %get3A_919, %get3A_905 : vector<16xf32>
      %add3A_921 = arith.addf %scan3A_896, %mul3A_920 : vector<16xf32>
      %get3A_922 = arith.constant 1 : i32
      %get3A_923 = arith.constant 2 : i32
      %get3A_924 = arith.index_cast %get3A_922 : i32 to index
      %get3A_925 = arith.index_cast %get3A_923 : i32 to index
      %get3A_926 = arith.index_cast %mul3A_904 : i32 to index
      %get3A_927 = tpu.vector_load %arg6[%get3A_924, %get3A_925, %get3A_926] {strides = array<i32>} : memref<2x4x12480xf32, #tpu.memory_space<vmem>>, vector<16xf32>,
      %mul3A_928 = arith.mulf %get3A_927, %get3A_905 : vector<16xf32>
      %add3A_929 = arith.addf %scan3A_897, %mul3A_928 : vector<16xf32>
      %get3A_930 = arith.constant 1 : i32
      %get3A_931 = arith.constant 3 : i32
      %get3A_932 = arith.index_cast %get3A_930 : i32 to index
      %get3A_933 = arith.index_cast %get3A_931 : i32 to index
      %get3A_934 = arith.index_cast %mul3A_904 : i32 to index
      %get3A_935 = tpu.vector_load %arg6[%get3A_932, %get3A_933, %get3A_934] {strides = array<i32>} : memref<2x4x12480xf32, #tpu.memory_space<vmem>>, vector<16xf32>,
      %mul3A_936 = arith.mulf %get3A_935, %get3A_905 : vector<16xf32>
      %add3A_937 = arith.addf %scan3A_898, %mul3A_936 : vector<16xf32>
      %mul3A_938 = arith.constant 4 : i32
      %mul3A_939 = arith.muli %scan3A_894, %mul3A_938 : i32
      %add3A_940 = arith.constant 1 : i32
      %add3A_941 = arith.addi %mul3A_939, %add3A_940 : i32
      %mul3A_942 = arith.constant 16 : i32
      %mul3A_943 = arith.muli %add3A_941, %mul3A_942 : i32
      %get3A_944 = arith.index_cast %mul3A_943 : i32 to index
      %get3A_945 = tpu.vector_load %arg5[%get3A_944] {strides = array<i32>} : memref<12480xf32, #tpu.memory_space<vmem>>, vector<16xf32>,
      %get3A_946 = arith.constant 1 : i32
      %get3A_947 = arith.constant 0 : i32
      %get3A_948 = arith.index_cast %get3A_946 : i32 to index
      %get3A_949 = arith.index_cast %get3A_947 : i32 to index
      %get3A_950 = arith.index_cast %mul3A_943 : i32 to index
      %get3A_951 = tpu.vector_load %arg6[%get3A_948, %get3A_949, %get3A_950] {strides = array<i32>} : memref<2x4x12480xf32, #tpu.memory_space<vmem>>, vector<16xf32>,
      %mul3A_952 = arith.mulf %get3A_951, %get3A_945 : vector<16xf32>
      %add3A_953 = arith.addf %add3A_913, %mul3A_952 : vector<16xf32>
      %get3A_954 = arith.constant 1 : i32
      %get3A_955 = arith.constant 1 : i32
      %get3A_956 = arith.index_cast %get3A_954 : i32 to index
      %get3A_957 = arith.index_cast %get3A_955 : i32 to index
      %get3A_958 = arith.index_cast %mul3A_943 : i32 to index
      %get3A_959 = tpu.vector_load %arg6[%get3A_956, %get3A_957, %get3A_958] {strides = array<i32>} : memref<2x4x12480xf32, #tpu.memory_space<vmem>>, vector<16xf32>,
      %mul3A_960 = arith.mulf %get3A_959, %get3A_945 : vector<16xf32>
      %add3A_961 = arith.addf %add3A_921, %mul3A_960 : vector<16xf32>
      %get3A_962 = arith.constant 1 : i32
      %get3A_963 = arith.constant 2 : i32
      %get3A_964 = arith.index_cast %get3A_962 : i32 to index
      %get3A_965 = arith.index_cast %get3A_963 : i32 to index
      %get3A_966 = arith.index_cast %mul3A_943 : i32 to index
      %get3A_967 = tpu.vector_load %arg6[%get3A_964, %get3A_965, %get3A_966] {strides = array<i32>} : memref<2x4x12480xf32, #tpu.memory_space<vmem>>, vector<16xf32>,
      %mul3A_968 = arith.mulf %get3A_967, %get3A_945 : vector<16xf32>
      %add3A_969 = arith.addf %add3A_929, %mul3A_968 : vector<16xf32>
      %get3A_970 = arith.constant 1 : i32
      %get3A_971 = arith.constant 3 : i32
      %get3A_972 = arith.index_cast %get3A_970 : i32 to index
      %get3A_973 = arith.index_cast %get3A_971 : i32 to index
      %get3A_974 = arith.index_cast %mul3A_943 : i32 to index
      %get3A_975 = tpu.vector_load %arg6[%get3A_972, %get3A_973, %get3A_974] {strides = array<i32>} : memref<2x4x12480xf32, #tpu.memory_space<vmem>>, vector<16xf32>,
      %mul3A_976 = arith.mulf %get3A_975, %get3A_945 : vector<16xf32>
      %add3A_977 = arith.addf %add3A_937, %mul3A_976 : vector<16xf32>
      %mul3A_978 = arith.constant 4 : i32
      %mul3A_979 = arith.muli %scan3A_894, %mul3A_978 : i32
      %add3A_980 = arith.constant 2 : i32
      %add3A_981 = arith.addi %mul3A_979, %add3A_980 : i32
      %mul3A_982 = arith.constant 16 : i32
      %mul3A_983 = arith.muli %add3A_981, %mul3A_982 : i32
      %get3A_984 = arith.index_cast %mul3A_983 : i32 to index
      %get3A_985 = tpu.vector_load %arg5[%get3A_984] {strides = array<i32>} : memref<12480xf32, #tpu.memory_space<vmem>>, vector<16xf32>,
      %get3A_986 = arith.constant 1 : i32
      %get3A_987 = arith.constant 0 : i32
      %get3A_988 = arith.index_cast %get3A_986 : i32 to index
      %get3A_989 = arith.index_cast %get3A_987 : i32 to index
      %get3A_990 = arith.index_cast %mul3A_983 : i32 to index
      %get3A_991 = tpu.vector_load %arg6[%get3A_988, %get3A_989, %get3A_990] {strides = array<i32>} : memref<2x4x12480xf32, #tpu.memory_space<vmem>>, vector<16xf32>,
      %mul3A_992 = arith.mulf %get3A_991, %get3A_985 : vector<16xf32>
      %add3A_993 = arith.addf %add3A_953, %mul3A_992 : vector<16xf32>
      %get3A_994 = arith.constant 1 : i32
      %get3A_995 = arith.constant 1 : i32
      %get3A_996 = arith.index_cast %get3A_994 : i32 to index
      %get3A_997 = arith.index_cast %get3A_995 : i32 to index
      %get3A_998 = arith.index_cast %mul3A_983 : i32 to index
      %get3A_999 = tpu.vector_load %arg6[%get3A_996, %get3A_997, %get3A_998] {strides = array<i32>} : memref<2x4x12480xf32, #tpu.memory_space<vmem>>, vector<16xf32>,
      %mul3A_1000 = arith.mulf %get3A_999, %get3A_985 : vector<16xf32>
      %add3A_1001 = arith.addf %add3A_961, %mul3A_1000 : vector<16xf32>
      %get3A_1002 = arith.constant 1 : i32
      %get3A_1003 = arith.constant 2 : i32
      %get3A_1004 = arith.index_cast %get3A_1002 : i32 to index
      %get3A_1005 = arith.index_cast %get3A_1003 : i32 to index
      %get3A_1006 = arith.index_cast %mul3A_983 : i32 to index
      %get3A_1007 = tpu.vector_load %arg6[%get3A_1004, %get3A_1005, %get3A_1006] {strides = array<i32>} : memref<2x4x12480xf32, #tpu.memory_space<vmem>>, vector<16xf32>,
      %mul3A_1008 = arith.mulf %get3A_1007, %get3A_985 : vector<16xf32>
      %add3A_1009 = arith.addf %add3A_969, %mul3A_1008 : vector<16xf32>
      %get3A_1010 = arith.constant 1 : i32
      %get3A_1011 = arith.constant 3 : i32
      %get3A_1012 = arith.index_cast %get3A_1010 : i32 to index
      %get3A_1013 = arith.index_cast %get3A_1011 : i32 to index
      %get3A_1014 = arith.index_cast %mul3A_983 : i32 to index
      %get3A_1015 = tpu.vector_load %arg6[%get3A_1012, %get3A_1013, %get3A_1014] {strides = array<i32>} : memref<2x4x12480xf32, #tpu.memory_space<vmem>>, vector<16xf32>,
      %mul3A_1016 = arith.mulf %get3A_1015, %get3A_985 : vector<16xf32>
      %add3A_1017 = arith.addf %add3A_977, %mul3A_1016 : vector<16xf32>
      %mul3A_1018 = arith.constant 4 : i32
      %mul3A_1019 = arith.muli %scan3A_894, %mul3A_1018 : i32
      %add3A_1020 = arith.constant 3 : i32
      %add3A_1021 = arith.addi %mul3A_1019, %add3A_1020 : i32
      %mul3A_1022 = arith.constant 16 : i32
      %mul3A_1023 = arith.muli %add3A_1021, %mul3A_1022 : i32
      %get3A_1024 = arith.index_cast %mul3A_1023 : i32 to index
      %get3A_1025 = tpu.vector_load %arg5[%get3A_1024] {strides = array<i32>} : memref<12480xf32, #tpu.memory_space<vmem>>, vector<16xf32>,
      %get3A_1026 = arith.constant 1 : i32
      %get3A_1027 = arith.constant 0 : i32
      %get3A_1028 = arith.index_cast %get3A_1026 : i32 to index
      %get3A_1029 = arith.index_cast %get3A_1027 : i32 to index
      %get3A_1030 = arith.index_cast %mul3A_1023 : i32 to index
      %get3A_1031 = tpu.vector_load %arg6[%get3A_1028, %get3A_1029, %get3A_1030] {strides = array<i32>} : memref<2x4x12480xf32, #tpu.memory_space<vmem>>, vector<16xf32>,
      %mul3A_1032 = arith.mulf %get3A_1031, %get3A_1025 : vector<16xf32>
      %add3A_1033 = arith.addf %add3A_993, %mul3A_1032 : vector<16xf32>
      %get3A_1034 = arith.constant 1 : i32
      %get3A_1035 = arith.constant 1 : i32
      %get3A_1036 = arith.index_cast %get3A_1034 : i32 to index
      %get3A_1037 = arith.index_cast %get3A_1035 : i32 to index
      %get3A_1038 = arith.index_cast %mul3A_1023 : i32 to index
      %get3A_1039 = tpu.vector_load %arg6[%get3A_1036, %get3A_1037, %get3A_1038] {strides = array<i32>} : memref<2x4x12480xf32, #tpu.memory_space<vmem>>, vector<16xf32>,
      %mul3A_1040 = arith.mulf %get3A_1039, %get3A_1025 : vector<16xf32>
      %add3A_1041 = arith.addf %add3A_1001, %mul3A_1040 : vector<16xf32>
      %get3A_1042 = arith.constant 1 : i32
      %get3A_1043 = arith.constant 2 : i32
      %get3A_1044 = arith.index_cast %get3A_1042 : i32 to index
      %get3A_1045 = arith.index_cast %get3A_1043 : i32 to index
      %get3A_1046 = arith.index_cast %mul3A_1023 : i32 to index
      %get3A_1047 = tpu.vector_load %arg6[%get3A_1044, %get3A_1045, %get3A_1046] {strides = array<i32>} : memref<2x4x12480xf32, #tpu.memory_space<vmem>>, vector<16xf32>,
      %mul3A_1048 = arith.mulf %get3A_1047, %get3A_1025 : vector<16xf32>
      %add3A_1049 = arith.addf %add3A_1009, %mul3A_1048 : vector<16xf32>
      %get3A_1050 = arith.constant 1 : i32
      %get3A_1051 = arith.constant 3 : i32
      %get3A_1052 = arith.index_cast %get3A_1050 : i32 to index
      %get3A_1053 = arith.index_cast %get3A_1051 : i32 to index
      %get3A_1054 = arith.index_cast %mul3A_1023 : i32 to index
      %get3A_1055 = tpu.vector_load %arg6[%get3A_1052, %get3A_1053, %get3A_1054] {strides = array<i32>} : memref<2x4x12480xf32, #tpu.memory_space<vmem>>, vector<16xf32>,
      %mul3A_1056 = arith.mulf %get3A_1055, %get3A_1025 : vector<16xf32>
      %add3A_1057 = arith.addf %add3A_1017, %mul3A_1056 : vector<16xf32>
      scf.yield %add3A_1033, %add3A_1041, %add3A_1049, %add3A_1057 : vector<16xf32>, vector<16xf32>, vector<16xf32>, vector<16xf32>
    }
    %scan3A_287 = arith.constant 195 : i32
    %swap3A_288 = arith.constant 0 : index
    %swap3A_289 = tpu.vector_load %arg8[%swap3A_288] {strides = array<i32>} : memref<16xf32, #tpu.memory_space<vmem>>, vector<16xf32>,
    tpu.vector_store %arg8[%swap3A_288], %scan3A_286#0 {strides = array<i32>} : memref<16xf32, #tpu.memory_space<vmem>>, vector<16xf32>,
    %add3A_290 = arith.constant 8 : i32
    %add3A_291 = vector.broadcast %add3A_290 : i32 to vector<16xi32>
    %add3A_292 = arith.addi %iota3A, %add3A_291 : vector<16xi32>
    %and3A_293 = arith.constant 15 : i32
    %and3A_294 = vector.broadcast %and3A_293 : i32 to vector<16xi32>
    %and3A_295 = arith.andi %add3A_292, %and3A_294 : vector<16xi32>
    %gather3A_296 = tpu.vector_load_idx %arg8[%and3A_295] : memref<16xf32, #tpu.memory_space<vmem>>[vector<16xi32>], vector<16xf32>,
    %add3A_297 = arith.addf %scan3A_286#0, %gather3A_296 : vector<16xf32>
    %swap3A_298 = arith.constant 0 : index
    %swap3A_299 = tpu.vector_load %arg8[%swap3A_298] {strides = array<i32>} : memref<16xf32, #tpu.memory_space<vmem>>, vector<16xf32>,
    tpu.vector_store %arg8[%swap3A_298], %add3A_297 {strides = array<i32>} : memref<16xf32, #tpu.memory_space<vmem>>, vector<16xf32>,
    %add3A_300 = arith.constant 4 : i32
    %add3A_301 = vector.broadcast %add3A_300 : i32 to vector<16xi32>
    %add3A_302 = arith.addi %iota3A, %add3A_301 : vector<16xi32>
    %and3A_303 = arith.constant 15 : i32
    %and3A_304 = vector.broadcast %and3A_303 : i32 to vector<16xi32>
    %and3A_305 = arith.andi %add3A_302, %and3A_304 : vector<16xi32>
    %gather3A_306 = tpu.vector_load_idx %arg8[%and3A_305] : memref<16xf32, #tpu.memory_space<vmem>>[vector<16xi32>], vector<16xf32>,
    %add3A_307 = arith.addf %add3A_297, %gather3A_306 : vector<16xf32>
    %swap3A_308 = arith.constant 0 : index
    %swap3A_309 = tpu.vector_load %arg8[%swap3A_308] {strides = array<i32>} : memref<16xf32, #tpu.memory_space<vmem>>, vector<16xf32>,
    tpu.vector_store %arg8[%swap3A_308], %add3A_307 {strides = array<i32>} : memref<16xf32, #tpu.memory_space<vmem>>, vector<16xf32>,
    %add3A_310 = arith.constant 2 : i32
    %add3A_311 = vector.broadcast %add3A_310 : i32 to vector<16xi32>
    %add3A_312 = arith.addi %iota3A, %add3A_311 : vector<16xi32>
    %and3A_313 = arith.constant 15 : i32
    %and3A_314 = vector.broadcast %and3A_313 : i32 to vector<16xi32>
    %and3A_315 = arith.andi %add3A_312, %and3A_314 : vector<16xi32>
    %gather3A_316 = tpu.vector_load_idx %arg8[%and3A_315] : memref<16xf32, #tpu.memory_space<vmem>>[vector<16xi32>], vector<16xf32>,
    %add3A_317 = arith.addf %add3A_307, %gather3A_316 : vector<16xf32>
    %swap3A_318 = arith.constant 0 : index
    %swap3A_319 = tpu.vector_load %arg8[%swap3A_318] {strides = array<i32>} : memref<16xf32, #tpu.memory_space<vmem>>, vector<16xf32>,
    tpu.vector_store %arg8[%swap3A_318], %add3A_317 {strides = array<i32>} : memref<16xf32, #tpu.memory_space<vmem>>, vector<16xf32>,
    %add3A_320 = arith.constant 1 : i32
    %add3A_321 = vector.broadcast %add3A_320 : i32 to vector<16xi32>
    %add3A_322 = arith.addi %iota3A, %add3A_321 : vector<16xi32>
    %and3A_323 = arith.constant 15 : i32
    %and3A_324 = vector.broadcast %and3A_323 : i32 to vector<16xi32>
    %and3A_325 = arith.andi %add3A_322, %and3A_324 : vector<16xi32>
    %gather3A_326 = tpu.vector_load_idx %arg8[%and3A_325] : memref<16xf32, #tpu.memory_space<vmem>>[vector<16xi32>], vector<16xf32>,
    %add3A_327 = arith.addf %add3A_317, %gather3A_326 : vector<16xf32>
    %eq3A_328 = arith.constant 4 : i32
    %eq3A_329 = vector.broadcast %eq3A_328 : i32 to vector<16xi32>
    %eq3A_330 = arith.cmpi eq, %iota3A, %eq3A_329 : vector<16xi32>
    %select_n3A_331 = arith.select %eq3A_330, %add3A_327, %select_n3A_241 : vector<16xi1>, vector<16xf32>
    %swap3A_332 = arith.constant 0 : index
    %swap3A_333 = tpu.vector_load %arg8[%swap3A_332] {strides = array<i32>} : memref<16xf32, #tpu.memory_space<vmem>>, vector<16xf32>,
    tpu.vector_store %arg8[%swap3A_332], %scan3A_286#1 {strides = array<i32>} : memref<16xf32, #tpu.memory_space<vmem>>, vector<16xf32>,
    %add3A_334 = arith.constant 8 : i32
    %add3A_335 = vector.broadcast %add3A_334 : i32 to vector<16xi32>
    %add3A_336 = arith.addi %iota3A, %add3A_335 : vector<16xi32>
    %and3A_337 = arith.constant 15 : i32
    %and3A_338 = vector.broadcast %and3A_337 : i32 to vector<16xi32>
    %and3A_339 = arith.andi %add3A_336, %and3A_338 : vector<16xi32>
    %gather3A_340 = tpu.vector_load_idx %arg8[%and3A_339] : memref<16xf32, #tpu.memory_space<vmem>>[vector<16xi32>], vector<16xf32>,
    %add3A_341 = arith.addf %scan3A_286#1, %gather3A_340 : vector<16xf32>
    %swap3A_342 = arith.constant 0 : index
    %swap3A_343 = tpu.vector_load %arg8[%swap3A_342] {strides = array<i32>} : memref<16xf32, #tpu.memory_space<vmem>>, vector<16xf32>,
    tpu.vector_store %arg8[%swap3A_342], %add3A_341 {strides = array<i32>} : memref<16xf32, #tpu.memory_space<vmem>>, vector<16xf32>,
    %add3A_344 = arith.constant 4 : i32
    %add3A_345 = vector.broadcast %add3A_344 : i32 to vector<16xi32>
    %add3A_346 = arith.addi %iota3A, %add3A_345 : vector<16xi32>
    %and3A_347 = arith.constant 15 : i32
    %and3A_348 = vector.broadcast %and3A_347 : i32 to vector<16xi32>
    %and3A_349 = arith.andi %add3A_346, %and3A_348 : vector<16xi32>
    %gather3A_350 = tpu.vector_load_idx %arg8[%and3A_349] : memref<16xf32, #tpu.memory_space<vmem>>[vector<16xi32>], vector<16xf32>,
    %add3A_351 = arith.addf %add3A_341, %gather3A_350 : vector<16xf32>
    %swap3A_352 = arith.constant 0 : index
    %swap3A_353 = tpu.vector_load %arg8[%swap3A_352] {strides = array<i32>} : memref<16xf32, #tpu.memory_space<vmem>>, vector<16xf32>,
    tpu.vector_store %arg8[%swap3A_352], %add3A_351 {strides = array<i32>} : memref<16xf32, #tpu.memory_space<vmem>>, vector<16xf32>,
    %add3A_354 = arith.constant 2 : i32
    %add3A_355 = vector.broadcast %add3A_354 : i32 to vector<16xi32>
    %add3A_356 = arith.addi %iota3A, %add3A_355 : vector<16xi32>
    %and3A_357 = arith.constant 15 : i32
    %and3A_358 = vector.broadcast %and3A_357 : i32 to vector<16xi32>
    %and3A_359 = arith.andi %add3A_356, %and3A_358 : vector<16xi32>
    %gather3A_360 = tpu.vector_load_idx %arg8[%and3A_359] : memref<16xf32, #tpu.memory_space<vmem>>[vector<16xi32>], vector<16xf32>,
    %add3A_361 = arith.addf %add3A_351, %gather3A_360 : vector<16xf32>
    %swap3A_362 = arith.constant 0 : index
    %swap3A_363 = tpu.vector_load %arg8[%swap3A_362] {strides = array<i32>} : memref<16xf32, #tpu.memory_space<vmem>>, vector<16xf32>,
    tpu.vector_store %arg8[%swap3A_362], %add3A_361 {strides = array<i32>} : memref<16xf32, #tpu.memory_space<vmem>>, vector<16xf32>,
    %add3A_364 = arith.constant 1 : i32
    %add3A_365 = vector.broadcast %add3A_364 : i32 to vector<16xi32>
    %add3A_366 = arith.addi %iota3A, %add3A_365 : vector<16xi32>
    %and3A_367 = arith.constant 15 : i32
    %and3A_368 = vector.broadcast %and3A_367 : i32 to vector<16xi32>
    %and3A_369 = arith.andi %add3A_366, %and3A_368 : vector<16xi32>
    %gather3A_370 = tpu.vector_load_idx %arg8[%and3A_369] : memref<16xf32, #tpu.memory_space<vmem>>[vector<16xi32>], vector<16xf32>,
    %add3A_371 = arith.addf %add3A_361, %gather3A_370 : vector<16xf32>
    %eq3A_372 = arith.constant 5 : i32
    %eq3A_373 = vector.broadcast %eq3A_372 : i32 to vector<16xi32>
    %eq3A_374 = arith.cmpi eq, %iota3A, %eq3A_373 : vector<16xi32>
    %select_n3A_375 = arith.select %eq3A_374, %add3A_371, %select_n3A_331 : vector<16xi1>, vector<16xf32>
    %swap3A_376 = arith.constant 0 : index
    %swap3A_377 = tpu.vector_load %arg8[%swap3A_376] {strides = array<i32>} : memref<16xf32, #tpu.memory_space<vmem>>, vector<16xf32>,
    tpu.vector_store %arg8[%swap3A_376], %scan3A_286#2 {strides = array<i32>} : memref<16xf32, #tpu.memory_space<vmem>>, vector<16xf32>,
    %add3A_378 = arith.constant 8 : i32
    %add3A_379 = vector.broadcast %add3A_378 : i32 to vector<16xi32>
    %add3A_380 = arith.addi %iota3A, %add3A_379 : vector<16xi32>
    %and3A_381 = arith.constant 15 : i32
    %and3A_382 = vector.broadcast %and3A_381 : i32 to vector<16xi32>
    %and3A_383 = arith.andi %add3A_380, %and3A_382 : vector<16xi32>
    %gather3A_384 = tpu.vector_load_idx %arg8[%and3A_383] : memref<16xf32, #tpu.memory_space<vmem>>[vector<16xi32>], vector<16xf32>,
    %add3A_385 = arith.addf %scan3A_286#2, %gather3A_384 : vector<16xf32>
    %swap3A_386 = arith.constant 0 : index
    %swap3A_387 = tpu.vector_load %arg8[%swap3A_386] {strides = array<i32>} : memref<16xf32, #tpu.memory_space<vmem>>, vector<16xf32>,
    tpu.vector_store %arg8[%swap3A_386], %add3A_385 {strides = array<i32>} : memref<16xf32, #tpu.memory_space<vmem>>, vector<16xf32>,
    %add3A_388 = arith.constant 4 : i32
    %add3A_389 = vector.broadcast %add3A_388 : i32 to vector<16xi32>
    %add3A_390 = arith.addi %iota3A, %add3A_389 : vector<16xi32>
    %and3A_391 = arith.constant 15 : i32
    %and3A_392 = vector.broadcast %and3A_391 : i32 to vector<16xi32>
    %and3A_393 = arith.andi %add3A_390, %and3A_392 : vector<16xi32>
    %gather3A_394 = tpu.vector_load_idx %arg8[%and3A_393] : memref<16xf32, #tpu.memory_space<vmem>>[vector<16xi32>], vector<16xf32>,
    %add3A_395 = arith.addf %add3A_385, %gather3A_394 : vector<16xf32>
    %swap3A_396 = arith.constant 0 : index
    %swap3A_397 = tpu.vector_load %arg8[%swap3A_396] {strides = array<i32>} : memref<16xf32, #tpu.memory_space<vmem>>, vector<16xf32>,
    tpu.vector_store %arg8[%swap3A_396], %add3A_395 {strides = array<i32>} : memref<16xf32, #tpu.memory_space<vmem>>, vector<16xf32>,
    %add3A_398 = arith.constant 2 : i32
    %add3A_399 = vector.broadcast %add3A_398 : i32 to vector<16xi32>
    %add3A_400 = arith.addi %iota3A, %add3A_399 : vector<16xi32>
    %and3A_401 = arith.constant 15 : i32
    %and3A_402 = vector.broadcast %and3A_401 : i32 to vector<16xi32>
    %and3A_403 = arith.andi %add3A_400, %and3A_402 : vector<16xi32>
    %gather3A_404 = tpu.vector_load_idx %arg8[%and3A_403] : memref<16xf32, #tpu.memory_space<vmem>>[vector<16xi32>], vector<16xf32>,
    %add3A_405 = arith.addf %add3A_395, %gather3A_404 : vector<16xf32>
    %swap3A_406 = arith.constant 0 : index
    %swap3A_407 = tpu.vector_load %arg8[%swap3A_406] {strides = array<i32>} : memref<16xf32, #tpu.memory_space<vmem>>, vector<16xf32>,
    tpu.vector_store %arg8[%swap3A_406], %add3A_405 {strides = array<i32>} : memref<16xf32, #tpu.memory_space<vmem>>, vector<16xf32>,
    %add3A_408 = arith.constant 1 : i32
    %add3A_409 = vector.broadcast %add3A_408 : i32 to vector<16xi32>
    %add3A_410 = arith.addi %iota3A, %add3A_409 : vector<16xi32>
    %and3A_411 = arith.constant 15 : i32
    %and3A_412 = vector.broadcast %and3A_411 : i32 to vector<16xi32>
    %and3A_413 = arith.andi %add3A_410, %and3A_412 : vector<16xi32>
    %gather3A_414 = tpu.vector_load_idx %arg8[%and3A_413] : memref<16xf32, #tpu.memory_space<vmem>>[vector<16xi32>], vector<16xf32>,
    %add3A_415 = arith.addf %add3A_405, %gather3A_414 : vector<16xf32>
    %eq3A_416 = arith.constant 6 : i32
    %eq3A_417 = vector.broadcast %eq3A_416 : i32 to vector<16xi32>
    %eq3A_418 = arith.cmpi eq, %iota3A, %eq3A_417 : vector<16xi32>
    %select_n3A_419 = arith.select %eq3A_418, %add3A_415, %select_n3A_375 : vector<16xi1>, vector<16xf32>
    %swap3A_420 = arith.constant 0 : index
    %swap3A_421 = tpu.vector_load %arg8[%swap3A_420] {strides = array<i32>} : memref<16xf32, #tpu.memory_space<vmem>>, vector<16xf32>,
    tpu.vector_store %arg8[%swap3A_420], %scan3A_286#3 {strides = array<i32>} : memref<16xf32, #tpu.memory_space<vmem>>, vector<16xf32>,
    %add3A_422 = arith.constant 8 : i32
    %add3A_423 = vector.broadcast %add3A_422 : i32 to vector<16xi32>
    %add3A_424 = arith.addi %iota3A, %add3A_423 : vector<16xi32>
    %and3A_425 = arith.constant 15 : i32
    %and3A_426 = vector.broadcast %and3A_425 : i32 to vector<16xi32>
    %and3A_427 = arith.andi %add3A_424, %and3A_426 : vector<16xi32>
    %gather3A_428 = tpu.vector_load_idx %arg8[%and3A_427] : memref<16xf32, #tpu.memory_space<vmem>>[vector<16xi32>], vector<16xf32>,
    %add3A_429 = arith.addf %scan3A_286#3, %gather3A_428 : vector<16xf32>
    %swap3A_430 = arith.constant 0 : index
    %swap3A_431 = tpu.vector_load %arg8[%swap3A_430] {strides = array<i32>} : memref<16xf32, #tpu.memory_space<vmem>>, vector<16xf32>,
    tpu.vector_store %arg8[%swap3A_430], %add3A_429 {strides = array<i32>} : memref<16xf32, #tpu.memory_space<vmem>>, vector<16xf32>,
    %add3A_432 = arith.constant 4 : i32
    %add3A_433 = vector.broadcast %add3A_432 : i32 to vector<16xi32>
    %add3A_434 = arith.addi %iota3A, %add3A_433 : vector<16xi32>
    %and3A_435 = arith.constant 15 : i32
    %and3A_436 = vector.broadcast %and3A_435 : i32 to vector<16xi32>
    %and3A_437 = arith.andi %add3A_434, %and3A_436 : vector<16xi32>
    %gather3A_438 = tpu.vector_load_idx %arg8[%and3A_437] : memref<16xf32, #tpu.memory_space<vmem>>[vector<16xi32>], vector<16xf32>,
    %add3A_439 = arith.addf %add3A_429, %gather3A_438 : vector<16xf32>
    %swap3A_440 = arith.constant 0 : index
    %swap3A_441 = tpu.vector_load %arg8[%swap3A_440] {strides = array<i32>} : memref<16xf32, #tpu.memory_space<vmem>>, vector<16xf32>,
    tpu.vector_store %arg8[%swap3A_440], %add3A_439 {strides = array<i32>} : memref<16xf32, #tpu.memory_space<vmem>>, vector<16xf32>,
    %add3A_442 = arith.constant 2 : i32
    %add3A_443 = vector.broadcast %add3A_442 : i32 to vector<16xi32>
    %add3A_444 = arith.addi %iota3A, %add3A_443 : vector<16xi32>
    %and3A_445 = arith.constant 15 : i32
    %and3A_446 = vector.broadcast %and3A_445 : i32 to vector<16xi32>
    %and3A_447 = arith.andi %add3A_444, %and3A_446 : vector<16xi32>
    %gather3A_448 = tpu.vector_load_idx %arg8[%and3A_447] : memref<16xf32, #tpu.memory_space<vmem>>[vector<16xi32>], vector<16xf32>,
    %add3A_449 = arith.addf %add3A_439, %gather3A_448 : vector<16xf32>
    %swap3A_450 = arith.constant 0 : index
    %swap3A_451 = tpu.vector_load %arg8[%swap3A_450] {strides = array<i32>} : memref<16xf32, #tpu.memory_space<vmem>>, vector<16xf32>,
    tpu.vector_store %arg8[%swap3A_450], %add3A_449 {strides = array<i32>} : memref<16xf32, #tpu.memory_space<vmem>>, vector<16xf32>,
    %add3A_452 = arith.constant 1 : i32
    %add3A_453 = vector.broadcast %add3A_452 : i32 to vector<16xi32>
    %add3A_454 = arith.addi %iota3A, %add3A_453 : vector<16xi32>
    %and3A_455 = arith.constant 15 : i32
    %and3A_456 = vector.broadcast %and3A_455 : i32 to vector<16xi32>
    %and3A_457 = arith.andi %add3A_454, %and3A_456 : vector<16xi32>
    %gather3A_458 = tpu.vector_load_idx %arg8[%and3A_457] : memref<16xf32, #tpu.memory_space<vmem>>[vector<16xi32>], vector<16xf32>,
    %add3A_459 = arith.addf %add3A_449, %gather3A_458 : vector<16xf32>
    %eq3A_460 = arith.constant 7 : i32
    %eq3A_461 = vector.broadcast %eq3A_460 : i32 to vector<16xi32>
    %eq3A_462 = arith.cmpi eq, %iota3A, %eq3A_461 : vector<16xi32>
    %select_n3A_463 = arith.select %eq3A_462, %add3A_459, %select_n3A_419 : vector<16xi1>, vector<16xf32>
    %dma_start3A_464 = arith.constant 1 : i32
    %dma_start3A_465 = arith.constant 1 : i32
    %dma_start3A_466 = arith.constant 0 : i32
    %dma_start3A_467 = arith.constant 0 : i32
    %dma_start3A_468 = tpu.memref_slice %arg6[%dma_start3A_464, %dma_start3A_466, %dma_start3A_467] : memref<2x4x12480xf32, #tpu.memory_space<vmem>> -> memref<1x4x12480xf32, #tpu.memory_space<vmem>>
    %dma_start3A_469 = tpu.memref_squeeze %dma_start3A_468 : memref<1x4x12480xf32, #tpu.memory_space<vmem>> -> memref<4x12480xf32, #tpu.memory_space<vmem>>
    %dma_start3A_470 = arith.constant 0 : i32
    %dma_start3A_471 = tpu.memref_slice %arg2[%add3A_10, %dma_start3A_470] : memref<768x12480xf32, #tpu.memory_space<hbm>> -> memref<4x12480xf32, #tpu.memory_space<hbm>>
    %dma_start3A_472 = tpu.memref_slice %arg9[%dma_start3A_465] : memref<2x!tpu.dma_semaphore, #tpu.memory_space<semaphore_mem>> -> memref<1x!tpu.dma_semaphore, #tpu.memory_space<semaphore_mem>>
    %dma_start3A_473 = tpu.memref_squeeze %dma_start3A_472 : memref<1x!tpu.dma_semaphore, #tpu.memory_space<semaphore_mem>> -> memref<!tpu.dma_semaphore, #tpu.memory_space<semaphore_mem>>
    %dma_start3A_474 = arith.constant 0 : i32
    %dma_start3A_475 = arith.constant 0 : i32
    %dma_start3A_476 = tpu.memref_slice %arg6[%dma_start3A_464, %dma_start3A_474, %dma_start3A_475] : memref<2x4x12480xf32, #tpu.memory_space<vmem>> -> memref<1x4x12480xf32, #tpu.memory_space<vmem>>
    %dma_start3A_477 = tpu.memref_squeeze %dma_start3A_476 : memref<1x4x12480xf32, #tpu.memory_space<vmem>> -> memref<4x12480xf32, #tpu.memory_space<vmem>>
    %dma_start3A_478 = arith.constant 0 : i32
    %dma_start3A_479 = tpu.memref_slice %arg2[%add3A_10, %dma_start3A_478] : memref<768x12480xf32, #tpu.memory_space<hbm>> -> memref<4x12480xf32, #tpu.memory_space<hbm>>
    tpu.enqueue_dma source(%dma_start3A_479 : memref<4x12480xf32, #tpu.memory_space<hbm>>) target(%dma_start3A_477 : memref<4x12480xf32, #tpu.memory_space<vmem>>) target_semaphore(%dma_start3A_473 : memref<!tpu.dma_semaphore, #tpu.memory_space<semaphore_mem>>)
    %dma_wait3A_480 = arith.constant 0 : i32
    %dma_wait3A_481 = arith.constant 0 : i32
    %dma_wait3A_482 = arith.constant 0 : i32
    %dma_wait3A_483 = arith.constant 0 : i32
    %dma_wait3A_484 = tpu.memref_slice %arg6[%dma_wait3A_480, %dma_wait3A_482, %dma_wait3A_483] : memref<2x4x12480xf32, #tpu.memory_space<vmem>> -> memref<1x4x12480xf32, #tpu.memory_space<vmem>>
    %dma_wait3A_485 = tpu.memref_squeeze %dma_wait3A_484 : memref<1x4x12480xf32, #tpu.memory_space<vmem>> -> memref<4x12480xf32, #tpu.memory_space<vmem>>
    %dma_wait3A_486 = arith.constant 0 : i32
    %dma_wait3A_487 = tpu.memref_slice %arg2[%add3A_8, %dma_wait3A_486] : memref<768x12480xf32, #tpu.memory_space<hbm>> -> memref<4x12480xf32, #tpu.memory_space<hbm>>
    %dma_wait3A_488 = tpu.memref_slice %arg9[%dma_wait3A_481] : memref<2x!tpu.dma_semaphore, #tpu.memory_space<semaphore_mem>> -> memref<1x!tpu.dma_semaphore, #tpu.memory_space<semaphore_mem>>
    %dma_wait3A_489 = tpu.memref_squeeze %dma_wait3A_488 : memref<1x!tpu.dma_semaphore, #tpu.memory_space<semaphore_mem>> -> memref<!tpu.dma_semaphore, #tpu.memory_space<semaphore_mem>>
    %dma_wait3A_490 = arith.constant 0 : i32
    %dma_wait3A_491 = arith.constant 0 : i32
    %dma_wait3A_492 = tpu.memref_slice %arg6[%dma_wait3A_480, %dma_wait3A_490, %dma_wait3A_491] : memref<2x4x12480xf32, #tpu.memory_space<vmem>> -> memref<1x4x12480xf32, #tpu.memory_space<vmem>>
    %dma_wait3A_493 = tpu.memref_squeeze %dma_wait3A_492 : memref<1x4x12480xf32, #tpu.memory_space<vmem>> -> memref<4x12480xf32, #tpu.memory_space<vmem>>
    %dma_wait3A_494 = arith.constant 0 : i32
    %dma_wait3A_495 = tpu.memref_slice %arg2[%add3A_8, %dma_wait3A_494] : memref<768x12480xf32, #tpu.memory_space<hbm>> -> memref<4x12480xf32, #tpu.memory_space<hbm>>
    tpu.wait_dma2 semaphore(%dma_wait3A_489 : memref<!tpu.dma_semaphore, #tpu.memory_space<semaphore_mem>>) src(%dma_wait3A_495 : memref<4x12480xf32, #tpu.memory_space<hbm>>) dst(%dma_wait3A_493 : memref<4x12480xf32, #tpu.memory_space<vmem>>)
    %broadcast_in_dim3A_496 = arith.constant 0.000000e+00 : f32
    %broadcast_in_dim3A_497 = vector.broadcast %broadcast_in_dim3A_496 : f32 to vector<16xf32>
    %broadcast_in_dim3A_498 = arith.constant 0.000000e+00 : f32
    %broadcast_in_dim3A_499 = vector.broadcast %broadcast_in_dim3A_498 : f32 to vector<16xf32>
    %broadcast_in_dim3A_500 = arith.constant 0.000000e+00 : f32
    %broadcast_in_dim3A_501 = vector.broadcast %broadcast_in_dim3A_500 : f32 to vector<16xf32>
    %broadcast_in_dim3A_502 = arith.constant 0.000000e+00 : f32
    %broadcast_in_dim3A_503 = vector.broadcast %broadcast_in_dim3A_502 : f32 to vector<16xf32>
    %scan3A_504 = arith.constant 0 : i32
    %scan3A_505 = arith.constant 195 : i32
    %scan3A_506 = arith.addi %scan3A_504, %scan3A_505 : i32
    %scan3A_507 = arith.constant 1 : i32
    %scan3A_508:4 = scf.for %scan3A_894 = %scan3A_504 to %scan3A_506 step %scan3A_507 iter_args(%scan3A_895 = %broadcast_in_dim3A_497, %scan3A_896 = %broadcast_in_dim3A_499, %scan3A_897 = %broadcast_in_dim3A_501, %scan3A_898 = %broadcast_in_dim3A_503) -> (vector<16xf32>, vector<16xf32>, vector<16xf32>, vector<16xf32>)  : i32 {
      %mul3A_899 = arith.constant 4 : i32
      %mul3A_900 = arith.muli %scan3A_894, %mul3A_899 : i32
      %add3A_901 = arith.constant 0 : i32
      %add3A_902 = arith.addi %mul3A_900, %add3A_901 : i32
      %mul3A_903 = arith.constant 16 : i32
      %mul3A_904 = arith.muli %add3A_902, %mul3A_903 : i32
      %get3A = arith.index_cast %mul3A_904 : i32 to index
      %get3A_905 = tpu.vector_load %arg5[%get3A] {strides = array<i32>} : memref<12480xf32, #tpu.memory_space<vmem>>, vector<16xf32>,
      %get3A_906 = arith.constant 0 : i32
      %get3A_907 = arith.constant 0 : i32
      %get3A_908 = arith.index_cast %get3A_906 : i32 to index
      %get3A_909 = arith.index_cast %get3A_907 : i32 to index
      %get3A_910 = arith.index_cast %mul3A_904 : i32 to index
      %get3A_911 = tpu.vector_load %arg6[%get3A_908, %get3A_909, %get3A_910] {strides = array<i32>} : memref<2x4x12480xf32, #tpu.memory_space<vmem>>, vector<16xf32>,
      %mul3A_912 = arith.mulf %get3A_911, %get3A_905 : vector<16xf32>
      %add3A_913 = arith.addf %scan3A_895, %mul3A_912 : vector<16xf32>
      %get3A_914 = arith.constant 0 : i32
      %get3A_915 = arith.constant 1 : i32
      %get3A_916 = arith.index_cast %get3A_914 : i32 to index
      %get3A_917 = arith.index_cast %get3A_915 : i32 to index
      %get3A_918 = arith.index_cast %mul3A_904 : i32 to index
      %get3A_919 = tpu.vector_load %arg6[%get3A_916, %get3A_917, %get3A_918] {strides = array<i32>} : memref<2x4x12480xf32, #tpu.memory_space<vmem>>, vector<16xf32>,
      %mul3A_920 = arith.mulf %get3A_919, %get3A_905 : vector<16xf32>
      %add3A_921 = arith.addf %scan3A_896, %mul3A_920 : vector<16xf32>
      %get3A_922 = arith.constant 0 : i32
      %get3A_923 = arith.constant 2 : i32
      %get3A_924 = arith.index_cast %get3A_922 : i32 to index
      %get3A_925 = arith.index_cast %get3A_923 : i32 to index
      %get3A_926 = arith.index_cast %mul3A_904 : i32 to index
      %get3A_927 = tpu.vector_load %arg6[%get3A_924, %get3A_925, %get3A_926] {strides = array<i32>} : memref<2x4x12480xf32, #tpu.memory_space<vmem>>, vector<16xf32>,
      %mul3A_928 = arith.mulf %get3A_927, %get3A_905 : vector<16xf32>
      %add3A_929 = arith.addf %scan3A_897, %mul3A_928 : vector<16xf32>
      %get3A_930 = arith.constant 0 : i32
      %get3A_931 = arith.constant 3 : i32
      %get3A_932 = arith.index_cast %get3A_930 : i32 to index
      %get3A_933 = arith.index_cast %get3A_931 : i32 to index
      %get3A_934 = arith.index_cast %mul3A_904 : i32 to index
      %get3A_935 = tpu.vector_load %arg6[%get3A_932, %get3A_933, %get3A_934] {strides = array<i32>} : memref<2x4x12480xf32, #tpu.memory_space<vmem>>, vector<16xf32>,
      %mul3A_936 = arith.mulf %get3A_935, %get3A_905 : vector<16xf32>
      %add3A_937 = arith.addf %scan3A_898, %mul3A_936 : vector<16xf32>
      %mul3A_938 = arith.constant 4 : i32
      %mul3A_939 = arith.muli %scan3A_894, %mul3A_938 : i32
      %add3A_940 = arith.constant 1 : i32
      %add3A_941 = arith.addi %mul3A_939, %add3A_940 : i32
      %mul3A_942 = arith.constant 16 : i32
      %mul3A_943 = arith.muli %add3A_941, %mul3A_942 : i32
      %get3A_944 = arith.index_cast %mul3A_943 : i32 to index
      %get3A_945 = tpu.vector_load %arg5[%get3A_944] {strides = array<i32>} : memref<12480xf32, #tpu.memory_space<vmem>>, vector<16xf32>,
      %get3A_946 = arith.constant 0 : i32
      %get3A_947 = arith.constant 0 : i32
      %get3A_948 = arith.index_cast %get3A_946 : i32 to index
      %get3A_949 = arith.index_cast %get3A_947 : i32 to index
      %get3A_950 = arith.index_cast %mul3A_943 : i32 to index
      %get3A_951 = tpu.vector_load %arg6[%get3A_948, %get3A_949, %get3A_950] {strides = array<i32>} : memref<2x4x12480xf32, #tpu.memory_space<vmem>>, vector<16xf32>,
      %mul3A_952 = arith.mulf %get3A_951, %get3A_945 : vector<16xf32>
      %add3A_953 = arith.addf %add3A_913, %mul3A_952 : vector<16xf32>
      %get3A_954 = arith.constant 0 : i32
      %get3A_955 = arith.constant 1 : i32
      %get3A_956 = arith.index_cast %get3A_954 : i32 to index
      %get3A_957 = arith.index_cast %get3A_955 : i32 to index
      %get3A_958 = arith.index_cast %mul3A_943 : i32 to index
      %get3A_959 = tpu.vector_load %arg6[%get3A_956, %get3A_957, %get3A_958] {strides = array<i32>} : memref<2x4x12480xf32, #tpu.memory_space<vmem>>, vector<16xf32>,
      %mul3A_960 = arith.mulf %get3A_959, %get3A_945 : vector<16xf32>
      %add3A_961 = arith.addf %add3A_921, %mul3A_960 : vector<16xf32>
      %get3A_962 = arith.constant 0 : i32
      %get3A_963 = arith.constant 2 : i32
      %get3A_964 = arith.index_cast %get3A_962 : i32 to index
      %get3A_965 = arith.index_cast %get3A_963 : i32 to index
      %get3A_966 = arith.index_cast %mul3A_943 : i32 to index
      %get3A_967 = tpu.vector_load %arg6[%get3A_964, %get3A_965, %get3A_966] {strides = array<i32>} : memref<2x4x12480xf32, #tpu.memory_space<vmem>>, vector<16xf32>,
      %mul3A_968 = arith.mulf %get3A_967, %get3A_945 : vector<16xf32>
      %add3A_969 = arith.addf %add3A_929, %mul3A_968 : vector<16xf32>
      %get3A_970 = arith.constant 0 : i32
      %get3A_971 = arith.constant 3 : i32
      %get3A_972 = arith.index_cast %get3A_970 : i32 to index
      %get3A_973 = arith.index_cast %get3A_971 : i32 to index
      %get3A_974 = arith.index_cast %mul3A_943 : i32 to index
      %get3A_975 = tpu.vector_load %arg6[%get3A_972, %get3A_973, %get3A_974] {strides = array<i32>} : memref<2x4x12480xf32, #tpu.memory_space<vmem>>, vector<16xf32>,
      %mul3A_976 = arith.mulf %get3A_975, %get3A_945 : vector<16xf32>
      %add3A_977 = arith.addf %add3A_937, %mul3A_976 : vector<16xf32>
      %mul3A_978 = arith.constant 4 : i32
      %mul3A_979 = arith.muli %scan3A_894, %mul3A_978 : i32
      %add3A_980 = arith.constant 2 : i32
      %add3A_981 = arith.addi %mul3A_979, %add3A_980 : i32
      %mul3A_982 = arith.constant 16 : i32
      %mul3A_983 = arith.muli %add3A_981, %mul3A_982 : i32
      %get3A_984 = arith.index_cast %mul3A_983 : i32 to index
      %get3A_985 = tpu.vector_load %arg5[%get3A_984] {strides = array<i32>} : memref<12480xf32, #tpu.memory_space<vmem>>, vector<16xf32>,
      %get3A_986 = arith.constant 0 : i32
      %get3A_987 = arith.constant 0 : i32
      %get3A_988 = arith.index_cast %get3A_986 : i32 to index
      %get3A_989 = arith.index_cast %get3A_987 : i32 to index
      %get3A_990 = arith.index_cast %mul3A_983 : i32 to index
      %get3A_991 = tpu.vector_load %arg6[%get3A_988, %get3A_989, %get3A_990] {strides = array<i32>} : memref<2x4x12480xf32, #tpu.memory_space<vmem>>, vector<16xf32>,
      %mul3A_992 = arith.mulf %get3A_991, %get3A_985 : vector<16xf32>
      %add3A_993 = arith.addf %add3A_953, %mul3A_992 : vector<16xf32>
      %get3A_994 = arith.constant 0 : i32
      %get3A_995 = arith.constant 1 : i32
      %get3A_996 = arith.index_cast %get3A_994 : i32 to index
      %get3A_997 = arith.index_cast %get3A_995 : i32 to index
      %get3A_998 = arith.index_cast %mul3A_983 : i32 to index
      %get3A_999 = tpu.vector_load %arg6[%get3A_996, %get3A_997, %get3A_998] {strides = array<i32>} : memref<2x4x12480xf32, #tpu.memory_space<vmem>>, vector<16xf32>,
      %mul3A_1000 = arith.mulf %get3A_999, %get3A_985 : vector<16xf32>
      %add3A_1001 = arith.addf %add3A_961, %mul3A_1000 : vector<16xf32>
      %get3A_1002 = arith.constant 0 : i32
      %get3A_1003 = arith.constant 2 : i32
      %get3A_1004 = arith.index_cast %get3A_1002 : i32 to index
      %get3A_1005 = arith.index_cast %get3A_1003 : i32 to index
      %get3A_1006 = arith.index_cast %mul3A_983 : i32 to index
      %get3A_1007 = tpu.vector_load %arg6[%get3A_1004, %get3A_1005, %get3A_1006] {strides = array<i32>} : memref<2x4x12480xf32, #tpu.memory_space<vmem>>, vector<16xf32>,
      %mul3A_1008 = arith.mulf %get3A_1007, %get3A_985 : vector<16xf32>
      %add3A_1009 = arith.addf %add3A_969, %mul3A_1008 : vector<16xf32>
      %get3A_1010 = arith.constant 0 : i32
      %get3A_1011 = arith.constant 3 : i32
      %get3A_1012 = arith.index_cast %get3A_1010 : i32 to index
      %get3A_1013 = arith.index_cast %get3A_1011 : i32 to index
      %get3A_1014 = arith.index_cast %mul3A_983 : i32 to index
      %get3A_1015 = tpu.vector_load %arg6[%get3A_1012, %get3A_1013, %get3A_1014] {strides = array<i32>} : memref<2x4x12480xf32, #tpu.memory_space<vmem>>, vector<16xf32>,
      %mul3A_1016 = arith.mulf %get3A_1015, %get3A_985 : vector<16xf32>
      %add3A_1017 = arith.addf %add3A_977, %mul3A_1016 : vector<16xf32>
      %mul3A_1018 = arith.constant 4 : i32
      %mul3A_1019 = arith.muli %scan3A_894, %mul3A_1018 : i32
      %add3A_1020 = arith.constant 3 : i32
      %add3A_1021 = arith.addi %mul3A_1019, %add3A_1020 : i32
      %mul3A_1022 = arith.constant 16 : i32
      %mul3A_1023 = arith.muli %add3A_1021, %mul3A_1022 : i32
      %get3A_1024 = arith.index_cast %mul3A_1023 : i32 to index
      %get3A_1025 = tpu.vector_load %arg5[%get3A_1024] {strides = array<i32>} : memref<12480xf32, #tpu.memory_space<vmem>>, vector<16xf32>,
      %get3A_1026 = arith.constant 0 : i32
      %get3A_1027 = arith.constant 0 : i32
      %get3A_1028 = arith.index_cast %get3A_1026 : i32 to index
      %get3A_1029 = arith.index_cast %get3A_1027 : i32 to index
      %get3A_1030 = arith.index_cast %mul3A_1023 : i32 to index
      %get3A_1031 = tpu.vector_load %arg6[%get3A_1028, %get3A_1029, %get3A_1030] {strides = array<i32>} : memref<2x4x12480xf32, #tpu.memory_space<vmem>>, vector<16xf32>,
      %mul3A_1032 = arith.mulf %get3A_1031, %get3A_1025 : vector<16xf32>
      %add3A_1033 = arith.addf %add3A_993, %mul3A_1032 : vector<16xf32>
      %get3A_1034 = arith.constant 0 : i32
      %get3A_1035 = arith.constant 1 : i32
      %get3A_1036 = arith.index_cast %get3A_1034 : i32 to index
      %get3A_1037 = arith.index_cast %get3A_1035 : i32 to index
      %get3A_1038 = arith.index_cast %mul3A_1023 : i32 to index
      %get3A_1039 = tpu.vector_load %arg6[%get3A_1036, %get3A_1037, %get3A_1038] {strides = array<i32>} : memref<2x4x12480xf32, #tpu.memory_space<vmem>>, vector<16xf32>,
      %mul3A_1040 = arith.mulf %get3A_1039, %get3A_1025 : vector<16xf32>
      %add3A_1041 = arith.addf %add3A_1001, %mul3A_1040 : vector<16xf32>
      %get3A_1042 = arith.constant 0 : i32
      %get3A_1043 = arith.constant 2 : i32
      %get3A_1044 = arith.index_cast %get3A_1042 : i32 to index
      %get3A_1045 = arith.index_cast %get3A_1043 : i32 to index
      %get3A_1046 = arith.index_cast %mul3A_1023 : i32 to index
      %get3A_1047 = tpu.vector_load %arg6[%get3A_1044, %get3A_1045, %get3A_1046] {strides = array<i32>} : memref<2x4x12480xf32, #tpu.memory_space<vmem>>, vector<16xf32>,
      %mul3A_1048 = arith.mulf %get3A_1047, %get3A_1025 : vector<16xf32>
      %add3A_1049 = arith.addf %add3A_1009, %mul3A_1048 : vector<16xf32>
      %get3A_1050 = arith.constant 0 : i32
      %get3A_1051 = arith.constant 3 : i32
      %get3A_1052 = arith.index_cast %get3A_1050 : i32 to index
      %get3A_1053 = arith.index_cast %get3A_1051 : i32 to index
      %get3A_1054 = arith.index_cast %mul3A_1023 : i32 to index
      %get3A_1055 = tpu.vector_load %arg6[%get3A_1052, %get3A_1053, %get3A_1054] {strides = array<i32>} : memref<2x4x12480xf32, #tpu.memory_space<vmem>>, vector<16xf32>,
      %mul3A_1056 = arith.mulf %get3A_1055, %get3A_1025 : vector<16xf32>
      %add3A_1057 = arith.addf %add3A_1017, %mul3A_1056 : vector<16xf32>
      scf.yield %add3A_1033, %add3A_1041, %add3A_1049, %add3A_1057 : vector<16xf32>, vector<16xf32>, vector<16xf32>, vector<16xf32>
    }
    %scan3A_509 = arith.constant 195 : i32
    %swap3A_510 = arith.constant 0 : index
    %swap3A_511 = tpu.vector_load %arg8[%swap3A_510] {strides = array<i32>} : memref<16xf32, #tpu.memory_space<vmem>>, vector<16xf32>,
    tpu.vector_store %arg8[%swap3A_510], %scan3A_508#0 {strides = array<i32>} : memref<16xf32, #tpu.memory_space<vmem>>, vector<16xf32>,
    %add3A_512 = arith.constant 8 : i32
    %add3A_513 = vector.broadcast %add3A_512 : i32 to vector<16xi32>
    %add3A_514 = arith.addi %iota3A, %add3A_513 : vector<16xi32>
    %and3A_515 = arith.constant 15 : i32
    %and3A_516 = vector.broadcast %and3A_515 : i32 to vector<16xi32>
    %and3A_517 = arith.andi %add3A_514, %and3A_516 : vector<16xi32>
    %gather3A_518 = tpu.vector_load_idx %arg8[%and3A_517] : memref<16xf32, #tpu.memory_space<vmem>>[vector<16xi32>], vector<16xf32>,
    %add3A_519 = arith.addf %scan3A_508#0, %gather3A_518 : vector<16xf32>
    %swap3A_520 = arith.constant 0 : index
    %swap3A_521 = tpu.vector_load %arg8[%swap3A_520] {strides = array<i32>} : memref<16xf32, #tpu.memory_space<vmem>>, vector<16xf32>,
    tpu.vector_store %arg8[%swap3A_520], %add3A_519 {strides = array<i32>} : memref<16xf32, #tpu.memory_space<vmem>>, vector<16xf32>,
    %add3A_522 = arith.constant 4 : i32
    %add3A_523 = vector.broadcast %add3A_522 : i32 to vector<16xi32>
    %add3A_524 = arith.addi %iota3A, %add3A_523 : vector<16xi32>
    %and3A_525 = arith.constant 15 : i32
    %and3A_526 = vector.broadcast %and3A_525 : i32 to vector<16xi32>
    %and3A_527 = arith.andi %add3A_524, %and3A_526 : vector<16xi32>
    %gather3A_528 = tpu.vector_load_idx %arg8[%and3A_527] : memref<16xf32, #tpu.memory_space<vmem>>[vector<16xi32>], vector<16xf32>,
    %add3A_529 = arith.addf %add3A_519, %gather3A_528 : vector<16xf32>
    %swap3A_530 = arith.constant 0 : index
    %swap3A_531 = tpu.vector_load %arg8[%swap3A_530] {strides = array<i32>} : memref<16xf32, #tpu.memory_space<vmem>>, vector<16xf32>,
    tpu.vector_store %arg8[%swap3A_530], %add3A_529 {strides = array<i32>} : memref<16xf32, #tpu.memory_space<vmem>>, vector<16xf32>,
    %add3A_532 = arith.constant 2 : i32
    %add3A_533 = vector.broadcast %add3A_532 : i32 to vector<16xi32>
    %add3A_534 = arith.addi %iota3A, %add3A_533 : vector<16xi32>
    %and3A_535 = arith.constant 15 : i32
    %and3A_536 = vector.broadcast %and3A_535 : i32 to vector<16xi32>
    %and3A_537 = arith.andi %add3A_534, %and3A_536 : vector<16xi32>
    %gather3A_538 = tpu.vector_load_idx %arg8[%and3A_537] : memref<16xf32, #tpu.memory_space<vmem>>[vector<16xi32>], vector<16xf32>,
    %add3A_539 = arith.addf %add3A_529, %gather3A_538 : vector<16xf32>
    %swap3A_540 = arith.constant 0 : index
    %swap3A_541 = tpu.vector_load %arg8[%swap3A_540] {strides = array<i32>} : memref<16xf32, #tpu.memory_space<vmem>>, vector<16xf32>,
    tpu.vector_store %arg8[%swap3A_540], %add3A_539 {strides = array<i32>} : memref<16xf32, #tpu.memory_space<vmem>>, vector<16xf32>,
    %add3A_542 = arith.constant 1 : i32
    %add3A_543 = vector.broadcast %add3A_542 : i32 to vector<16xi32>
    %add3A_544 = arith.addi %iota3A, %add3A_543 : vector<16xi32>
    %and3A_545 = arith.constant 15 : i32
    %and3A_546 = vector.broadcast %and3A_545 : i32 to vector<16xi32>
    %and3A_547 = arith.andi %add3A_544, %and3A_546 : vector<16xi32>
    %gather3A_548 = tpu.vector_load_idx %arg8[%and3A_547] : memref<16xf32, #tpu.memory_space<vmem>>[vector<16xi32>], vector<16xf32>,
    %add3A_549 = arith.addf %add3A_539, %gather3A_548 : vector<16xf32>
    %eq3A_550 = arith.constant 8 : i32
    %eq3A_551 = vector.broadcast %eq3A_550 : i32 to vector<16xi32>
    %eq3A_552 = arith.cmpi eq, %iota3A, %eq3A_551 : vector<16xi32>
    %select_n3A_553 = arith.select %eq3A_552, %add3A_549, %select_n3A_463 : vector<16xi1>, vector<16xf32>
    %swap3A_554 = arith.constant 0 : index
    %swap3A_555 = tpu.vector_load %arg8[%swap3A_554] {strides = array<i32>} : memref<16xf32, #tpu.memory_space<vmem>>, vector<16xf32>,
    tpu.vector_store %arg8[%swap3A_554], %scan3A_508#1 {strides = array<i32>} : memref<16xf32, #tpu.memory_space<vmem>>, vector<16xf32>,
    %add3A_556 = arith.constant 8 : i32
    %add3A_557 = vector.broadcast %add3A_556 : i32 to vector<16xi32>
    %add3A_558 = arith.addi %iota3A, %add3A_557 : vector<16xi32>
    %and3A_559 = arith.constant 15 : i32
    %and3A_560 = vector.broadcast %and3A_559 : i32 to vector<16xi32>
    %and3A_561 = arith.andi %add3A_558, %and3A_560 : vector<16xi32>
    %gather3A_562 = tpu.vector_load_idx %arg8[%and3A_561] : memref<16xf32, #tpu.memory_space<vmem>>[vector<16xi32>], vector<16xf32>,
    %add3A_563 = arith.addf %scan3A_508#1, %gather3A_562 : vector<16xf32>
    %swap3A_564 = arith.constant 0 : index
    %swap3A_565 = tpu.vector_load %arg8[%swap3A_564] {strides = array<i32>} : memref<16xf32, #tpu.memory_space<vmem>>, vector<16xf32>,
    tpu.vector_store %arg8[%swap3A_564], %add3A_563 {strides = array<i32>} : memref<16xf32, #tpu.memory_space<vmem>>, vector<16xf32>,
    %add3A_566 = arith.constant 4 : i32
    %add3A_567 = vector.broadcast %add3A_566 : i32 to vector<16xi32>
    %add3A_568 = arith.addi %iota3A, %add3A_567 : vector<16xi32>
    %and3A_569 = arith.constant 15 : i32
    %and3A_570 = vector.broadcast %and3A_569 : i32 to vector<16xi32>
    %and3A_571 = arith.andi %add3A_568, %and3A_570 : vector<16xi32>
    %gather3A_572 = tpu.vector_load_idx %arg8[%and3A_571] : memref<16xf32, #tpu.memory_space<vmem>>[vector<16xi32>], vector<16xf32>,
    %add3A_573 = arith.addf %add3A_563, %gather3A_572 : vector<16xf32>
    %swap3A_574 = arith.constant 0 : index
    %swap3A_575 = tpu.vector_load %arg8[%swap3A_574] {strides = array<i32>} : memref<16xf32, #tpu.memory_space<vmem>>, vector<16xf32>,
    tpu.vector_store %arg8[%swap3A_574], %add3A_573 {strides = array<i32>} : memref<16xf32, #tpu.memory_space<vmem>>, vector<16xf32>,
    %add3A_576 = arith.constant 2 : i32
    %add3A_577 = vector.broadcast %add3A_576 : i32 to vector<16xi32>
    %add3A_578 = arith.addi %iota3A, %add3A_577 : vector<16xi32>
    %and3A_579 = arith.constant 15 : i32
    %and3A_580 = vector.broadcast %and3A_579 : i32 to vector<16xi32>
    %and3A_581 = arith.andi %add3A_578, %and3A_580 : vector<16xi32>
    %gather3A_582 = tpu.vector_load_idx %arg8[%and3A_581] : memref<16xf32, #tpu.memory_space<vmem>>[vector<16xi32>], vector<16xf32>,
    %add3A_583 = arith.addf %add3A_573, %gather3A_582 : vector<16xf32>
    %swap3A_584 = arith.constant 0 : index
    %swap3A_585 = tpu.vector_load %arg8[%swap3A_584] {strides = array<i32>} : memref<16xf32, #tpu.memory_space<vmem>>, vector<16xf32>,
    tpu.vector_store %arg8[%swap3A_584], %add3A_583 {strides = array<i32>} : memref<16xf32, #tpu.memory_space<vmem>>, vector<16xf32>,
    %add3A_586 = arith.constant 1 : i32
    %add3A_587 = vector.broadcast %add3A_586 : i32 to vector<16xi32>
    %add3A_588 = arith.addi %iota3A, %add3A_587 : vector<16xi32>
    %and3A_589 = arith.constant 15 : i32
    %and3A_590 = vector.broadcast %and3A_589 : i32 to vector<16xi32>
    %and3A_591 = arith.andi %add3A_588, %and3A_590 : vector<16xi32>
    %gather3A_592 = tpu.vector_load_idx %arg8[%and3A_591] : memref<16xf32, #tpu.memory_space<vmem>>[vector<16xi32>], vector<16xf32>,
    %add3A_593 = arith.addf %add3A_583, %gather3A_592 : vector<16xf32>
    %eq3A_594 = arith.constant 9 : i32
    %eq3A_595 = vector.broadcast %eq3A_594 : i32 to vector<16xi32>
    %eq3A_596 = arith.cmpi eq, %iota3A, %eq3A_595 : vector<16xi32>
    %select_n3A_597 = arith.select %eq3A_596, %add3A_593, %select_n3A_553 : vector<16xi1>, vector<16xf32>
    %swap3A_598 = arith.constant 0 : index
    %swap3A_599 = tpu.vector_load %arg8[%swap3A_598] {strides = array<i32>} : memref<16xf32, #tpu.memory_space<vmem>>, vector<16xf32>,
    tpu.vector_store %arg8[%swap3A_598], %scan3A_508#2 {strides = array<i32>} : memref<16xf32, #tpu.memory_space<vmem>>, vector<16xf32>,
    %add3A_600 = arith.constant 8 : i32
    %add3A_601 = vector.broadcast %add3A_600 : i32 to vector<16xi32>
    %add3A_602 = arith.addi %iota3A, %add3A_601 : vector<16xi32>
    %and3A_603 = arith.constant 15 : i32
    %and3A_604 = vector.broadcast %and3A_603 : i32 to vector<16xi32>
    %and3A_605 = arith.andi %add3A_602, %and3A_604 : vector<16xi32>
    %gather3A_606 = tpu.vector_load_idx %arg8[%and3A_605] : memref<16xf32, #tpu.memory_space<vmem>>[vector<16xi32>], vector<16xf32>,
    %add3A_607 = arith.addf %scan3A_508#2, %gather3A_606 : vector<16xf32>
    %swap3A_608 = arith.constant 0 : index
    %swap3A_609 = tpu.vector_load %arg8[%swap3A_608] {strides = array<i32>} : memref<16xf32, #tpu.memory_space<vmem>>, vector<16xf32>,
    tpu.vector_store %arg8[%swap3A_608], %add3A_607 {strides = array<i32>} : memref<16xf32, #tpu.memory_space<vmem>>, vector<16xf32>,
    %add3A_610 = arith.constant 4 : i32
    %add3A_611 = vector.broadcast %add3A_610 : i32 to vector<16xi32>
    %add3A_612 = arith.addi %iota3A, %add3A_611 : vector<16xi32>
    %and3A_613 = arith.constant 15 : i32
    %and3A_614 = vector.broadcast %and3A_613 : i32 to vector<16xi32>
    %and3A_615 = arith.andi %add3A_612, %and3A_614 : vector<16xi32>
    %gather3A_616 = tpu.vector_load_idx %arg8[%and3A_615] : memref<16xf32, #tpu.memory_space<vmem>>[vector<16xi32>], vector<16xf32>,
    %add3A_617 = arith.addf %add3A_607, %gather3A_616 : vector<16xf32>
    %swap3A_618 = arith.constant 0 : index
    %swap3A_619 = tpu.vector_load %arg8[%swap3A_618] {strides = array<i32>} : memref<16xf32, #tpu.memory_space<vmem>>, vector<16xf32>,
    tpu.vector_store %arg8[%swap3A_618], %add3A_617 {strides = array<i32>} : memref<16xf32, #tpu.memory_space<vmem>>, vector<16xf32>,
    %add3A_620 = arith.constant 2 : i32
    %add3A_621 = vector.broadcast %add3A_620 : i32 to vector<16xi32>
    %add3A_622 = arith.addi %iota3A, %add3A_621 : vector<16xi32>
    %and3A_623 = arith.constant 15 : i32
    %and3A_624 = vector.broadcast %and3A_623 : i32 to vector<16xi32>
    %and3A_625 = arith.andi %add3A_622, %and3A_624 : vector<16xi32>
    %gather3A_626 = tpu.vector_load_idx %arg8[%and3A_625] : memref<16xf32, #tpu.memory_space<vmem>>[vector<16xi32>], vector<16xf32>,
    %add3A_627 = arith.addf %add3A_617, %gather3A_626 : vector<16xf32>
    %swap3A_628 = arith.constant 0 : index
    %swap3A_629 = tpu.vector_load %arg8[%swap3A_628] {strides = array<i32>} : memref<16xf32, #tpu.memory_space<vmem>>, vector<16xf32>,
    tpu.vector_store %arg8[%swap3A_628], %add3A_627 {strides = array<i32>} : memref<16xf32, #tpu.memory_space<vmem>>, vector<16xf32>,
    %add3A_630 = arith.constant 1 : i32
    %add3A_631 = vector.broadcast %add3A_630 : i32 to vector<16xi32>
    %add3A_632 = arith.addi %iota3A, %add3A_631 : vector<16xi32>
    %and3A_633 = arith.constant 15 : i32
    %and3A_634 = vector.broadcast %and3A_633 : i32 to vector<16xi32>
    %and3A_635 = arith.andi %add3A_632, %and3A_634 : vector<16xi32>
    %gather3A_636 = tpu.vector_load_idx %arg8[%and3A_635] : memref<16xf32, #tpu.memory_space<vmem>>[vector<16xi32>], vector<16xf32>,
    %add3A_637 = arith.addf %add3A_627, %gather3A_636 : vector<16xf32>
    %eq3A_638 = arith.constant 10 : i32
    %eq3A_639 = vector.broadcast %eq3A_638 : i32 to vector<16xi32>
    %eq3A_640 = arith.cmpi eq, %iota3A, %eq3A_639 : vector<16xi32>
    %select_n3A_641 = arith.select %eq3A_640, %add3A_637, %select_n3A_597 : vector<16xi1>, vector<16xf32>
    %swap3A_642 = arith.constant 0 : index
    %swap3A_643 = tpu.vector_load %arg8[%swap3A_642] {strides = array<i32>} : memref<16xf32, #tpu.memory_space<vmem>>, vector<16xf32>,
    tpu.vector_store %arg8[%swap3A_642], %scan3A_508#3 {strides = array<i32>} : memref<16xf32, #tpu.memory_space<vmem>>, vector<16xf32>,
    %add3A_644 = arith.constant 8 : i32
    %add3A_645 = vector.broadcast %add3A_644 : i32 to vector<16xi32>
    %add3A_646 = arith.addi %iota3A, %add3A_645 : vector<16xi32>
    %and3A_647 = arith.constant 15 : i32
    %and3A_648 = vector.broadcast %and3A_647 : i32 to vector<16xi32>
    %and3A_649 = arith.andi %add3A_646, %and3A_648 : vector<16xi32>
    %gather3A_650 = tpu.vector_load_idx %arg8[%and3A_649] : memref<16xf32, #tpu.memory_space<vmem>>[vector<16xi32>], vector<16xf32>,
    %add3A_651 = arith.addf %scan3A_508#3, %gather3A_650 : vector<16xf32>
    %swap3A_652 = arith.constant 0 : index
    %swap3A_653 = tpu.vector_load %arg8[%swap3A_652] {strides = array<i32>} : memref<16xf32, #tpu.memory_space<vmem>>, vector<16xf32>,
    tpu.vector_store %arg8[%swap3A_652], %add3A_651 {strides = array<i32>} : memref<16xf32, #tpu.memory_space<vmem>>, vector<16xf32>,
    %add3A_654 = arith.constant 4 : i32
    %add3A_655 = vector.broadcast %add3A_654 : i32 to vector<16xi32>
    %add3A_656 = arith.addi %iota3A, %add3A_655 : vector<16xi32>
    %and3A_657 = arith.constant 15 : i32
    %and3A_658 = vector.broadcast %and3A_657 : i32 to vector<16xi32>
    %and3A_659 = arith.andi %add3A_656, %and3A_658 : vector<16xi32>
    %gather3A_660 = tpu.vector_load_idx %arg8[%and3A_659] : memref<16xf32, #tpu.memory_space<vmem>>[vector<16xi32>], vector<16xf32>,
    %add3A_661 = arith.addf %add3A_651, %gather3A_660 : vector<16xf32>
    %swap3A_662 = arith.constant 0 : index
    %swap3A_663 = tpu.vector_load %arg8[%swap3A_662] {strides = array<i32>} : memref<16xf32, #tpu.memory_space<vmem>>, vector<16xf32>,
    tpu.vector_store %arg8[%swap3A_662], %add3A_661 {strides = array<i32>} : memref<16xf32, #tpu.memory_space<vmem>>, vector<16xf32>,
    %add3A_664 = arith.constant 2 : i32
    %add3A_665 = vector.broadcast %add3A_664 : i32 to vector<16xi32>
    %add3A_666 = arith.addi %iota3A, %add3A_665 : vector<16xi32>
    %and3A_667 = arith.constant 15 : i32
    %and3A_668 = vector.broadcast %and3A_667 : i32 to vector<16xi32>
    %and3A_669 = arith.andi %add3A_666, %and3A_668 : vector<16xi32>
    %gather3A_670 = tpu.vector_load_idx %arg8[%and3A_669] : memref<16xf32, #tpu.memory_space<vmem>>[vector<16xi32>], vector<16xf32>,
    %add3A_671 = arith.addf %add3A_661, %gather3A_670 : vector<16xf32>
    %swap3A_672 = arith.constant 0 : index
    %swap3A_673 = tpu.vector_load %arg8[%swap3A_672] {strides = array<i32>} : memref<16xf32, #tpu.memory_space<vmem>>, vector<16xf32>,
    tpu.vector_store %arg8[%swap3A_672], %add3A_671 {strides = array<i32>} : memref<16xf32, #tpu.memory_space<vmem>>, vector<16xf32>,
    %add3A_674 = arith.constant 1 : i32
    %add3A_675 = vector.broadcast %add3A_674 : i32 to vector<16xi32>
    %add3A_676 = arith.addi %iota3A, %add3A_675 : vector<16xi32>
    %and3A_677 = arith.constant 15 : i32
    %and3A_678 = vector.broadcast %and3A_677 : i32 to vector<16xi32>
    %and3A_679 = arith.andi %add3A_676, %and3A_678 : vector<16xi32>
    %gather3A_680 = tpu.vector_load_idx %arg8[%and3A_679] : memref<16xf32, #tpu.memory_space<vmem>>[vector<16xi32>], vector<16xf32>,
    %add3A_681 = arith.addf %add3A_671, %gather3A_680 : vector<16xf32>
    %eq3A_682 = arith.constant 11 : i32
    %eq3A_683 = vector.broadcast %eq3A_682 : i32 to vector<16xi32>
    %eq3A_684 = arith.cmpi eq, %iota3A, %eq3A_683 : vector<16xi32>
    %select_n3A_685 = arith.select %eq3A_684, %add3A_681, %select_n3A_641 : vector<16xi1>, vector<16xf32>
    %dma_wait3A_686 = arith.constant 1 : i32
    %dma_wait3A_687 = arith.constant 1 : i32
    %dma_wait3A_688 = arith.constant 0 : i32
    %dma_wait3A_689 = arith.constant 0 : i32
    %dma_wait3A_690 = tpu.memref_slice %arg6[%dma_wait3A_686, %dma_wait3A_688, %dma_wait3A_689] : memref<2x4x12480xf32, #tpu.memory_space<vmem>> -> memref<1x4x12480xf32, #tpu.memory_space<vmem>>
    %dma_wait3A_691 = tpu.memref_squeeze %dma_wait3A_690 : memref<1x4x12480xf32, #tpu.memory_space<vmem>> -> memref<4x12480xf32, #tpu.memory_space<vmem>>
    %dma_wait3A_692 = arith.constant 0 : i32
    %dma_wait3A_693 = tpu.memref_slice %arg2[%add3A_10, %dma_wait3A_692] : memref<768x12480xf32, #tpu.memory_space<hbm>> -> memref<4x12480xf32, #tpu.memory_space<hbm>>
    %dma_wait3A_694 = tpu.memref_slice %arg9[%dma_wait3A_687] : memref<2x!tpu.dma_semaphore, #tpu.memory_space<semaphore_mem>> -> memref<1x!tpu.dma_semaphore, #tpu.memory_space<semaphore_mem>>
    %dma_wait3A_695 = tpu.memref_squeeze %dma_wait3A_694 : memref<1x!tpu.dma_semaphore, #tpu.memory_space<semaphore_mem>> -> memref<!tpu.dma_semaphore, #tpu.memory_space<semaphore_mem>>
    %dma_wait3A_696 = arith.constant 0 : i32
    %dma_wait3A_697 = arith.constant 0 : i32
    %dma_wait3A_698 = tpu.memref_slice %arg6[%dma_wait3A_686, %dma_wait3A_696, %dma_wait3A_697] : memref<2x4x12480xf32, #tpu.memory_space<vmem>> -> memref<1x4x12480xf32, #tpu.memory_space<vmem>>
    %dma_wait3A_699 = tpu.memref_squeeze %dma_wait3A_698 : memref<1x4x12480xf32, #tpu.memory_space<vmem>> -> memref<4x12480xf32, #tpu.memory_space<vmem>>
    %dma_wait3A_700 = arith.constant 0 : i32
    %dma_wait3A_701 = tpu.memref_slice %arg2[%add3A_10, %dma_wait3A_700] : memref<768x12480xf32, #tpu.memory_space<hbm>> -> memref<4x12480xf32, #tpu.memory_space<hbm>>
    tpu.wait_dma2 semaphore(%dma_wait3A_695 : memref<!tpu.dma_semaphore, #tpu.memory_space<semaphore_mem>>) src(%dma_wait3A_701 : memref<4x12480xf32, #tpu.memory_space<hbm>>) dst(%dma_wait3A_699 : memref<4x12480xf32, #tpu.memory_space<vmem>>)
    %broadcast_in_dim3A_702 = arith.constant 0.000000e+00 : f32
    %broadcast_in_dim3A_703 = vector.broadcast %broadcast_in_dim3A_702 : f32 to vector<16xf32>
    %broadcast_in_dim3A_704 = arith.constant 0.000000e+00 : f32
    %broadcast_in_dim3A_705 = vector.broadcast %broadcast_in_dim3A_704 : f32 to vector<16xf32>
    %broadcast_in_dim3A_706 = arith.constant 0.000000e+00 : f32
    %broadcast_in_dim3A_707 = vector.broadcast %broadcast_in_dim3A_706 : f32 to vector<16xf32>
    %broadcast_in_dim3A_708 = arith.constant 0.000000e+00 : f32
    %broadcast_in_dim3A_709 = vector.broadcast %broadcast_in_dim3A_708 : f32 to vector<16xf32>
    %scan3A_710 = arith.constant 0 : i32
    %scan3A_711 = arith.constant 195 : i32
    %scan3A_712 = arith.addi %scan3A_710, %scan3A_711 : i32
    %scan3A_713 = arith.constant 1 : i32
    %scan3A_714:4 = scf.for %scan3A_894 = %scan3A_710 to %scan3A_712 step %scan3A_713 iter_args(%scan3A_895 = %broadcast_in_dim3A_703, %scan3A_896 = %broadcast_in_dim3A_705, %scan3A_897 = %broadcast_in_dim3A_707, %scan3A_898 = %broadcast_in_dim3A_709) -> (vector<16xf32>, vector<16xf32>, vector<16xf32>, vector<16xf32>)  : i32 {
      %mul3A_899 = arith.constant 4 : i32
      %mul3A_900 = arith.muli %scan3A_894, %mul3A_899 : i32
      %add3A_901 = arith.constant 0 : i32
      %add3A_902 = arith.addi %mul3A_900, %add3A_901 : i32
      %mul3A_903 = arith.constant 16 : i32
      %mul3A_904 = arith.muli %add3A_902, %mul3A_903 : i32
      %get3A = arith.index_cast %mul3A_904 : i32 to index
      %get3A_905 = tpu.vector_load %arg5[%get3A] {strides = array<i32>} : memref<12480xf32, #tpu.memory_space<vmem>>, vector<16xf32>,
      %get3A_906 = arith.constant 1 : i32
      %get3A_907 = arith.constant 0 : i32
      %get3A_908 = arith.index_cast %get3A_906 : i32 to index
      %get3A_909 = arith.index_cast %get3A_907 : i32 to index
      %get3A_910 = arith.index_cast %mul3A_904 : i32 to index
      %get3A_911 = tpu.vector_load %arg6[%get3A_908, %get3A_909, %get3A_910] {strides = array<i32>} : memref<2x4x12480xf32, #tpu.memory_space<vmem>>, vector<16xf32>,
      %mul3A_912 = arith.mulf %get3A_911, %get3A_905 : vector<16xf32>
      %add3A_913 = arith.addf %scan3A_895, %mul3A_912 : vector<16xf32>
      %get3A_914 = arith.constant 1 : i32
      %get3A_915 = arith.constant 1 : i32
      %get3A_916 = arith.index_cast %get3A_914 : i32 to index
      %get3A_917 = arith.index_cast %get3A_915 : i32 to index
      %get3A_918 = arith.index_cast %mul3A_904 : i32 to index
      %get3A_919 = tpu.vector_load %arg6[%get3A_916, %get3A_917, %get3A_918] {strides = array<i32>} : memref<2x4x12480xf32, #tpu.memory_space<vmem>>, vector<16xf32>,
      %mul3A_920 = arith.mulf %get3A_919, %get3A_905 : vector<16xf32>
      %add3A_921 = arith.addf %scan3A_896, %mul3A_920 : vector<16xf32>
      %get3A_922 = arith.constant 1 : i32
      %get3A_923 = arith.constant 2 : i32
      %get3A_924 = arith.index_cast %get3A_922 : i32 to index
      %get3A_925 = arith.index_cast %get3A_923 : i32 to index
      %get3A_926 = arith.index_cast %mul3A_904 : i32 to index
      %get3A_927 = tpu.vector_load %arg6[%get3A_924, %get3A_925, %get3A_926] {strides = array<i32>} : memref<2x4x12480xf32, #tpu.memory_space<vmem>>, vector<16xf32>,
      %mul3A_928 = arith.mulf %get3A_927, %get3A_905 : vector<16xf32>
      %add3A_929 = arith.addf %scan3A_897, %mul3A_928 : vector<16xf32>
      %get3A_930 = arith.constant 1 : i32
      %get3A_931 = arith.constant 3 : i32
      %get3A_932 = arith.index_cast %get3A_930 : i32 to index
      %get3A_933 = arith.index_cast %get3A_931 : i32 to index
      %get3A_934 = arith.index_cast %mul3A_904 : i32 to index
      %get3A_935 = tpu.vector_load %arg6[%get3A_932, %get3A_933, %get3A_934] {strides = array<i32>} : memref<2x4x12480xf32, #tpu.memory_space<vmem>>, vector<16xf32>,
      %mul3A_936 = arith.mulf %get3A_935, %get3A_905 : vector<16xf32>
      %add3A_937 = arith.addf %scan3A_898, %mul3A_936 : vector<16xf32>
      %mul3A_938 = arith.constant 4 : i32
      %mul3A_939 = arith.muli %scan3A_894, %mul3A_938 : i32
      %add3A_940 = arith.constant 1 : i32
      %add3A_941 = arith.addi %mul3A_939, %add3A_940 : i32
      %mul3A_942 = arith.constant 16 : i32
      %mul3A_943 = arith.muli %add3A_941, %mul3A_942 : i32
      %get3A_944 = arith.index_cast %mul3A_943 : i32 to index
      %get3A_945 = tpu.vector_load %arg5[%get3A_944] {strides = array<i32>} : memref<12480xf32, #tpu.memory_space<vmem>>, vector<16xf32>,
      %get3A_946 = arith.constant 1 : i32
      %get3A_947 = arith.constant 0 : i32
      %get3A_948 = arith.index_cast %get3A_946 : i32 to index
      %get3A_949 = arith.index_cast %get3A_947 : i32 to index
      %get3A_950 = arith.index_cast %mul3A_943 : i32 to index
      %get3A_951 = tpu.vector_load %arg6[%get3A_948, %get3A_949, %get3A_950] {strides = array<i32>} : memref<2x4x12480xf32, #tpu.memory_space<vmem>>, vector<16xf32>,
      %mul3A_952 = arith.mulf %get3A_951, %get3A_945 : vector<16xf32>
      %add3A_953 = arith.addf %add3A_913, %mul3A_952 : vector<16xf32>
      %get3A_954 = arith.constant 1 : i32
      %get3A_955 = arith.constant 1 : i32
      %get3A_956 = arith.index_cast %get3A_954 : i32 to index
      %get3A_957 = arith.index_cast %get3A_955 : i32 to index
      %get3A_958 = arith.index_cast %mul3A_943 : i32 to index
      %get3A_959 = tpu.vector_load %arg6[%get3A_956, %get3A_957, %get3A_958] {strides = array<i32>} : memref<2x4x12480xf32, #tpu.memory_space<vmem>>, vector<16xf32>,
      %mul3A_960 = arith.mulf %get3A_959, %get3A_945 : vector<16xf32>
      %add3A_961 = arith.addf %add3A_921, %mul3A_960 : vector<16xf32>
      %get3A_962 = arith.constant 1 : i32
      %get3A_963 = arith.constant 2 : i32
      %get3A_964 = arith.index_cast %get3A_962 : i32 to index
      %get3A_965 = arith.index_cast %get3A_963 : i32 to index
      %get3A_966 = arith.index_cast %mul3A_943 : i32 to index
      %get3A_967 = tpu.vector_load %arg6[%get3A_964, %get3A_965, %get3A_966] {strides = array<i32>} : memref<2x4x12480xf32, #tpu.memory_space<vmem>>, vector<16xf32>,
      %mul3A_968 = arith.mulf %get3A_967, %get3A_945 : vector<16xf32>
      %add3A_969 = arith.addf %add3A_929, %mul3A_968 : vector<16xf32>
      %get3A_970 = arith.constant 1 : i32
      %get3A_971 = arith.constant 3 : i32
      %get3A_972 = arith.index_cast %get3A_970 : i32 to index
      %get3A_973 = arith.index_cast %get3A_971 : i32 to index
      %get3A_974 = arith.index_cast %mul3A_943 : i32 to index
      %get3A_975 = tpu.vector_load %arg6[%get3A_972, %get3A_973, %get3A_974] {strides = array<i32>} : memref<2x4x12480xf32, #tpu.memory_space<vmem>>, vector<16xf32>,
      %mul3A_976 = arith.mulf %get3A_975, %get3A_945 : vector<16xf32>
      %add3A_977 = arith.addf %add3A_937, %mul3A_976 : vector<16xf32>
      %mul3A_978 = arith.constant 4 : i32
      %mul3A_979 = arith.muli %scan3A_894, %mul3A_978 : i32
      %add3A_980 = arith.constant 2 : i32
      %add3A_981 = arith.addi %mul3A_979, %add3A_980 : i32
      %mul3A_982 = arith.constant 16 : i32
      %mul3A_983 = arith.muli %add3A_981, %mul3A_982 : i32
      %get3A_984 = arith.index_cast %mul3A_983 : i32 to index
      %get3A_985 = tpu.vector_load %arg5[%get3A_984] {strides = array<i32>} : memref<12480xf32, #tpu.memory_space<vmem>>, vector<16xf32>,
      %get3A_986 = arith.constant 1 : i32
      %get3A_987 = arith.constant 0 : i32
      %get3A_988 = arith.index_cast %get3A_986 : i32 to index
      %get3A_989 = arith.index_cast %get3A_987 : i32 to index
      %get3A_990 = arith.index_cast %mul3A_983 : i32 to index
      %get3A_991 = tpu.vector_load %arg6[%get3A_988, %get3A_989, %get3A_990] {strides = array<i32>} : memref<2x4x12480xf32, #tpu.memory_space<vmem>>, vector<16xf32>,
      %mul3A_992 = arith.mulf %get3A_991, %get3A_985 : vector<16xf32>
      %add3A_993 = arith.addf %add3A_953, %mul3A_992 : vector<16xf32>
      %get3A_994 = arith.constant 1 : i32
      %get3A_995 = arith.constant 1 : i32
      %get3A_996 = arith.index_cast %get3A_994 : i32 to index
      %get3A_997 = arith.index_cast %get3A_995 : i32 to index
      %get3A_998 = arith.index_cast %mul3A_983 : i32 to index
      %get3A_999 = tpu.vector_load %arg6[%get3A_996, %get3A_997, %get3A_998] {strides = array<i32>} : memref<2x4x12480xf32, #tpu.memory_space<vmem>>, vector<16xf32>,
      %mul3A_1000 = arith.mulf %get3A_999, %get3A_985 : vector<16xf32>
      %add3A_1001 = arith.addf %add3A_961, %mul3A_1000 : vector<16xf32>
      %get3A_1002 = arith.constant 1 : i32
      %get3A_1003 = arith.constant 2 : i32
      %get3A_1004 = arith.index_cast %get3A_1002 : i32 to index
      %get3A_1005 = arith.index_cast %get3A_1003 : i32 to index
      %get3A_1006 = arith.index_cast %mul3A_983 : i32 to index
      %get3A_1007 = tpu.vector_load %arg6[%get3A_1004, %get3A_1005, %get3A_1006] {strides = array<i32>} : memref<2x4x12480xf32, #tpu.memory_space<vmem>>, vector<16xf32>,
      %mul3A_1008 = arith.mulf %get3A_1007, %get3A_985 : vector<16xf32>
      %add3A_1009 = arith.addf %add3A_969, %mul3A_1008 : vector<16xf32>
      %get3A_1010 = arith.constant 1 : i32
      %get3A_1011 = arith.constant 3 : i32
      %get3A_1012 = arith.index_cast %get3A_1010 : i32 to index
      %get3A_1013 = arith.index_cast %get3A_1011 : i32 to index
      %get3A_1014 = arith.index_cast %mul3A_983 : i32 to index
      %get3A_1015 = tpu.vector_load %arg6[%get3A_1012, %get3A_1013, %get3A_1014] {strides = array<i32>} : memref<2x4x12480xf32, #tpu.memory_space<vmem>>, vector<16xf32>,
      %mul3A_1016 = arith.mulf %get3A_1015, %get3A_985 : vector<16xf32>
      %add3A_1017 = arith.addf %add3A_977, %mul3A_1016 : vector<16xf32>
      %mul3A_1018 = arith.constant 4 : i32
      %mul3A_1019 = arith.muli %scan3A_894, %mul3A_1018 : i32
      %add3A_1020 = arith.constant 3 : i32
      %add3A_1021 = arith.addi %mul3A_1019, %add3A_1020 : i32
      %mul3A_1022 = arith.constant 16 : i32
      %mul3A_1023 = arith.muli %add3A_1021, %mul3A_1022 : i32
      %get3A_1024 = arith.index_cast %mul3A_1023 : i32 to index
      %get3A_1025 = tpu.vector_load %arg5[%get3A_1024] {strides = array<i32>} : memref<12480xf32, #tpu.memory_space<vmem>>, vector<16xf32>,
      %get3A_1026 = arith.constant 1 : i32
      %get3A_1027 = arith.constant 0 : i32
      %get3A_1028 = arith.index_cast %get3A_1026 : i32 to index
      %get3A_1029 = arith.index_cast %get3A_1027 : i32 to index
      %get3A_1030 = arith.index_cast %mul3A_1023 : i32 to index
      %get3A_1031 = tpu.vector_load %arg6[%get3A_1028, %get3A_1029, %get3A_1030] {strides = array<i32>} : memref<2x4x12480xf32, #tpu.memory_space<vmem>>, vector<16xf32>,
      %mul3A_1032 = arith.mulf %get3A_1031, %get3A_1025 : vector<16xf32>
      %add3A_1033 = arith.addf %add3A_993, %mul3A_1032 : vector<16xf32>
      %get3A_1034 = arith.constant 1 : i32
      %get3A_1035 = arith.constant 1 : i32
      %get3A_1036 = arith.index_cast %get3A_1034 : i32 to index
      %get3A_1037 = arith.index_cast %get3A_1035 : i32 to index
      %get3A_1038 = arith.index_cast %mul3A_1023 : i32 to index
      %get3A_1039 = tpu.vector_load %arg6[%get3A_1036, %get3A_1037, %get3A_1038] {strides = array<i32>} : memref<2x4x12480xf32, #tpu.memory_space<vmem>>, vector<16xf32>,
      %mul3A_1040 = arith.mulf %get3A_1039, %get3A_1025 : vector<16xf32>
      %add3A_1041 = arith.addf %add3A_1001, %mul3A_1040 : vector<16xf32>
      %get3A_1042 = arith.constant 1 : i32
      %get3A_1043 = arith.constant 2 : i32
      %get3A_1044 = arith.index_cast %get3A_1042 : i32 to index
      %get3A_1045 = arith.index_cast %get3A_1043 : i32 to index
      %get3A_1046 = arith.index_cast %mul3A_1023 : i32 to index
      %get3A_1047 = tpu.vector_load %arg6[%get3A_1044, %get3A_1045, %get3A_1046] {strides = array<i32>} : memref<2x4x12480xf32, #tpu.memory_space<vmem>>, vector<16xf32>,
      %mul3A_1048 = arith.mulf %get3A_1047, %get3A_1025 : vector<16xf32>
      %add3A_1049 = arith.addf %add3A_1009, %mul3A_1048 : vector<16xf32>
      %get3A_1050 = arith.constant 1 : i32
      %get3A_1051 = arith.constant 3 : i32
      %get3A_1052 = arith.index_cast %get3A_1050 : i32 to index
      %get3A_1053 = arith.index_cast %get3A_1051 : i32 to index
      %get3A_1054 = arith.index_cast %mul3A_1023 : i32 to index
      %get3A_1055 = tpu.vector_load %arg6[%get3A_1052, %get3A_1053, %get3A_1054] {strides = array<i32>} : memref<2x4x12480xf32, #tpu.memory_space<vmem>>, vector<16xf32>,
      %mul3A_1056 = arith.mulf %get3A_1055, %get3A_1025 : vector<16xf32>
      %add3A_1057 = arith.addf %add3A_1017, %mul3A_1056 : vector<16xf32>
      scf.yield %add3A_1033, %add3A_1041, %add3A_1049, %add3A_1057 : vector<16xf32>, vector<16xf32>, vector<16xf32>, vector<16xf32>
    }
    %scan3A_715 = arith.constant 195 : i32
    %swap3A_716 = arith.constant 0 : index
    %swap3A_717 = tpu.vector_load %arg8[%swap3A_716] {strides = array<i32>} : memref<16xf32, #tpu.memory_space<vmem>>, vector<16xf32>,
    tpu.vector_store %arg8[%swap3A_716], %scan3A_714#0 {strides = array<i32>} : memref<16xf32, #tpu.memory_space<vmem>>, vector<16xf32>,
    %add3A_718 = arith.constant 8 : i32
    %add3A_719 = vector.broadcast %add3A_718 : i32 to vector<16xi32>
    %add3A_720 = arith.addi %iota3A, %add3A_719 : vector<16xi32>
    %and3A_721 = arith.constant 15 : i32
    %and3A_722 = vector.broadcast %and3A_721 : i32 to vector<16xi32>
    %and3A_723 = arith.andi %add3A_720, %and3A_722 : vector<16xi32>
    %gather3A_724 = tpu.vector_load_idx %arg8[%and3A_723] : memref<16xf32, #tpu.memory_space<vmem>>[vector<16xi32>], vector<16xf32>,
    %add3A_725 = arith.addf %scan3A_714#0, %gather3A_724 : vector<16xf32>
    %swap3A_726 = arith.constant 0 : index
    %swap3A_727 = tpu.vector_load %arg8[%swap3A_726] {strides = array<i32>} : memref<16xf32, #tpu.memory_space<vmem>>, vector<16xf32>,
    tpu.vector_store %arg8[%swap3A_726], %add3A_725 {strides = array<i32>} : memref<16xf32, #tpu.memory_space<vmem>>, vector<16xf32>,
    %add3A_728 = arith.constant 4 : i32
    %add3A_729 = vector.broadcast %add3A_728 : i32 to vector<16xi32>
    %add3A_730 = arith.addi %iota3A, %add3A_729 : vector<16xi32>
    %and3A_731 = arith.constant 15 : i32
    %and3A_732 = vector.broadcast %and3A_731 : i32 to vector<16xi32>
    %and3A_733 = arith.andi %add3A_730, %and3A_732 : vector<16xi32>
    %gather3A_734 = tpu.vector_load_idx %arg8[%and3A_733] : memref<16xf32, #tpu.memory_space<vmem>>[vector<16xi32>], vector<16xf32>,
    %add3A_735 = arith.addf %add3A_725, %gather3A_734 : vector<16xf32>
    %swap3A_736 = arith.constant 0 : index
    %swap3A_737 = tpu.vector_load %arg8[%swap3A_736] {strides = array<i32>} : memref<16xf32, #tpu.memory_space<vmem>>, vector<16xf32>,
    tpu.vector_store %arg8[%swap3A_736], %add3A_735 {strides = array<i32>} : memref<16xf32, #tpu.memory_space<vmem>>, vector<16xf32>,
    %add3A_738 = arith.constant 2 : i32
    %add3A_739 = vector.broadcast %add3A_738 : i32 to vector<16xi32>
    %add3A_740 = arith.addi %iota3A, %add3A_739 : vector<16xi32>
    %and3A_741 = arith.constant 15 : i32
    %and3A_742 = vector.broadcast %and3A_741 : i32 to vector<16xi32>
    %and3A_743 = arith.andi %add3A_740, %and3A_742 : vector<16xi32>
    %gather3A_744 = tpu.vector_load_idx %arg8[%and3A_743] : memref<16xf32, #tpu.memory_space<vmem>>[vector<16xi32>], vector<16xf32>,
    %add3A_745 = arith.addf %add3A_735, %gather3A_744 : vector<16xf32>
    %swap3A_746 = arith.constant 0 : index
    %swap3A_747 = tpu.vector_load %arg8[%swap3A_746] {strides = array<i32>} : memref<16xf32, #tpu.memory_space<vmem>>, vector<16xf32>,
    tpu.vector_store %arg8[%swap3A_746], %add3A_745 {strides = array<i32>} : memref<16xf32, #tpu.memory_space<vmem>>, vector<16xf32>,
    %add3A_748 = arith.constant 1 : i32
    %add3A_749 = vector.broadcast %add3A_748 : i32 to vector<16xi32>
    %add3A_750 = arith.addi %iota3A, %add3A_749 : vector<16xi32>
    %and3A_751 = arith.constant 15 : i32
    %and3A_752 = vector.broadcast %and3A_751 : i32 to vector<16xi32>
    %and3A_753 = arith.andi %add3A_750, %and3A_752 : vector<16xi32>
    %gather3A_754 = tpu.vector_load_idx %arg8[%and3A_753] : memref<16xf32, #tpu.memory_space<vmem>>[vector<16xi32>], vector<16xf32>,
    %add3A_755 = arith.addf %add3A_745, %gather3A_754 : vector<16xf32>
    %eq3A_756 = arith.constant 12 : i32
    %eq3A_757 = vector.broadcast %eq3A_756 : i32 to vector<16xi32>
    %eq3A_758 = arith.cmpi eq, %iota3A, %eq3A_757 : vector<16xi32>
    %select_n3A_759 = arith.select %eq3A_758, %add3A_755, %select_n3A_685 : vector<16xi1>, vector<16xf32>
    %swap3A_760 = arith.constant 0 : index
    %swap3A_761 = tpu.vector_load %arg8[%swap3A_760] {strides = array<i32>} : memref<16xf32, #tpu.memory_space<vmem>>, vector<16xf32>,
    tpu.vector_store %arg8[%swap3A_760], %scan3A_714#1 {strides = array<i32>} : memref<16xf32, #tpu.memory_space<vmem>>, vector<16xf32>,
    %add3A_762 = arith.constant 8 : i32
    %add3A_763 = vector.broadcast %add3A_762 : i32 to vector<16xi32>
    %add3A_764 = arith.addi %iota3A, %add3A_763 : vector<16xi32>
    %and3A_765 = arith.constant 15 : i32
    %and3A_766 = vector.broadcast %and3A_765 : i32 to vector<16xi32>
    %and3A_767 = arith.andi %add3A_764, %and3A_766 : vector<16xi32>
    %gather3A_768 = tpu.vector_load_idx %arg8[%and3A_767] : memref<16xf32, #tpu.memory_space<vmem>>[vector<16xi32>], vector<16xf32>,
    %add3A_769 = arith.addf %scan3A_714#1, %gather3A_768 : vector<16xf32>
    %swap3A_770 = arith.constant 0 : index
    %swap3A_771 = tpu.vector_load %arg8[%swap3A_770] {strides = array<i32>} : memref<16xf32, #tpu.memory_space<vmem>>, vector<16xf32>,
    tpu.vector_store %arg8[%swap3A_770], %add3A_769 {strides = array<i32>} : memref<16xf32, #tpu.memory_space<vmem>>, vector<16xf32>,
    %add3A_772 = arith.constant 4 : i32
    %add3A_773 = vector.broadcast %add3A_772 : i32 to vector<16xi32>
    %add3A_774 = arith.addi %iota3A, %add3A_773 : vector<16xi32>
    %and3A_775 = arith.constant 15 : i32
    %and3A_776 = vector.broadcast %and3A_775 : i32 to vector<16xi32>
    %and3A_777 = arith.andi %add3A_774, %and3A_776 : vector<16xi32>
    %gather3A_778 = tpu.vector_load_idx %arg8[%and3A_777] : memref<16xf32, #tpu.memory_space<vmem>>[vector<16xi32>], vector<16xf32>,
    %add3A_779 = arith.addf %add3A_769, %gather3A_778 : vector<16xf32>
    %swap3A_780 = arith.constant 0 : index
    %swap3A_781 = tpu.vector_load %arg8[%swap3A_780] {strides = array<i32>} : memref<16xf32, #tpu.memory_space<vmem>>, vector<16xf32>,
    tpu.vector_store %arg8[%swap3A_780], %add3A_779 {strides = array<i32>} : memref<16xf32, #tpu.memory_space<vmem>>, vector<16xf32>,
    %add3A_782 = arith.constant 2 : i32
    %add3A_783 = vector.broadcast %add3A_782 : i32 to vector<16xi32>
    %add3A_784 = arith.addi %iota3A, %add3A_783 : vector<16xi32>
    %and3A_785 = arith.constant 15 : i32
    %and3A_786 = vector.broadcast %and3A_785 : i32 to vector<16xi32>
    %and3A_787 = arith.andi %add3A_784, %and3A_786 : vector<16xi32>
    %gather3A_788 = tpu.vector_load_idx %arg8[%and3A_787] : memref<16xf32, #tpu.memory_space<vmem>>[vector<16xi32>], vector<16xf32>,
    %add3A_789 = arith.addf %add3A_779, %gather3A_788 : vector<16xf32>
    %swap3A_790 = arith.constant 0 : index
    %swap3A_791 = tpu.vector_load %arg8[%swap3A_790] {strides = array<i32>} : memref<16xf32, #tpu.memory_space<vmem>>, vector<16xf32>,
    tpu.vector_store %arg8[%swap3A_790], %add3A_789 {strides = array<i32>} : memref<16xf32, #tpu.memory_space<vmem>>, vector<16xf32>,
    %add3A_792 = arith.constant 1 : i32
    %add3A_793 = vector.broadcast %add3A_792 : i32 to vector<16xi32>
    %add3A_794 = arith.addi %iota3A, %add3A_793 : vector<16xi32>
    %and3A_795 = arith.constant 15 : i32
    %and3A_796 = vector.broadcast %and3A_795 : i32 to vector<16xi32>
    %and3A_797 = arith.andi %add3A_794, %and3A_796 : vector<16xi32>
    %gather3A_798 = tpu.vector_load_idx %arg8[%and3A_797] : memref<16xf32, #tpu.memory_space<vmem>>[vector<16xi32>], vector<16xf32>,
    %add3A_799 = arith.addf %add3A_789, %gather3A_798 : vector<16xf32>
    %eq3A_800 = arith.constant 13 : i32
    %eq3A_801 = vector.broadcast %eq3A_800 : i32 to vector<16xi32>
    %eq3A_802 = arith.cmpi eq, %iota3A, %eq3A_801 : vector<16xi32>
    %select_n3A_803 = arith.select %eq3A_802, %add3A_799, %select_n3A_759 : vector<16xi1>, vector<16xf32>
    %swap3A_804 = arith.constant 0 : index
    %swap3A_805 = tpu.vector_load %arg8[%swap3A_804] {strides = array<i32>} : memref<16xf32, #tpu.memory_space<vmem>>, vector<16xf32>,
    tpu.vector_store %arg8[%swap3A_804], %scan3A_714#2 {strides = array<i32>} : memref<16xf32, #tpu.memory_space<vmem>>, vector<16xf32>,
    %add3A_806 = arith.constant 8 : i32
    %add3A_807 = vector.broadcast %add3A_806 : i32 to vector<16xi32>
    %add3A_808 = arith.addi %iota3A, %add3A_807 : vector<16xi32>
    %and3A_809 = arith.constant 15 : i32
    %and3A_810 = vector.broadcast %and3A_809 : i32 to vector<16xi32>
    %and3A_811 = arith.andi %add3A_808, %and3A_810 : vector<16xi32>
    %gather3A_812 = tpu.vector_load_idx %arg8[%and3A_811] : memref<16xf32, #tpu.memory_space<vmem>>[vector<16xi32>], vector<16xf32>,
    %add3A_813 = arith.addf %scan3A_714#2, %gather3A_812 : vector<16xf32>
    %swap3A_814 = arith.constant 0 : index
    %swap3A_815 = tpu.vector_load %arg8[%swap3A_814] {strides = array<i32>} : memref<16xf32, #tpu.memory_space<vmem>>, vector<16xf32>,
    tpu.vector_store %arg8[%swap3A_814], %add3A_813 {strides = array<i32>} : memref<16xf32, #tpu.memory_space<vmem>>, vector<16xf32>,
    %add3A_816 = arith.constant 4 : i32
    %add3A_817 = vector.broadcast %add3A_816 : i32 to vector<16xi32>
    %add3A_818 = arith.addi %iota3A, %add3A_817 : vector<16xi32>
    %and3A_819 = arith.constant 15 : i32
    %and3A_820 = vector.broadcast %and3A_819 : i32 to vector<16xi32>
    %and3A_821 = arith.andi %add3A_818, %and3A_820 : vector<16xi32>
    %gather3A_822 = tpu.vector_load_idx %arg8[%and3A_821] : memref<16xf32, #tpu.memory_space<vmem>>[vector<16xi32>], vector<16xf32>,
    %add3A_823 = arith.addf %add3A_813, %gather3A_822 : vector<16xf32>
    %swap3A_824 = arith.constant 0 : index
    %swap3A_825 = tpu.vector_load %arg8[%swap3A_824] {strides = array<i32>} : memref<16xf32, #tpu.memory_space<vmem>>, vector<16xf32>,
    tpu.vector_store %arg8[%swap3A_824], %add3A_823 {strides = array<i32>} : memref<16xf32, #tpu.memory_space<vmem>>, vector<16xf32>,
    %add3A_826 = arith.constant 2 : i32
    %add3A_827 = vector.broadcast %add3A_826 : i32 to vector<16xi32>
    %add3A_828 = arith.addi %iota3A, %add3A_827 : vector<16xi32>
    %and3A_829 = arith.constant 15 : i32
    %and3A_830 = vector.broadcast %and3A_829 : i32 to vector<16xi32>
    %and3A_831 = arith.andi %add3A_828, %and3A_830 : vector<16xi32>
    %gather3A_832 = tpu.vector_load_idx %arg8[%and3A_831] : memref<16xf32, #tpu.memory_space<vmem>>[vector<16xi32>], vector<16xf32>,
    %add3A_833 = arith.addf %add3A_823, %gather3A_832 : vector<16xf32>
    %swap3A_834 = arith.constant 0 : index
    %swap3A_835 = tpu.vector_load %arg8[%swap3A_834] {strides = array<i32>} : memref<16xf32, #tpu.memory_space<vmem>>, vector<16xf32>,
    tpu.vector_store %arg8[%swap3A_834], %add3A_833 {strides = array<i32>} : memref<16xf32, #tpu.memory_space<vmem>>, vector<16xf32>,
    %add3A_836 = arith.constant 1 : i32
    %add3A_837 = vector.broadcast %add3A_836 : i32 to vector<16xi32>
    %add3A_838 = arith.addi %iota3A, %add3A_837 : vector<16xi32>
    %and3A_839 = arith.constant 15 : i32
    %and3A_840 = vector.broadcast %and3A_839 : i32 to vector<16xi32>
    %and3A_841 = arith.andi %add3A_838, %and3A_840 : vector<16xi32>
    %gather3A_842 = tpu.vector_load_idx %arg8[%and3A_841] : memref<16xf32, #tpu.memory_space<vmem>>[vector<16xi32>], vector<16xf32>,
    %add3A_843 = arith.addf %add3A_833, %gather3A_842 : vector<16xf32>
    %eq3A_844 = arith.constant 14 : i32
    %eq3A_845 = vector.broadcast %eq3A_844 : i32 to vector<16xi32>
    %eq3A_846 = arith.cmpi eq, %iota3A, %eq3A_845 : vector<16xi32>
    %select_n3A_847 = arith.select %eq3A_846, %add3A_843, %select_n3A_803 : vector<16xi1>, vector<16xf32>
    %swap3A_848 = arith.constant 0 : index
    %swap3A_849 = tpu.vector_load %arg8[%swap3A_848] {strides = array<i32>} : memref<16xf32, #tpu.memory_space<vmem>>, vector<16xf32>,
    tpu.vector_store %arg8[%swap3A_848], %scan3A_714#3 {strides = array<i32>} : memref<16xf32, #tpu.memory_space<vmem>>, vector<16xf32>,
    %add3A_850 = arith.constant 8 : i32
    %add3A_851 = vector.broadcast %add3A_850 : i32 to vector<16xi32>
    %add3A_852 = arith.addi %iota3A, %add3A_851 : vector<16xi32>
    %and3A_853 = arith.constant 15 : i32
    %and3A_854 = vector.broadcast %and3A_853 : i32 to vector<16xi32>
    %and3A_855 = arith.andi %add3A_852, %and3A_854 : vector<16xi32>
    %gather3A_856 = tpu.vector_load_idx %arg8[%and3A_855] : memref<16xf32, #tpu.memory_space<vmem>>[vector<16xi32>], vector<16xf32>,
    %add3A_857 = arith.addf %scan3A_714#3, %gather3A_856 : vector<16xf32>
    %swap3A_858 = arith.constant 0 : index
    %swap3A_859 = tpu.vector_load %arg8[%swap3A_858] {strides = array<i32>} : memref<16xf32, #tpu.memory_space<vmem>>, vector<16xf32>,
    tpu.vector_store %arg8[%swap3A_858], %add3A_857 {strides = array<i32>} : memref<16xf32, #tpu.memory_space<vmem>>, vector<16xf32>,
    %add3A_860 = arith.constant 4 : i32
    %add3A_861 = vector.broadcast %add3A_860 : i32 to vector<16xi32>
    %add3A_862 = arith.addi %iota3A, %add3A_861 : vector<16xi32>
    %and3A_863 = arith.constant 15 : i32
    %and3A_864 = vector.broadcast %and3A_863 : i32 to vector<16xi32>
    %and3A_865 = arith.andi %add3A_862, %and3A_864 : vector<16xi32>
    %gather3A_866 = tpu.vector_load_idx %arg8[%and3A_865] : memref<16xf32, #tpu.memory_space<vmem>>[vector<16xi32>], vector<16xf32>,
    %add3A_867 = arith.addf %add3A_857, %gather3A_866 : vector<16xf32>
    %swap3A_868 = arith.constant 0 : index
    %swap3A_869 = tpu.vector_load %arg8[%swap3A_868] {strides = array<i32>} : memref<16xf32, #tpu.memory_space<vmem>>, vector<16xf32>,
    tpu.vector_store %arg8[%swap3A_868], %add3A_867 {strides = array<i32>} : memref<16xf32, #tpu.memory_space<vmem>>, vector<16xf32>,
    %add3A_870 = arith.constant 2 : i32
    %add3A_871 = vector.broadcast %add3A_870 : i32 to vector<16xi32>
    %add3A_872 = arith.addi %iota3A, %add3A_871 : vector<16xi32>
    %and3A_873 = arith.constant 15 : i32
    %and3A_874 = vector.broadcast %and3A_873 : i32 to vector<16xi32>
    %and3A_875 = arith.andi %add3A_872, %and3A_874 : vector<16xi32>
    %gather3A_876 = tpu.vector_load_idx %arg8[%and3A_875] : memref<16xf32, #tpu.memory_space<vmem>>[vector<16xi32>], vector<16xf32>,
    %add3A_877 = arith.addf %add3A_867, %gather3A_876 : vector<16xf32>
    %swap3A_878 = arith.constant 0 : index
    %swap3A_879 = tpu.vector_load %arg8[%swap3A_878] {strides = array<i32>} : memref<16xf32, #tpu.memory_space<vmem>>, vector<16xf32>,
    tpu.vector_store %arg8[%swap3A_878], %add3A_877 {strides = array<i32>} : memref<16xf32, #tpu.memory_space<vmem>>, vector<16xf32>,
    %add3A_880 = arith.constant 1 : i32
    %add3A_881 = vector.broadcast %add3A_880 : i32 to vector<16xi32>
    %add3A_882 = arith.addi %iota3A, %add3A_881 : vector<16xi32>
    %and3A_883 = arith.constant 15 : i32
    %and3A_884 = vector.broadcast %and3A_883 : i32 to vector<16xi32>
    %and3A_885 = arith.andi %add3A_882, %and3A_884 : vector<16xi32>
    %gather3A_886 = tpu.vector_load_idx %arg8[%and3A_885] : memref<16xf32, #tpu.memory_space<vmem>>[vector<16xi32>], vector<16xf32>,
    %add3A_887 = arith.addf %add3A_877, %gather3A_886 : vector<16xf32>
    %eq3A_888 = arith.constant 15 : i32
    %eq3A_889 = vector.broadcast %eq3A_888 : i32 to vector<16xi32>
    %eq3A_890 = arith.cmpi eq, %iota3A, %eq3A_889 : vector<16xi32>
    %select_n3A_891 = arith.select %eq3A_890, %add3A_887, %select_n3A_847 : vector<16xi1>, vector<16xf32>
    %swap3A_892 = arith.constant 0 : index
    %swap3A_893 = tpu.vector_load %arg7[%swap3A_892] {strides = array<i32>} : memref<16xf32, #tpu.memory_space<vmem>>, vector<16xf32>,
    tpu.vector_store %arg7[%swap3A_892], %select_n3A_891 {strides = array<i32>} : memref<16xf32, #tpu.memory_space<vmem>>, vector<16xf32>,
    "tpu.region"() ({
      %run_scoped3A = tpu.sem_alloc : memref<!tpu.dma_semaphore, #tpu.memory_space<semaphore_mem>>
      %dma_start3A_894 = tpu.memref_slice %arg4[%mul3A_2] : memref<512xf32, #tpu.memory_space<hbm>> -> memref<16xf32, #tpu.memory_space<hbm>>
      %dma_start3A_895 = tpu.memref_slice %arg4[%mul3A_2] : memref<512xf32, #tpu.memory_space<hbm>> -> memref<16xf32, #tpu.memory_space<hbm>>
      tpu.enqueue_dma source(%arg7 : memref<16xf32, #tpu.memory_space<vmem>>) target(%dma_start3A_895 : memref<16xf32, #tpu.memory_space<hbm>>) target_semaphore(%run_scoped3A : memref<!tpu.dma_semaphore, #tpu.memory_space<semaphore_mem>>)
      %dma_wait3A_896 = tpu.memref_slice %arg4[%mul3A_2] : memref<512xf32, #tpu.memory_space<hbm>> -> memref<16xf32, #tpu.memory_space<hbm>>
      %dma_wait3A_897 = tpu.memref_slice %arg4[%mul3A_2] : memref<512xf32, #tpu.memory_space<hbm>> -> memref<16xf32, #tpu.memory_space<hbm>>
      tpu.wait_dma2 semaphore(%run_scoped3A : memref<!tpu.dma_semaphore, #tpu.memory_space<semaphore_mem>>) src(%arg7 : memref<16xf32, #tpu.memory_space<vmem>>) dst(%dma_wait3A_897 : memref<16xf32, #tpu.memory_space<hbm>>)
      tpu.yield
    }) : () -> ()
    return
  }
}

module attributes {stable_mosaic.version = 14 : i64} {
  func.func @_gat_body(%arg0: memref<65x64xf32, #tpu.memory_space<vmem>>, %arg1: memref<65x64xf32, #tpu.memory_space<vmem>>, %arg2: memref<64x64xf32, #tpu.memory_space<vmem>>, %arg3: memref<64x64xf32, #tpu.memory_space<vmem>>, %arg4: memref<1x64xf32, #tpu.memory_space<vmem>>, %arg5: memref<1x64xf32, #tpu.memory_space<vmem>>, %arg6: memref<1x64xf32, #tpu.memory_space<vmem>>, %arg7: memref<1x64xf32, #tpu.memory_space<vmem>>, %arg8: memref<1x64xf32, #tpu.memory_space<vmem>>, %arg9: memref<1x64xf32, #tpu.memory_space<vmem>>, %arg10: memref<65x64xf32, #tpu.memory_space<vmem>>, %arg11: memref<65x64xf32, #tpu.memory_space<vmem>>) attributes {dimension_semantics = [], scalar_prefetch = 0 : i64, scratch_operands = 0 : i64, tpu.core_type = #tpu.core_type<tc>} {
    %get3A = arith.constant 0 : index
    %get3A_0 = arith.constant 0 : index
    %get3A_1 = vector.load %arg0[%get3A, %get3A_0] : memref<65x64xf32, #tpu.memory_space<vmem>>, vector<65x64xf32>
    %get3A_2 = arith.constant 0 : index
    %get3A_3 = arith.constant 0 : index
    %get3A_4 = vector.load %arg2[%get3A_2, %get3A_3] : memref<64x64xf32, #tpu.memory_space<vmem>>, vector<64x64xf32>
    %get3A_5 = arith.constant 0 : index
    %get3A_6 = arith.constant 0 : index
    %get3A_7 = vector.load %arg4[%get3A_5, %get3A_6] : memref<1x64xf32, #tpu.memory_space<vmem>>, vector<1x64xf32>
    %get3A_8 = arith.constant 0 : index
    %get3A_9 = arith.constant 0 : index
    %get3A_10 = vector.load %arg5[%get3A_8, %get3A_9] : memref<1x64xf32, #tpu.memory_space<vmem>>, vector<1x64xf32>
    %get3A_11 = arith.constant 0 : index
    %get3A_12 = arith.constant 0 : index
    %get3A_13 = vector.load %arg6[%get3A_11, %get3A_12] : memref<1x64xf32, #tpu.memory_space<vmem>>, vector<1x64xf32>
    %dot_general3A = arith.constant dense<0.000000e+00> : vector<65x64xf32>
    %dot_general3A_14 = tpu.matmul %get3A_1, %get3A_4, %dot_general3A {dimension_numbers = #tpu.dot_dimension_numbers<[1], [0], [0], [1], [0, 0, 1, 1], [], []>, transpose_lhs_hint = false} : vector<65x64xf32>, vector<64x64xf32>, vector<65x64xf32> -> vector<65x64xf32>
    %mul3A = vector.broadcast %get3A_7 : vector<1x64xf32> to vector<65x64xf32>
    %mul3A_15 = arith.mulf %dot_general3A_14, %mul3A : vector<65x64xf32>
    %slice3A = vector.extract_strided_slice %dot_general3A_14 {offsets = [0, 0], sizes = [1, 64], strides = [1, 1]} : vector<65x64xf32> to vector<1x64xf32>
    %mul3A_16 = arith.mulf %slice3A, %get3A_10 : vector<1x64xf32>
    %add3A = vector.broadcast %mul3A_16 : vector<1x64xf32> to vector<65x64xf32>
    %add3A_17 = arith.addf %mul3A_15, %add3A : vector<65x64xf32>
    %ge3A = arith.constant 0.000000e+00 : f32
    %ge3A_18 = vector.broadcast %ge3A : f32 to vector<65x64xf32>
    %ge3A_19 = arith.cmpf oge, %add3A_17, %ge3A_18 : vector<65x64xf32>
    %mul3A_20 = arith.constant 2.000000e-01 : f32
    %mul3A_21 = vector.broadcast %mul3A_20 : f32 to vector<65x64xf32>
    %mul3A_22 = arith.mulf %mul3A_21, %add3A_17 : vector<65x64xf32>
    %select_n3A = arith.select %ge3A_19, %add3A_17, %mul3A_22 : vector<65x64xi1>, vector<65x64xf32>
    %reduce_max3A = arith.constant dense<0xFF800000> : vector<64xf32>
    %reduce_max3A_23 = vector.multi_reduction <maximumf>, %select_n3A, %reduce_max3A [0] : vector<65x64xf32> to vector<64xf32>
    %broadcast_in_dim3A = vector.shape_cast %reduce_max3A_23 : vector<64xf32> to vector<1x64xf32>
    %sub3A = vector.broadcast %broadcast_in_dim3A : vector<1x64xf32> to vector<65x64xf32>
    %sub3A_24 = arith.subf %select_n3A, %sub3A : vector<65x64xf32>
    %exp3A = math.exp %sub3A_24 : vector<65x64xf32>
    %reduce_sum3A = arith.constant dense<0.000000e+00> : vector<64xf32>
    %reduce_sum3A_25 = vector.multi_reduction <add>, %exp3A, %reduce_sum3A [0] : vector<65x64xf32> to vector<64xf32>
    %broadcast_in_dim3A_26 = vector.shape_cast %reduce_sum3A_25 : vector<64xf32> to vector<1x64xf32>
    %mul3A_27 = arith.mulf %exp3A, %dot_general3A_14 : vector<65x64xf32>
    %reduce_sum3A_28 = arith.constant dense<0.000000e+00> : vector<64xf32>
    %reduce_sum3A_29 = vector.multi_reduction <add>, %mul3A_27, %reduce_sum3A_28 [0] : vector<65x64xf32> to vector<64xf32>
    %broadcast_in_dim3A_30 = vector.shape_cast %reduce_sum3A_29 : vector<64xf32> to vector<1x64xf32>
    %div3A = arith.divf %broadcast_in_dim3A_30, %broadcast_in_dim3A_26 : vector<1x64xf32>
    %slice3A_31 = vector.extract_strided_slice %dot_general3A_14 {offsets = [1, 0], sizes = [64, 64], strides = [1, 1]} : vector<65x64xf32> to vector<64x64xf32>
    %concatenate3A = tpu.concatenate %div3A, %slice3A_31 in 0 : vector<1x64xf32>, vector<64x64xf32> -> vector<65x64xf32>
    %add3A_32 = vector.broadcast %get3A_13 : vector<1x64xf32> to vector<65x64xf32>
    %add3A_33 = arith.addf %concatenate3A, %add3A_32 : vector<65x64xf32>
    %swap3A = arith.constant 0 : index
    %swap3A_34 = arith.constant 0 : index
    %swap3A_35 = vector.load %arg10[%swap3A, %swap3A_34] : memref<65x64xf32, #tpu.memory_space<vmem>>, vector<65x64xf32>
    tpu.vector_store %arg10[%swap3A, %swap3A_34], %add3A_33 {strides = array<i32>} : memref<65x64xf32, #tpu.memory_space<vmem>>, vector<65x64xf32>,
    %get3A_36 = arith.constant 0 : index
    %get3A_37 = arith.constant 0 : index
    %get3A_38 = vector.load %arg1[%get3A_36, %get3A_37] : memref<65x64xf32, #tpu.memory_space<vmem>>, vector<65x64xf32>
    %get3A_39 = arith.constant 0 : index
    %get3A_40 = arith.constant 0 : index
    %get3A_41 = vector.load %arg3[%get3A_39, %get3A_40] : memref<64x64xf32, #tpu.memory_space<vmem>>, vector<64x64xf32>
    %get3A_42 = arith.constant 0 : index
    %get3A_43 = arith.constant 0 : index
    %get3A_44 = vector.load %arg7[%get3A_42, %get3A_43] : memref<1x64xf32, #tpu.memory_space<vmem>>, vector<1x64xf32>
    %get3A_45 = arith.constant 0 : index
    %get3A_46 = arith.constant 0 : index
    %get3A_47 = vector.load %arg8[%get3A_45, %get3A_46] : memref<1x64xf32, #tpu.memory_space<vmem>>, vector<1x64xf32>
    %get3A_48 = arith.constant 0 : index
    %get3A_49 = arith.constant 0 : index
    %get3A_50 = vector.load %arg9[%get3A_48, %get3A_49] : memref<1x64xf32, #tpu.memory_space<vmem>>, vector<1x64xf32>
    %dot_general3A_51 = arith.constant dense<0.000000e+00> : vector<65x64xf32>
    %dot_general3A_52 = tpu.matmul %get3A_38, %get3A_41, %dot_general3A_51 {dimension_numbers = #tpu.dot_dimension_numbers<[1], [0], [0], [1], [0, 0, 1, 1], [], []>, transpose_lhs_hint = false} : vector<65x64xf32>, vector<64x64xf32>, vector<65x64xf32> -> vector<65x64xf32>
    %mul3A_53 = vector.broadcast %get3A_44 : vector<1x64xf32> to vector<65x64xf32>
    %mul3A_54 = arith.mulf %dot_general3A_52, %mul3A_53 : vector<65x64xf32>
    %slice3A_55 = vector.extract_strided_slice %dot_general3A_52 {offsets = [0, 0], sizes = [1, 64], strides = [1, 1]} : vector<65x64xf32> to vector<1x64xf32>
    %mul3A_56 = arith.mulf %slice3A_55, %get3A_47 : vector<1x64xf32>
    %add3A_57 = vector.broadcast %mul3A_56 : vector<1x64xf32> to vector<65x64xf32>
    %add3A_58 = arith.addf %mul3A_54, %add3A_57 : vector<65x64xf32>
    %ge3A_59 = arith.constant 0.000000e+00 : f32
    %ge3A_60 = vector.broadcast %ge3A_59 : f32 to vector<65x64xf32>
    %ge3A_61 = arith.cmpf oge, %add3A_58, %ge3A_60 : vector<65x64xf32>
    %mul3A_62 = arith.constant 2.000000e-01 : f32
    %mul3A_63 = vector.broadcast %mul3A_62 : f32 to vector<65x64xf32>
    %mul3A_64 = arith.mulf %mul3A_63, %add3A_58 : vector<65x64xf32>
    %select_n3A_65 = arith.select %ge3A_61, %add3A_58, %mul3A_64 : vector<65x64xi1>, vector<65x64xf32>
    %reduce_max3A_66 = arith.constant dense<0xFF800000> : vector<64xf32>
    %reduce_max3A_67 = vector.multi_reduction <maximumf>, %select_n3A_65, %reduce_max3A_66 [0] : vector<65x64xf32> to vector<64xf32>
    %broadcast_in_dim3A_68 = vector.shape_cast %reduce_max3A_67 : vector<64xf32> to vector<1x64xf32>
    %sub3A_69 = vector.broadcast %broadcast_in_dim3A_68 : vector<1x64xf32> to vector<65x64xf32>
    %sub3A_70 = arith.subf %select_n3A_65, %sub3A_69 : vector<65x64xf32>
    %exp3A_71 = math.exp %sub3A_70 : vector<65x64xf32>
    %reduce_sum3A_72 = arith.constant dense<0.000000e+00> : vector<64xf32>
    %reduce_sum3A_73 = vector.multi_reduction <add>, %exp3A_71, %reduce_sum3A_72 [0] : vector<65x64xf32> to vector<64xf32>
    %broadcast_in_dim3A_74 = vector.shape_cast %reduce_sum3A_73 : vector<64xf32> to vector<1x64xf32>
    %mul3A_75 = arith.mulf %exp3A_71, %dot_general3A_52 : vector<65x64xf32>
    %reduce_sum3A_76 = arith.constant dense<0.000000e+00> : vector<64xf32>
    %reduce_sum3A_77 = vector.multi_reduction <add>, %mul3A_75, %reduce_sum3A_76 [0] : vector<65x64xf32> to vector<64xf32>
    %broadcast_in_dim3A_78 = vector.shape_cast %reduce_sum3A_77 : vector<64xf32> to vector<1x64xf32>
    %div3A_79 = arith.divf %broadcast_in_dim3A_78, %broadcast_in_dim3A_74 : vector<1x64xf32>
    %slice3A_80 = vector.extract_strided_slice %dot_general3A_52 {offsets = [1, 0], sizes = [64, 64], strides = [1, 1]} : vector<65x64xf32> to vector<64x64xf32>
    %concatenate3A_81 = tpu.concatenate %div3A_79, %slice3A_80 in 0 : vector<1x64xf32>, vector<64x64xf32> -> vector<65x64xf32>
    %add3A_82 = vector.broadcast %get3A_50 : vector<1x64xf32> to vector<65x64xf32>
    %add3A_83 = arith.addf %concatenate3A_81, %add3A_82 : vector<65x64xf32>
    %swap3A_84 = arith.constant 0 : index
    %swap3A_85 = arith.constant 0 : index
    %swap3A_86 = vector.load %arg11[%swap3A_84, %swap3A_85] : memref<65x64xf32, #tpu.memory_space<vmem>>, vector<65x64xf32>
    tpu.vector_store %arg11[%swap3A_84, %swap3A_85], %add3A_83 {strides = array<i32>} : memref<65x64xf32, #tpu.memory_space<vmem>>, vector<65x64xf32>,
    return
  }
}

module attributes {stable_mosaic.version = 14 : i64} {
  func.func @_tc_body(%arg0: memref<1x12480xf32, #tpu.memory_space<vmem>>, %arg1: memref<768x12480xf32, #tpu.memory_space<hbm>>, %arg2: memref<1x256xf32, #tpu.memory_space<vmem>>, %arg3: memref<256x12480xf32, #tpu.memory_space<vmem>>, %arg4: memref<16x!tpu.dma_semaphore, #tpu.memory_space<semaphore_mem>>) attributes {dimension_semantics = [], scalar_prefetch = 0 : i64, scratch_operands = 2 : i64, tpu.core_type = #tpu.core_type<tc>} {
    %dma_start3A = arith.constant 0 : i32
    %dma_start3A_0 = tpu.memref_slice %arg4[%dma_start3A] : memref<16x!tpu.dma_semaphore, #tpu.memory_space<semaphore_mem>> -> memref<1x!tpu.dma_semaphore, #tpu.memory_space<semaphore_mem>>
    %dma_start3A_1 = tpu.memref_squeeze %dma_start3A_0 : memref<1x!tpu.dma_semaphore, #tpu.memory_space<semaphore_mem>> -> memref<!tpu.dma_semaphore, #tpu.memory_space<semaphore_mem>>
    %dma_start3A_2 = arith.constant 0 : i32
    %dma_start3A_3 = arith.constant 0 : i32
    %dma_start3A_4 = tpu.memref_slice %arg3[%dma_start3A_2, %dma_start3A_3] : memref<256x12480xf32, #tpu.memory_space<vmem>> -> memref<16x12480xf32, #tpu.memory_space<vmem>>
    %dma_start3A_5 = arith.constant 512 : i32
    %dma_start3A_6 = arith.constant 0 : i32
    %dma_start3A_7 = tpu.memref_slice %arg1[%dma_start3A_5, %dma_start3A_6] : memref<768x12480xf32, #tpu.memory_space<hbm>> -> memref<16x12480xf32, #tpu.memory_space<hbm>>
    tpu.enqueue_dma source(%dma_start3A_7 : memref<16x12480xf32, #tpu.memory_space<hbm>>) target(%dma_start3A_4 : memref<16x12480xf32, #tpu.memory_space<vmem>>) target_semaphore(%dma_start3A_1 : memref<!tpu.dma_semaphore, #tpu.memory_space<semaphore_mem>>)
    %dma_start3A_8 = arith.constant 1 : i32
    %dma_start3A_9 = tpu.memref_slice %arg4[%dma_start3A_8] : memref<16x!tpu.dma_semaphore, #tpu.memory_space<semaphore_mem>> -> memref<1x!tpu.dma_semaphore, #tpu.memory_space<semaphore_mem>>
    %dma_start3A_10 = tpu.memref_squeeze %dma_start3A_9 : memref<1x!tpu.dma_semaphore, #tpu.memory_space<semaphore_mem>> -> memref<!tpu.dma_semaphore, #tpu.memory_space<semaphore_mem>>
    %dma_start3A_11 = arith.constant 16 : i32
    %dma_start3A_12 = arith.constant 0 : i32
    %dma_start3A_13 = tpu.memref_slice %arg3[%dma_start3A_11, %dma_start3A_12] : memref<256x12480xf32, #tpu.memory_space<vmem>> -> memref<16x12480xf32, #tpu.memory_space<vmem>>
    %dma_start3A_14 = arith.constant 528 : i32
    %dma_start3A_15 = arith.constant 0 : i32
    %dma_start3A_16 = tpu.memref_slice %arg1[%dma_start3A_14, %dma_start3A_15] : memref<768x12480xf32, #tpu.memory_space<hbm>> -> memref<16x12480xf32, #tpu.memory_space<hbm>>
    tpu.enqueue_dma source(%dma_start3A_16 : memref<16x12480xf32, #tpu.memory_space<hbm>>) target(%dma_start3A_13 : memref<16x12480xf32, #tpu.memory_space<vmem>>) target_semaphore(%dma_start3A_10 : memref<!tpu.dma_semaphore, #tpu.memory_space<semaphore_mem>>)
    %dma_start3A_17 = arith.constant 2 : i32
    %dma_start3A_18 = tpu.memref_slice %arg4[%dma_start3A_17] : memref<16x!tpu.dma_semaphore, #tpu.memory_space<semaphore_mem>> -> memref<1x!tpu.dma_semaphore, #tpu.memory_space<semaphore_mem>>
    %dma_start3A_19 = tpu.memref_squeeze %dma_start3A_18 : memref<1x!tpu.dma_semaphore, #tpu.memory_space<semaphore_mem>> -> memref<!tpu.dma_semaphore, #tpu.memory_space<semaphore_mem>>
    %dma_start3A_20 = arith.constant 32 : i32
    %dma_start3A_21 = arith.constant 0 : i32
    %dma_start3A_22 = tpu.memref_slice %arg3[%dma_start3A_20, %dma_start3A_21] : memref<256x12480xf32, #tpu.memory_space<vmem>> -> memref<16x12480xf32, #tpu.memory_space<vmem>>
    %dma_start3A_23 = arith.constant 544 : i32
    %dma_start3A_24 = arith.constant 0 : i32
    %dma_start3A_25 = tpu.memref_slice %arg1[%dma_start3A_23, %dma_start3A_24] : memref<768x12480xf32, #tpu.memory_space<hbm>> -> memref<16x12480xf32, #tpu.memory_space<hbm>>
    tpu.enqueue_dma source(%dma_start3A_25 : memref<16x12480xf32, #tpu.memory_space<hbm>>) target(%dma_start3A_22 : memref<16x12480xf32, #tpu.memory_space<vmem>>) target_semaphore(%dma_start3A_19 : memref<!tpu.dma_semaphore, #tpu.memory_space<semaphore_mem>>)
    %dma_start3A_26 = arith.constant 3 : i32
    %dma_start3A_27 = tpu.memref_slice %arg4[%dma_start3A_26] : memref<16x!tpu.dma_semaphore, #tpu.memory_space<semaphore_mem>> -> memref<1x!tpu.dma_semaphore, #tpu.memory_space<semaphore_mem>>
    %dma_start3A_28 = tpu.memref_squeeze %dma_start3A_27 : memref<1x!tpu.dma_semaphore, #tpu.memory_space<semaphore_mem>> -> memref<!tpu.dma_semaphore, #tpu.memory_space<semaphore_mem>>
    %dma_start3A_29 = arith.constant 48 : i32
    %dma_start3A_30 = arith.constant 0 : i32
    %dma_start3A_31 = tpu.memref_slice %arg3[%dma_start3A_29, %dma_start3A_30] : memref<256x12480xf32, #tpu.memory_space<vmem>> -> memref<16x12480xf32, #tpu.memory_space<vmem>>
    %dma_start3A_32 = arith.constant 560 : i32
    %dma_start3A_33 = arith.constant 0 : i32
    %dma_start3A_34 = tpu.memref_slice %arg1[%dma_start3A_32, %dma_start3A_33] : memref<768x12480xf32, #tpu.memory_space<hbm>> -> memref<16x12480xf32, #tpu.memory_space<hbm>>
    tpu.enqueue_dma source(%dma_start3A_34 : memref<16x12480xf32, #tpu.memory_space<hbm>>) target(%dma_start3A_31 : memref<16x12480xf32, #tpu.memory_space<vmem>>) target_semaphore(%dma_start3A_28 : memref<!tpu.dma_semaphore, #tpu.memory_space<semaphore_mem>>)
    %dma_start3A_35 = arith.constant 4 : i32
    %dma_start3A_36 = tpu.memref_slice %arg4[%dma_start3A_35] : memref<16x!tpu.dma_semaphore, #tpu.memory_space<semaphore_mem>> -> memref<1x!tpu.dma_semaphore, #tpu.memory_space<semaphore_mem>>
    %dma_start3A_37 = tpu.memref_squeeze %dma_start3A_36 : memref<1x!tpu.dma_semaphore, #tpu.memory_space<semaphore_mem>> -> memref<!tpu.dma_semaphore, #tpu.memory_space<semaphore_mem>>
    %dma_start3A_38 = arith.constant 64 : i32
    %dma_start3A_39 = arith.constant 0 : i32
    %dma_start3A_40 = tpu.memref_slice %arg3[%dma_start3A_38, %dma_start3A_39] : memref<256x12480xf32, #tpu.memory_space<vmem>> -> memref<16x12480xf32, #tpu.memory_space<vmem>>
    %dma_start3A_41 = arith.constant 576 : i32
    %dma_start3A_42 = arith.constant 0 : i32
    %dma_start3A_43 = tpu.memref_slice %arg1[%dma_start3A_41, %dma_start3A_42] : memref<768x12480xf32, #tpu.memory_space<hbm>> -> memref<16x12480xf32, #tpu.memory_space<hbm>>
    tpu.enqueue_dma source(%dma_start3A_43 : memref<16x12480xf32, #tpu.memory_space<hbm>>) target(%dma_start3A_40 : memref<16x12480xf32, #tpu.memory_space<vmem>>) target_semaphore(%dma_start3A_37 : memref<!tpu.dma_semaphore, #tpu.memory_space<semaphore_mem>>)
    %dma_start3A_44 = arith.constant 5 : i32
    %dma_start3A_45 = tpu.memref_slice %arg4[%dma_start3A_44] : memref<16x!tpu.dma_semaphore, #tpu.memory_space<semaphore_mem>> -> memref<1x!tpu.dma_semaphore, #tpu.memory_space<semaphore_mem>>
    %dma_start3A_46 = tpu.memref_squeeze %dma_start3A_45 : memref<1x!tpu.dma_semaphore, #tpu.memory_space<semaphore_mem>> -> memref<!tpu.dma_semaphore, #tpu.memory_space<semaphore_mem>>
    %dma_start3A_47 = arith.constant 80 : i32
    %dma_start3A_48 = arith.constant 0 : i32
    %dma_start3A_49 = tpu.memref_slice %arg3[%dma_start3A_47, %dma_start3A_48] : memref<256x12480xf32, #tpu.memory_space<vmem>> -> memref<16x12480xf32, #tpu.memory_space<vmem>>
    %dma_start3A_50 = arith.constant 592 : i32
    %dma_start3A_51 = arith.constant 0 : i32
    %dma_start3A_52 = tpu.memref_slice %arg1[%dma_start3A_50, %dma_start3A_51] : memref<768x12480xf32, #tpu.memory_space<hbm>> -> memref<16x12480xf32, #tpu.memory_space<hbm>>
    tpu.enqueue_dma source(%dma_start3A_52 : memref<16x12480xf32, #tpu.memory_space<hbm>>) target(%dma_start3A_49 : memref<16x12480xf32, #tpu.memory_space<vmem>>) target_semaphore(%dma_start3A_46 : memref<!tpu.dma_semaphore, #tpu.memory_space<semaphore_mem>>)
    %dma_start3A_53 = arith.constant 6 : i32
    %dma_start3A_54 = tpu.memref_slice %arg4[%dma_start3A_53] : memref<16x!tpu.dma_semaphore, #tpu.memory_space<semaphore_mem>> -> memref<1x!tpu.dma_semaphore, #tpu.memory_space<semaphore_mem>>
    %dma_start3A_55 = tpu.memref_squeeze %dma_start3A_54 : memref<1x!tpu.dma_semaphore, #tpu.memory_space<semaphore_mem>> -> memref<!tpu.dma_semaphore, #tpu.memory_space<semaphore_mem>>
    %dma_start3A_56 = arith.constant 96 : i32
    %dma_start3A_57 = arith.constant 0 : i32
    %dma_start3A_58 = tpu.memref_slice %arg3[%dma_start3A_56, %dma_start3A_57] : memref<256x12480xf32, #tpu.memory_space<vmem>> -> memref<16x12480xf32, #tpu.memory_space<vmem>>
    %dma_start3A_59 = arith.constant 608 : i32
    %dma_start3A_60 = arith.constant 0 : i32
    %dma_start3A_61 = tpu.memref_slice %arg1[%dma_start3A_59, %dma_start3A_60] : memref<768x12480xf32, #tpu.memory_space<hbm>> -> memref<16x12480xf32, #tpu.memory_space<hbm>>
    tpu.enqueue_dma source(%dma_start3A_61 : memref<16x12480xf32, #tpu.memory_space<hbm>>) target(%dma_start3A_58 : memref<16x12480xf32, #tpu.memory_space<vmem>>) target_semaphore(%dma_start3A_55 : memref<!tpu.dma_semaphore, #tpu.memory_space<semaphore_mem>>)
    %dma_start3A_62 = arith.constant 7 : i32
    %dma_start3A_63 = tpu.memref_slice %arg4[%dma_start3A_62] : memref<16x!tpu.dma_semaphore, #tpu.memory_space<semaphore_mem>> -> memref<1x!tpu.dma_semaphore, #tpu.memory_space<semaphore_mem>>
    %dma_start3A_64 = tpu.memref_squeeze %dma_start3A_63 : memref<1x!tpu.dma_semaphore, #tpu.memory_space<semaphore_mem>> -> memref<!tpu.dma_semaphore, #tpu.memory_space<semaphore_mem>>
    %dma_start3A_65 = arith.constant 112 : i32
    %dma_start3A_66 = arith.constant 0 : i32
    %dma_start3A_67 = tpu.memref_slice %arg3[%dma_start3A_65, %dma_start3A_66] : memref<256x12480xf32, #tpu.memory_space<vmem>> -> memref<16x12480xf32, #tpu.memory_space<vmem>>
    %dma_start3A_68 = arith.constant 624 : i32
    %dma_start3A_69 = arith.constant 0 : i32
    %dma_start3A_70 = tpu.memref_slice %arg1[%dma_start3A_68, %dma_start3A_69] : memref<768x12480xf32, #tpu.memory_space<hbm>> -> memref<16x12480xf32, #tpu.memory_space<hbm>>
    tpu.enqueue_dma source(%dma_start3A_70 : memref<16x12480xf32, #tpu.memory_space<hbm>>) target(%dma_start3A_67 : memref<16x12480xf32, #tpu.memory_space<vmem>>) target_semaphore(%dma_start3A_64 : memref<!tpu.dma_semaphore, #tpu.memory_space<semaphore_mem>>)
    %dma_start3A_71 = arith.constant 8 : i32
    %dma_start3A_72 = tpu.memref_slice %arg4[%dma_start3A_71] : memref<16x!tpu.dma_semaphore, #tpu.memory_space<semaphore_mem>> -> memref<1x!tpu.dma_semaphore, #tpu.memory_space<semaphore_mem>>
    %dma_start3A_73 = tpu.memref_squeeze %dma_start3A_72 : memref<1x!tpu.dma_semaphore, #tpu.memory_space<semaphore_mem>> -> memref<!tpu.dma_semaphore, #tpu.memory_space<semaphore_mem>>
    %dma_start3A_74 = arith.constant 128 : i32
    %dma_start3A_75 = arith.constant 0 : i32
    %dma_start3A_76 = tpu.memref_slice %arg3[%dma_start3A_74, %dma_start3A_75] : memref<256x12480xf32, #tpu.memory_space<vmem>> -> memref<16x12480xf32, #tpu.memory_space<vmem>>
    %dma_start3A_77 = arith.constant 640 : i32
    %dma_start3A_78 = arith.constant 0 : i32
    %dma_start3A_79 = tpu.memref_slice %arg1[%dma_start3A_77, %dma_start3A_78] : memref<768x12480xf32, #tpu.memory_space<hbm>> -> memref<16x12480xf32, #tpu.memory_space<hbm>>
    tpu.enqueue_dma source(%dma_start3A_79 : memref<16x12480xf32, #tpu.memory_space<hbm>>) target(%dma_start3A_76 : memref<16x12480xf32, #tpu.memory_space<vmem>>) target_semaphore(%dma_start3A_73 : memref<!tpu.dma_semaphore, #tpu.memory_space<semaphore_mem>>)
    %dma_start3A_80 = arith.constant 9 : i32
    %dma_start3A_81 = tpu.memref_slice %arg4[%dma_start3A_80] : memref<16x!tpu.dma_semaphore, #tpu.memory_space<semaphore_mem>> -> memref<1x!tpu.dma_semaphore, #tpu.memory_space<semaphore_mem>>
    %dma_start3A_82 = tpu.memref_squeeze %dma_start3A_81 : memref<1x!tpu.dma_semaphore, #tpu.memory_space<semaphore_mem>> -> memref<!tpu.dma_semaphore, #tpu.memory_space<semaphore_mem>>
    %dma_start3A_83 = arith.constant 144 : i32
    %dma_start3A_84 = arith.constant 0 : i32
    %dma_start3A_85 = tpu.memref_slice %arg3[%dma_start3A_83, %dma_start3A_84] : memref<256x12480xf32, #tpu.memory_space<vmem>> -> memref<16x12480xf32, #tpu.memory_space<vmem>>
    %dma_start3A_86 = arith.constant 656 : i32
    %dma_start3A_87 = arith.constant 0 : i32
    %dma_start3A_88 = tpu.memref_slice %arg1[%dma_start3A_86, %dma_start3A_87] : memref<768x12480xf32, #tpu.memory_space<hbm>> -> memref<16x12480xf32, #tpu.memory_space<hbm>>
    tpu.enqueue_dma source(%dma_start3A_88 : memref<16x12480xf32, #tpu.memory_space<hbm>>) target(%dma_start3A_85 : memref<16x12480xf32, #tpu.memory_space<vmem>>) target_semaphore(%dma_start3A_82 : memref<!tpu.dma_semaphore, #tpu.memory_space<semaphore_mem>>)
    %dma_start3A_89 = arith.constant 10 : i32
    %dma_start3A_90 = tpu.memref_slice %arg4[%dma_start3A_89] : memref<16x!tpu.dma_semaphore, #tpu.memory_space<semaphore_mem>> -> memref<1x!tpu.dma_semaphore, #tpu.memory_space<semaphore_mem>>
    %dma_start3A_91 = tpu.memref_squeeze %dma_start3A_90 : memref<1x!tpu.dma_semaphore, #tpu.memory_space<semaphore_mem>> -> memref<!tpu.dma_semaphore, #tpu.memory_space<semaphore_mem>>
    %dma_start3A_92 = arith.constant 160 : i32
    %dma_start3A_93 = arith.constant 0 : i32
    %dma_start3A_94 = tpu.memref_slice %arg3[%dma_start3A_92, %dma_start3A_93] : memref<256x12480xf32, #tpu.memory_space<vmem>> -> memref<16x12480xf32, #tpu.memory_space<vmem>>
    %dma_start3A_95 = arith.constant 672 : i32
    %dma_start3A_96 = arith.constant 0 : i32
    %dma_start3A_97 = tpu.memref_slice %arg1[%dma_start3A_95, %dma_start3A_96] : memref<768x12480xf32, #tpu.memory_space<hbm>> -> memref<16x12480xf32, #tpu.memory_space<hbm>>
    tpu.enqueue_dma source(%dma_start3A_97 : memref<16x12480xf32, #tpu.memory_space<hbm>>) target(%dma_start3A_94 : memref<16x12480xf32, #tpu.memory_space<vmem>>) target_semaphore(%dma_start3A_91 : memref<!tpu.dma_semaphore, #tpu.memory_space<semaphore_mem>>)
    %dma_start3A_98 = arith.constant 11 : i32
    %dma_start3A_99 = tpu.memref_slice %arg4[%dma_start3A_98] : memref<16x!tpu.dma_semaphore, #tpu.memory_space<semaphore_mem>> -> memref<1x!tpu.dma_semaphore, #tpu.memory_space<semaphore_mem>>
    %dma_start3A_100 = tpu.memref_squeeze %dma_start3A_99 : memref<1x!tpu.dma_semaphore, #tpu.memory_space<semaphore_mem>> -> memref<!tpu.dma_semaphore, #tpu.memory_space<semaphore_mem>>
    %dma_start3A_101 = arith.constant 176 : i32
    %dma_start3A_102 = arith.constant 0 : i32
    %dma_start3A_103 = tpu.memref_slice %arg3[%dma_start3A_101, %dma_start3A_102] : memref<256x12480xf32, #tpu.memory_space<vmem>> -> memref<16x12480xf32, #tpu.memory_space<vmem>>
    %dma_start3A_104 = arith.constant 688 : i32
    %dma_start3A_105 = arith.constant 0 : i32
    %dma_start3A_106 = tpu.memref_slice %arg1[%dma_start3A_104, %dma_start3A_105] : memref<768x12480xf32, #tpu.memory_space<hbm>> -> memref<16x12480xf32, #tpu.memory_space<hbm>>
    tpu.enqueue_dma source(%dma_start3A_106 : memref<16x12480xf32, #tpu.memory_space<hbm>>) target(%dma_start3A_103 : memref<16x12480xf32, #tpu.memory_space<vmem>>) target_semaphore(%dma_start3A_100 : memref<!tpu.dma_semaphore, #tpu.memory_space<semaphore_mem>>)
    %dma_start3A_107 = arith.constant 12 : i32
    %dma_start3A_108 = tpu.memref_slice %arg4[%dma_start3A_107] : memref<16x!tpu.dma_semaphore, #tpu.memory_space<semaphore_mem>> -> memref<1x!tpu.dma_semaphore, #tpu.memory_space<semaphore_mem>>
    %dma_start3A_109 = tpu.memref_squeeze %dma_start3A_108 : memref<1x!tpu.dma_semaphore, #tpu.memory_space<semaphore_mem>> -> memref<!tpu.dma_semaphore, #tpu.memory_space<semaphore_mem>>
    %dma_start3A_110 = arith.constant 192 : i32
    %dma_start3A_111 = arith.constant 0 : i32
    %dma_start3A_112 = tpu.memref_slice %arg3[%dma_start3A_110, %dma_start3A_111] : memref<256x12480xf32, #tpu.memory_space<vmem>> -> memref<16x12480xf32, #tpu.memory_space<vmem>>
    %dma_start3A_113 = arith.constant 704 : i32
    %dma_start3A_114 = arith.constant 0 : i32
    %dma_start3A_115 = tpu.memref_slice %arg1[%dma_start3A_113, %dma_start3A_114] : memref<768x12480xf32, #tpu.memory_space<hbm>> -> memref<16x12480xf32, #tpu.memory_space<hbm>>
    tpu.enqueue_dma source(%dma_start3A_115 : memref<16x12480xf32, #tpu.memory_space<hbm>>) target(%dma_start3A_112 : memref<16x12480xf32, #tpu.memory_space<vmem>>) target_semaphore(%dma_start3A_109 : memref<!tpu.dma_semaphore, #tpu.memory_space<semaphore_mem>>)
    %dma_start3A_116 = arith.constant 13 : i32
    %dma_start3A_117 = tpu.memref_slice %arg4[%dma_start3A_116] : memref<16x!tpu.dma_semaphore, #tpu.memory_space<semaphore_mem>> -> memref<1x!tpu.dma_semaphore, #tpu.memory_space<semaphore_mem>>
    %dma_start3A_118 = tpu.memref_squeeze %dma_start3A_117 : memref<1x!tpu.dma_semaphore, #tpu.memory_space<semaphore_mem>> -> memref<!tpu.dma_semaphore, #tpu.memory_space<semaphore_mem>>
    %dma_start3A_119 = arith.constant 208 : i32
    %dma_start3A_120 = arith.constant 0 : i32
    %dma_start3A_121 = tpu.memref_slice %arg3[%dma_start3A_119, %dma_start3A_120] : memref<256x12480xf32, #tpu.memory_space<vmem>> -> memref<16x12480xf32, #tpu.memory_space<vmem>>
    %dma_start3A_122 = arith.constant 720 : i32
    %dma_start3A_123 = arith.constant 0 : i32
    %dma_start3A_124 = tpu.memref_slice %arg1[%dma_start3A_122, %dma_start3A_123] : memref<768x12480xf32, #tpu.memory_space<hbm>> -> memref<16x12480xf32, #tpu.memory_space<hbm>>
    tpu.enqueue_dma source(%dma_start3A_124 : memref<16x12480xf32, #tpu.memory_space<hbm>>) target(%dma_start3A_121 : memref<16x12480xf32, #tpu.memory_space<vmem>>) target_semaphore(%dma_start3A_118 : memref<!tpu.dma_semaphore, #tpu.memory_space<semaphore_mem>>)
    %dma_start3A_125 = arith.constant 14 : i32
    %dma_start3A_126 = tpu.memref_slice %arg4[%dma_start3A_125] : memref<16x!tpu.dma_semaphore, #tpu.memory_space<semaphore_mem>> -> memref<1x!tpu.dma_semaphore, #tpu.memory_space<semaphore_mem>>
    %dma_start3A_127 = tpu.memref_squeeze %dma_start3A_126 : memref<1x!tpu.dma_semaphore, #tpu.memory_space<semaphore_mem>> -> memref<!tpu.dma_semaphore, #tpu.memory_space<semaphore_mem>>
    %dma_start3A_128 = arith.constant 224 : i32
    %dma_start3A_129 = arith.constant 0 : i32
    %dma_start3A_130 = tpu.memref_slice %arg3[%dma_start3A_128, %dma_start3A_129] : memref<256x12480xf32, #tpu.memory_space<vmem>> -> memref<16x12480xf32, #tpu.memory_space<vmem>>
    %dma_start3A_131 = arith.constant 736 : i32
    %dma_start3A_132 = arith.constant 0 : i32
    %dma_start3A_133 = tpu.memref_slice %arg1[%dma_start3A_131, %dma_start3A_132] : memref<768x12480xf32, #tpu.memory_space<hbm>> -> memref<16x12480xf32, #tpu.memory_space<hbm>>
    tpu.enqueue_dma source(%dma_start3A_133 : memref<16x12480xf32, #tpu.memory_space<hbm>>) target(%dma_start3A_130 : memref<16x12480xf32, #tpu.memory_space<vmem>>) target_semaphore(%dma_start3A_127 : memref<!tpu.dma_semaphore, #tpu.memory_space<semaphore_mem>>)
    %dma_start3A_134 = arith.constant 15 : i32
    %dma_start3A_135 = tpu.memref_slice %arg4[%dma_start3A_134] : memref<16x!tpu.dma_semaphore, #tpu.memory_space<semaphore_mem>> -> memref<1x!tpu.dma_semaphore, #tpu.memory_space<semaphore_mem>>
    %dma_start3A_136 = tpu.memref_squeeze %dma_start3A_135 : memref<1x!tpu.dma_semaphore, #tpu.memory_space<semaphore_mem>> -> memref<!tpu.dma_semaphore, #tpu.memory_space<semaphore_mem>>
    %dma_start3A_137 = arith.constant 240 : i32
    %dma_start3A_138 = arith.constant 0 : i32
    %dma_start3A_139 = tpu.memref_slice %arg3[%dma_start3A_137, %dma_start3A_138] : memref<256x12480xf32, #tpu.memory_space<vmem>> -> memref<16x12480xf32, #tpu.memory_space<vmem>>
    %dma_start3A_140 = arith.constant 752 : i32
    %dma_start3A_141 = arith.constant 0 : i32
    %dma_start3A_142 = tpu.memref_slice %arg1[%dma_start3A_140, %dma_start3A_141] : memref<768x12480xf32, #tpu.memory_space<hbm>> -> memref<16x12480xf32, #tpu.memory_space<hbm>>
    tpu.enqueue_dma source(%dma_start3A_142 : memref<16x12480xf32, #tpu.memory_space<hbm>>) target(%dma_start3A_139 : memref<16x12480xf32, #tpu.memory_space<vmem>>) target_semaphore(%dma_start3A_136 : memref<!tpu.dma_semaphore, #tpu.memory_space<semaphore_mem>>)
    %get3A = arith.constant 0 : index
    %get3A_143 = arith.constant 0 : index
    %get3A_144 = vector.load %arg0[%get3A, %get3A_143] : memref<1x12480xf32, #tpu.memory_space<vmem>>, vector<1x12480xf32>
    %dma_wait3A = arith.constant 0 : i32
    %dma_wait3A_145 = tpu.memref_slice %arg4[%dma_wait3A] : memref<16x!tpu.dma_semaphore, #tpu.memory_space<semaphore_mem>> -> memref<1x!tpu.dma_semaphore, #tpu.memory_space<semaphore_mem>>
    %dma_wait3A_146 = tpu.memref_squeeze %dma_wait3A_145 : memref<1x!tpu.dma_semaphore, #tpu.memory_space<semaphore_mem>> -> memref<!tpu.dma_semaphore, #tpu.memory_space<semaphore_mem>>
    %dma_wait3A_147 = arith.constant 0 : i32
    %dma_wait3A_148 = arith.constant 0 : i32
    %dma_wait3A_149 = tpu.memref_slice %arg3[%dma_wait3A_147, %dma_wait3A_148] : memref<256x12480xf32, #tpu.memory_space<vmem>> -> memref<16x12480xf32, #tpu.memory_space<vmem>>
    %dma_wait3A_150 = arith.constant 512 : i32
    %dma_wait3A_151 = arith.constant 0 : i32
    %dma_wait3A_152 = tpu.memref_slice %arg1[%dma_wait3A_150, %dma_wait3A_151] : memref<768x12480xf32, #tpu.memory_space<hbm>> -> memref<16x12480xf32, #tpu.memory_space<hbm>>
    tpu.wait_dma2 semaphore(%dma_wait3A_146 : memref<!tpu.dma_semaphore, #tpu.memory_space<semaphore_mem>>) src(%dma_wait3A_152 : memref<16x12480xf32, #tpu.memory_space<hbm>>) dst(%dma_wait3A_149 : memref<16x12480xf32, #tpu.memory_space<vmem>>)
    %get3A_153 = arith.constant 0 : index
    %get3A_154 = arith.constant 0 : index
    %get3A_155 = vector.load %arg3[%get3A_153, %get3A_154] : memref<256x12480xf32, #tpu.memory_space<vmem>>, vector<16x12480xf32>
    %mul3A = vector.broadcast %get3A_144 : vector<1x12480xf32> to vector<16x12480xf32>
    %mul3A_156 = arith.mulf %get3A_155, %mul3A : vector<16x12480xf32>
    %reduce_sum3A = arith.constant dense<0.000000e+00> : vector<16xf32>
    %reduce_sum3A_157 = vector.multi_reduction <add>, %mul3A_156, %reduce_sum3A [1] : vector<16x12480xf32> to vector<16xf32>
    %swap3A = arith.constant 0 : index
    %swap3A_158 = arith.constant 0 : index
    %swap3A_159 = vector.load %arg2[%swap3A, %swap3A_158] : memref<1x256xf32, #tpu.memory_space<vmem>>, vector<1x16xf32>
    %swap3A_160 = vector.shape_cast %swap3A_159 : vector<1x16xf32> to vector<16xf32>
    %swap3A_161 = vector.shape_cast %reduce_sum3A_157 : vector<16xf32> to vector<1x16xf32>
    tpu.vector_store %arg2[%swap3A, %swap3A_158], %swap3A_161 {strides = array<i32>} : memref<1x256xf32, #tpu.memory_space<vmem>>, vector<1x16xf32>,
    %dma_wait3A_162 = arith.constant 1 : i32
    %dma_wait3A_163 = tpu.memref_slice %arg4[%dma_wait3A_162] : memref<16x!tpu.dma_semaphore, #tpu.memory_space<semaphore_mem>> -> memref<1x!tpu.dma_semaphore, #tpu.memory_space<semaphore_mem>>
    %dma_wait3A_164 = tpu.memref_squeeze %dma_wait3A_163 : memref<1x!tpu.dma_semaphore, #tpu.memory_space<semaphore_mem>> -> memref<!tpu.dma_semaphore, #tpu.memory_space<semaphore_mem>>
    %dma_wait3A_165 = arith.constant 16 : i32
    %dma_wait3A_166 = arith.constant 0 : i32
    %dma_wait3A_167 = tpu.memref_slice %arg3[%dma_wait3A_165, %dma_wait3A_166] : memref<256x12480xf32, #tpu.memory_space<vmem>> -> memref<16x12480xf32, #tpu.memory_space<vmem>>
    %dma_wait3A_168 = arith.constant 528 : i32
    %dma_wait3A_169 = arith.constant 0 : i32
    %dma_wait3A_170 = tpu.memref_slice %arg1[%dma_wait3A_168, %dma_wait3A_169] : memref<768x12480xf32, #tpu.memory_space<hbm>> -> memref<16x12480xf32, #tpu.memory_space<hbm>>
    tpu.wait_dma2 semaphore(%dma_wait3A_164 : memref<!tpu.dma_semaphore, #tpu.memory_space<semaphore_mem>>) src(%dma_wait3A_170 : memref<16x12480xf32, #tpu.memory_space<hbm>>) dst(%dma_wait3A_167 : memref<16x12480xf32, #tpu.memory_space<vmem>>)
    %get3A_171 = arith.constant 16 : index
    %get3A_172 = arith.constant 0 : index
    %get3A_173 = vector.load %arg3[%get3A_171, %get3A_172] : memref<256x12480xf32, #tpu.memory_space<vmem>>, vector<16x12480xf32>
    %mul3A_174 = vector.broadcast %get3A_144 : vector<1x12480xf32> to vector<16x12480xf32>
    %mul3A_175 = arith.mulf %get3A_173, %mul3A_174 : vector<16x12480xf32>
    %reduce_sum3A_176 = arith.constant dense<0.000000e+00> : vector<16xf32>
    %reduce_sum3A_177 = vector.multi_reduction <add>, %mul3A_175, %reduce_sum3A_176 [1] : vector<16x12480xf32> to vector<16xf32>
    %swap3A_178 = arith.constant 0 : index
    %swap3A_179 = arith.constant 16 : index
    %swap3A_180 = vector.load %arg2[%swap3A_178, %swap3A_179] : memref<1x256xf32, #tpu.memory_space<vmem>>, vector<1x16xf32>
    %swap3A_181 = vector.shape_cast %swap3A_180 : vector<1x16xf32> to vector<16xf32>
    %swap3A_182 = vector.shape_cast %reduce_sum3A_177 : vector<16xf32> to vector<1x16xf32>
    tpu.vector_store %arg2[%swap3A_178, %swap3A_179], %swap3A_182 {strides = array<i32>} : memref<1x256xf32, #tpu.memory_space<vmem>>, vector<1x16xf32>,
    %dma_wait3A_183 = arith.constant 2 : i32
    %dma_wait3A_184 = tpu.memref_slice %arg4[%dma_wait3A_183] : memref<16x!tpu.dma_semaphore, #tpu.memory_space<semaphore_mem>> -> memref<1x!tpu.dma_semaphore, #tpu.memory_space<semaphore_mem>>
    %dma_wait3A_185 = tpu.memref_squeeze %dma_wait3A_184 : memref<1x!tpu.dma_semaphore, #tpu.memory_space<semaphore_mem>> -> memref<!tpu.dma_semaphore, #tpu.memory_space<semaphore_mem>>
    %dma_wait3A_186 = arith.constant 32 : i32
    %dma_wait3A_187 = arith.constant 0 : i32
    %dma_wait3A_188 = tpu.memref_slice %arg3[%dma_wait3A_186, %dma_wait3A_187] : memref<256x12480xf32, #tpu.memory_space<vmem>> -> memref<16x12480xf32, #tpu.memory_space<vmem>>
    %dma_wait3A_189 = arith.constant 544 : i32
    %dma_wait3A_190 = arith.constant 0 : i32
    %dma_wait3A_191 = tpu.memref_slice %arg1[%dma_wait3A_189, %dma_wait3A_190] : memref<768x12480xf32, #tpu.memory_space<hbm>> -> memref<16x12480xf32, #tpu.memory_space<hbm>>
    tpu.wait_dma2 semaphore(%dma_wait3A_185 : memref<!tpu.dma_semaphore, #tpu.memory_space<semaphore_mem>>) src(%dma_wait3A_191 : memref<16x12480xf32, #tpu.memory_space<hbm>>) dst(%dma_wait3A_188 : memref<16x12480xf32, #tpu.memory_space<vmem>>)
    %get3A_192 = arith.constant 32 : index
    %get3A_193 = arith.constant 0 : index
    %get3A_194 = vector.load %arg3[%get3A_192, %get3A_193] : memref<256x12480xf32, #tpu.memory_space<vmem>>, vector<16x12480xf32>
    %mul3A_195 = vector.broadcast %get3A_144 : vector<1x12480xf32> to vector<16x12480xf32>
    %mul3A_196 = arith.mulf %get3A_194, %mul3A_195 : vector<16x12480xf32>
    %reduce_sum3A_197 = arith.constant dense<0.000000e+00> : vector<16xf32>
    %reduce_sum3A_198 = vector.multi_reduction <add>, %mul3A_196, %reduce_sum3A_197 [1] : vector<16x12480xf32> to vector<16xf32>
    %swap3A_199 = arith.constant 0 : index
    %swap3A_200 = arith.constant 32 : index
    %swap3A_201 = vector.load %arg2[%swap3A_199, %swap3A_200] : memref<1x256xf32, #tpu.memory_space<vmem>>, vector<1x16xf32>
    %swap3A_202 = vector.shape_cast %swap3A_201 : vector<1x16xf32> to vector<16xf32>
    %swap3A_203 = vector.shape_cast %reduce_sum3A_198 : vector<16xf32> to vector<1x16xf32>
    tpu.vector_store %arg2[%swap3A_199, %swap3A_200], %swap3A_203 {strides = array<i32>} : memref<1x256xf32, #tpu.memory_space<vmem>>, vector<1x16xf32>,
    %dma_wait3A_204 = arith.constant 3 : i32
    %dma_wait3A_205 = tpu.memref_slice %arg4[%dma_wait3A_204] : memref<16x!tpu.dma_semaphore, #tpu.memory_space<semaphore_mem>> -> memref<1x!tpu.dma_semaphore, #tpu.memory_space<semaphore_mem>>
    %dma_wait3A_206 = tpu.memref_squeeze %dma_wait3A_205 : memref<1x!tpu.dma_semaphore, #tpu.memory_space<semaphore_mem>> -> memref<!tpu.dma_semaphore, #tpu.memory_space<semaphore_mem>>
    %dma_wait3A_207 = arith.constant 48 : i32
    %dma_wait3A_208 = arith.constant 0 : i32
    %dma_wait3A_209 = tpu.memref_slice %arg3[%dma_wait3A_207, %dma_wait3A_208] : memref<256x12480xf32, #tpu.memory_space<vmem>> -> memref<16x12480xf32, #tpu.memory_space<vmem>>
    %dma_wait3A_210 = arith.constant 560 : i32
    %dma_wait3A_211 = arith.constant 0 : i32
    %dma_wait3A_212 = tpu.memref_slice %arg1[%dma_wait3A_210, %dma_wait3A_211] : memref<768x12480xf32, #tpu.memory_space<hbm>> -> memref<16x12480xf32, #tpu.memory_space<hbm>>
    tpu.wait_dma2 semaphore(%dma_wait3A_206 : memref<!tpu.dma_semaphore, #tpu.memory_space<semaphore_mem>>) src(%dma_wait3A_212 : memref<16x12480xf32, #tpu.memory_space<hbm>>) dst(%dma_wait3A_209 : memref<16x12480xf32, #tpu.memory_space<vmem>>)
    %get3A_213 = arith.constant 48 : index
    %get3A_214 = arith.constant 0 : index
    %get3A_215 = vector.load %arg3[%get3A_213, %get3A_214] : memref<256x12480xf32, #tpu.memory_space<vmem>>, vector<16x12480xf32>
    %mul3A_216 = vector.broadcast %get3A_144 : vector<1x12480xf32> to vector<16x12480xf32>
    %mul3A_217 = arith.mulf %get3A_215, %mul3A_216 : vector<16x12480xf32>
    %reduce_sum3A_218 = arith.constant dense<0.000000e+00> : vector<16xf32>
    %reduce_sum3A_219 = vector.multi_reduction <add>, %mul3A_217, %reduce_sum3A_218 [1] : vector<16x12480xf32> to vector<16xf32>
    %swap3A_220 = arith.constant 0 : index
    %swap3A_221 = arith.constant 48 : index
    %swap3A_222 = vector.load %arg2[%swap3A_220, %swap3A_221] : memref<1x256xf32, #tpu.memory_space<vmem>>, vector<1x16xf32>
    %swap3A_223 = vector.shape_cast %swap3A_222 : vector<1x16xf32> to vector<16xf32>
    %swap3A_224 = vector.shape_cast %reduce_sum3A_219 : vector<16xf32> to vector<1x16xf32>
    tpu.vector_store %arg2[%swap3A_220, %swap3A_221], %swap3A_224 {strides = array<i32>} : memref<1x256xf32, #tpu.memory_space<vmem>>, vector<1x16xf32>,
    %dma_wait3A_225 = arith.constant 4 : i32
    %dma_wait3A_226 = tpu.memref_slice %arg4[%dma_wait3A_225] : memref<16x!tpu.dma_semaphore, #tpu.memory_space<semaphore_mem>> -> memref<1x!tpu.dma_semaphore, #tpu.memory_space<semaphore_mem>>
    %dma_wait3A_227 = tpu.memref_squeeze %dma_wait3A_226 : memref<1x!tpu.dma_semaphore, #tpu.memory_space<semaphore_mem>> -> memref<!tpu.dma_semaphore, #tpu.memory_space<semaphore_mem>>
    %dma_wait3A_228 = arith.constant 64 : i32
    %dma_wait3A_229 = arith.constant 0 : i32
    %dma_wait3A_230 = tpu.memref_slice %arg3[%dma_wait3A_228, %dma_wait3A_229] : memref<256x12480xf32, #tpu.memory_space<vmem>> -> memref<16x12480xf32, #tpu.memory_space<vmem>>
    %dma_wait3A_231 = arith.constant 576 : i32
    %dma_wait3A_232 = arith.constant 0 : i32
    %dma_wait3A_233 = tpu.memref_slice %arg1[%dma_wait3A_231, %dma_wait3A_232] : memref<768x12480xf32, #tpu.memory_space<hbm>> -> memref<16x12480xf32, #tpu.memory_space<hbm>>
    tpu.wait_dma2 semaphore(%dma_wait3A_227 : memref<!tpu.dma_semaphore, #tpu.memory_space<semaphore_mem>>) src(%dma_wait3A_233 : memref<16x12480xf32, #tpu.memory_space<hbm>>) dst(%dma_wait3A_230 : memref<16x12480xf32, #tpu.memory_space<vmem>>)
    %get3A_234 = arith.constant 64 : index
    %get3A_235 = arith.constant 0 : index
    %get3A_236 = vector.load %arg3[%get3A_234, %get3A_235] : memref<256x12480xf32, #tpu.memory_space<vmem>>, vector<16x12480xf32>
    %mul3A_237 = vector.broadcast %get3A_144 : vector<1x12480xf32> to vector<16x12480xf32>
    %mul3A_238 = arith.mulf %get3A_236, %mul3A_237 : vector<16x12480xf32>
    %reduce_sum3A_239 = arith.constant dense<0.000000e+00> : vector<16xf32>
    %reduce_sum3A_240 = vector.multi_reduction <add>, %mul3A_238, %reduce_sum3A_239 [1] : vector<16x12480xf32> to vector<16xf32>
    %swap3A_241 = arith.constant 0 : index
    %swap3A_242 = arith.constant 64 : index
    %swap3A_243 = vector.load %arg2[%swap3A_241, %swap3A_242] : memref<1x256xf32, #tpu.memory_space<vmem>>, vector<1x16xf32>
    %swap3A_244 = vector.shape_cast %swap3A_243 : vector<1x16xf32> to vector<16xf32>
    %swap3A_245 = vector.shape_cast %reduce_sum3A_240 : vector<16xf32> to vector<1x16xf32>
    tpu.vector_store %arg2[%swap3A_241, %swap3A_242], %swap3A_245 {strides = array<i32>} : memref<1x256xf32, #tpu.memory_space<vmem>>, vector<1x16xf32>,
    %dma_wait3A_246 = arith.constant 5 : i32
    %dma_wait3A_247 = tpu.memref_slice %arg4[%dma_wait3A_246] : memref<16x!tpu.dma_semaphore, #tpu.memory_space<semaphore_mem>> -> memref<1x!tpu.dma_semaphore, #tpu.memory_space<semaphore_mem>>
    %dma_wait3A_248 = tpu.memref_squeeze %dma_wait3A_247 : memref<1x!tpu.dma_semaphore, #tpu.memory_space<semaphore_mem>> -> memref<!tpu.dma_semaphore, #tpu.memory_space<semaphore_mem>>
    %dma_wait3A_249 = arith.constant 80 : i32
    %dma_wait3A_250 = arith.constant 0 : i32
    %dma_wait3A_251 = tpu.memref_slice %arg3[%dma_wait3A_249, %dma_wait3A_250] : memref<256x12480xf32, #tpu.memory_space<vmem>> -> memref<16x12480xf32, #tpu.memory_space<vmem>>
    %dma_wait3A_252 = arith.constant 592 : i32
    %dma_wait3A_253 = arith.constant 0 : i32
    %dma_wait3A_254 = tpu.memref_slice %arg1[%dma_wait3A_252, %dma_wait3A_253] : memref<768x12480xf32, #tpu.memory_space<hbm>> -> memref<16x12480xf32, #tpu.memory_space<hbm>>
    tpu.wait_dma2 semaphore(%dma_wait3A_248 : memref<!tpu.dma_semaphore, #tpu.memory_space<semaphore_mem>>) src(%dma_wait3A_254 : memref<16x12480xf32, #tpu.memory_space<hbm>>) dst(%dma_wait3A_251 : memref<16x12480xf32, #tpu.memory_space<vmem>>)
    %get3A_255 = arith.constant 80 : index
    %get3A_256 = arith.constant 0 : index
    %get3A_257 = vector.load %arg3[%get3A_255, %get3A_256] : memref<256x12480xf32, #tpu.memory_space<vmem>>, vector<16x12480xf32>
    %mul3A_258 = vector.broadcast %get3A_144 : vector<1x12480xf32> to vector<16x12480xf32>
    %mul3A_259 = arith.mulf %get3A_257, %mul3A_258 : vector<16x12480xf32>
    %reduce_sum3A_260 = arith.constant dense<0.000000e+00> : vector<16xf32>
    %reduce_sum3A_261 = vector.multi_reduction <add>, %mul3A_259, %reduce_sum3A_260 [1] : vector<16x12480xf32> to vector<16xf32>
    %swap3A_262 = arith.constant 0 : index
    %swap3A_263 = arith.constant 80 : index
    %swap3A_264 = vector.load %arg2[%swap3A_262, %swap3A_263] : memref<1x256xf32, #tpu.memory_space<vmem>>, vector<1x16xf32>
    %swap3A_265 = vector.shape_cast %swap3A_264 : vector<1x16xf32> to vector<16xf32>
    %swap3A_266 = vector.shape_cast %reduce_sum3A_261 : vector<16xf32> to vector<1x16xf32>
    tpu.vector_store %arg2[%swap3A_262, %swap3A_263], %swap3A_266 {strides = array<i32>} : memref<1x256xf32, #tpu.memory_space<vmem>>, vector<1x16xf32>,
    %dma_wait3A_267 = arith.constant 6 : i32
    %dma_wait3A_268 = tpu.memref_slice %arg4[%dma_wait3A_267] : memref<16x!tpu.dma_semaphore, #tpu.memory_space<semaphore_mem>> -> memref<1x!tpu.dma_semaphore, #tpu.memory_space<semaphore_mem>>
    %dma_wait3A_269 = tpu.memref_squeeze %dma_wait3A_268 : memref<1x!tpu.dma_semaphore, #tpu.memory_space<semaphore_mem>> -> memref<!tpu.dma_semaphore, #tpu.memory_space<semaphore_mem>>
    %dma_wait3A_270 = arith.constant 96 : i32
    %dma_wait3A_271 = arith.constant 0 : i32
    %dma_wait3A_272 = tpu.memref_slice %arg3[%dma_wait3A_270, %dma_wait3A_271] : memref<256x12480xf32, #tpu.memory_space<vmem>> -> memref<16x12480xf32, #tpu.memory_space<vmem>>
    %dma_wait3A_273 = arith.constant 608 : i32
    %dma_wait3A_274 = arith.constant 0 : i32
    %dma_wait3A_275 = tpu.memref_slice %arg1[%dma_wait3A_273, %dma_wait3A_274] : memref<768x12480xf32, #tpu.memory_space<hbm>> -> memref<16x12480xf32, #tpu.memory_space<hbm>>
    tpu.wait_dma2 semaphore(%dma_wait3A_269 : memref<!tpu.dma_semaphore, #tpu.memory_space<semaphore_mem>>) src(%dma_wait3A_275 : memref<16x12480xf32, #tpu.memory_space<hbm>>) dst(%dma_wait3A_272 : memref<16x12480xf32, #tpu.memory_space<vmem>>)
    %get3A_276 = arith.constant 96 : index
    %get3A_277 = arith.constant 0 : index
    %get3A_278 = vector.load %arg3[%get3A_276, %get3A_277] : memref<256x12480xf32, #tpu.memory_space<vmem>>, vector<16x12480xf32>
    %mul3A_279 = vector.broadcast %get3A_144 : vector<1x12480xf32> to vector<16x12480xf32>
    %mul3A_280 = arith.mulf %get3A_278, %mul3A_279 : vector<16x12480xf32>
    %reduce_sum3A_281 = arith.constant dense<0.000000e+00> : vector<16xf32>
    %reduce_sum3A_282 = vector.multi_reduction <add>, %mul3A_280, %reduce_sum3A_281 [1] : vector<16x12480xf32> to vector<16xf32>
    %swap3A_283 = arith.constant 0 : index
    %swap3A_284 = arith.constant 96 : index
    %swap3A_285 = vector.load %arg2[%swap3A_283, %swap3A_284] : memref<1x256xf32, #tpu.memory_space<vmem>>, vector<1x16xf32>
    %swap3A_286 = vector.shape_cast %swap3A_285 : vector<1x16xf32> to vector<16xf32>
    %swap3A_287 = vector.shape_cast %reduce_sum3A_282 : vector<16xf32> to vector<1x16xf32>
    tpu.vector_store %arg2[%swap3A_283, %swap3A_284], %swap3A_287 {strides = array<i32>} : memref<1x256xf32, #tpu.memory_space<vmem>>, vector<1x16xf32>,
    %dma_wait3A_288 = arith.constant 7 : i32
    %dma_wait3A_289 = tpu.memref_slice %arg4[%dma_wait3A_288] : memref<16x!tpu.dma_semaphore, #tpu.memory_space<semaphore_mem>> -> memref<1x!tpu.dma_semaphore, #tpu.memory_space<semaphore_mem>>
    %dma_wait3A_290 = tpu.memref_squeeze %dma_wait3A_289 : memref<1x!tpu.dma_semaphore, #tpu.memory_space<semaphore_mem>> -> memref<!tpu.dma_semaphore, #tpu.memory_space<semaphore_mem>>
    %dma_wait3A_291 = arith.constant 112 : i32
    %dma_wait3A_292 = arith.constant 0 : i32
    %dma_wait3A_293 = tpu.memref_slice %arg3[%dma_wait3A_291, %dma_wait3A_292] : memref<256x12480xf32, #tpu.memory_space<vmem>> -> memref<16x12480xf32, #tpu.memory_space<vmem>>
    %dma_wait3A_294 = arith.constant 624 : i32
    %dma_wait3A_295 = arith.constant 0 : i32
    %dma_wait3A_296 = tpu.memref_slice %arg1[%dma_wait3A_294, %dma_wait3A_295] : memref<768x12480xf32, #tpu.memory_space<hbm>> -> memref<16x12480xf32, #tpu.memory_space<hbm>>
    tpu.wait_dma2 semaphore(%dma_wait3A_290 : memref<!tpu.dma_semaphore, #tpu.memory_space<semaphore_mem>>) src(%dma_wait3A_296 : memref<16x12480xf32, #tpu.memory_space<hbm>>) dst(%dma_wait3A_293 : memref<16x12480xf32, #tpu.memory_space<vmem>>)
    %get3A_297 = arith.constant 112 : index
    %get3A_298 = arith.constant 0 : index
    %get3A_299 = vector.load %arg3[%get3A_297, %get3A_298] : memref<256x12480xf32, #tpu.memory_space<vmem>>, vector<16x12480xf32>
    %mul3A_300 = vector.broadcast %get3A_144 : vector<1x12480xf32> to vector<16x12480xf32>
    %mul3A_301 = arith.mulf %get3A_299, %mul3A_300 : vector<16x12480xf32>
    %reduce_sum3A_302 = arith.constant dense<0.000000e+00> : vector<16xf32>
    %reduce_sum3A_303 = vector.multi_reduction <add>, %mul3A_301, %reduce_sum3A_302 [1] : vector<16x12480xf32> to vector<16xf32>
    %swap3A_304 = arith.constant 0 : index
    %swap3A_305 = arith.constant 112 : index
    %swap3A_306 = vector.load %arg2[%swap3A_304, %swap3A_305] : memref<1x256xf32, #tpu.memory_space<vmem>>, vector<1x16xf32>
    %swap3A_307 = vector.shape_cast %swap3A_306 : vector<1x16xf32> to vector<16xf32>
    %swap3A_308 = vector.shape_cast %reduce_sum3A_303 : vector<16xf32> to vector<1x16xf32>
    tpu.vector_store %arg2[%swap3A_304, %swap3A_305], %swap3A_308 {strides = array<i32>} : memref<1x256xf32, #tpu.memory_space<vmem>>, vector<1x16xf32>,
    %dma_wait3A_309 = arith.constant 8 : i32
    %dma_wait3A_310 = tpu.memref_slice %arg4[%dma_wait3A_309] : memref<16x!tpu.dma_semaphore, #tpu.memory_space<semaphore_mem>> -> memref<1x!tpu.dma_semaphore, #tpu.memory_space<semaphore_mem>>
    %dma_wait3A_311 = tpu.memref_squeeze %dma_wait3A_310 : memref<1x!tpu.dma_semaphore, #tpu.memory_space<semaphore_mem>> -> memref<!tpu.dma_semaphore, #tpu.memory_space<semaphore_mem>>
    %dma_wait3A_312 = arith.constant 128 : i32
    %dma_wait3A_313 = arith.constant 0 : i32
    %dma_wait3A_314 = tpu.memref_slice %arg3[%dma_wait3A_312, %dma_wait3A_313] : memref<256x12480xf32, #tpu.memory_space<vmem>> -> memref<16x12480xf32, #tpu.memory_space<vmem>>
    %dma_wait3A_315 = arith.constant 640 : i32
    %dma_wait3A_316 = arith.constant 0 : i32
    %dma_wait3A_317 = tpu.memref_slice %arg1[%dma_wait3A_315, %dma_wait3A_316] : memref<768x12480xf32, #tpu.memory_space<hbm>> -> memref<16x12480xf32, #tpu.memory_space<hbm>>
    tpu.wait_dma2 semaphore(%dma_wait3A_311 : memref<!tpu.dma_semaphore, #tpu.memory_space<semaphore_mem>>) src(%dma_wait3A_317 : memref<16x12480xf32, #tpu.memory_space<hbm>>) dst(%dma_wait3A_314 : memref<16x12480xf32, #tpu.memory_space<vmem>>)
    %get3A_318 = arith.constant 128 : index
    %get3A_319 = arith.constant 0 : index
    %get3A_320 = vector.load %arg3[%get3A_318, %get3A_319] : memref<256x12480xf32, #tpu.memory_space<vmem>>, vector<16x12480xf32>
    %mul3A_321 = vector.broadcast %get3A_144 : vector<1x12480xf32> to vector<16x12480xf32>
    %mul3A_322 = arith.mulf %get3A_320, %mul3A_321 : vector<16x12480xf32>
    %reduce_sum3A_323 = arith.constant dense<0.000000e+00> : vector<16xf32>
    %reduce_sum3A_324 = vector.multi_reduction <add>, %mul3A_322, %reduce_sum3A_323 [1] : vector<16x12480xf32> to vector<16xf32>
    %swap3A_325 = arith.constant 0 : index
    %swap3A_326 = arith.constant 128 : index
    %swap3A_327 = vector.load %arg2[%swap3A_325, %swap3A_326] : memref<1x256xf32, #tpu.memory_space<vmem>>, vector<1x16xf32>
    %swap3A_328 = vector.shape_cast %swap3A_327 : vector<1x16xf32> to vector<16xf32>
    %swap3A_329 = vector.shape_cast %reduce_sum3A_324 : vector<16xf32> to vector<1x16xf32>
    tpu.vector_store %arg2[%swap3A_325, %swap3A_326], %swap3A_329 {strides = array<i32>} : memref<1x256xf32, #tpu.memory_space<vmem>>, vector<1x16xf32>,
    %dma_wait3A_330 = arith.constant 9 : i32
    %dma_wait3A_331 = tpu.memref_slice %arg4[%dma_wait3A_330] : memref<16x!tpu.dma_semaphore, #tpu.memory_space<semaphore_mem>> -> memref<1x!tpu.dma_semaphore, #tpu.memory_space<semaphore_mem>>
    %dma_wait3A_332 = tpu.memref_squeeze %dma_wait3A_331 : memref<1x!tpu.dma_semaphore, #tpu.memory_space<semaphore_mem>> -> memref<!tpu.dma_semaphore, #tpu.memory_space<semaphore_mem>>
    %dma_wait3A_333 = arith.constant 144 : i32
    %dma_wait3A_334 = arith.constant 0 : i32
    %dma_wait3A_335 = tpu.memref_slice %arg3[%dma_wait3A_333, %dma_wait3A_334] : memref<256x12480xf32, #tpu.memory_space<vmem>> -> memref<16x12480xf32, #tpu.memory_space<vmem>>
    %dma_wait3A_336 = arith.constant 656 : i32
    %dma_wait3A_337 = arith.constant 0 : i32
    %dma_wait3A_338 = tpu.memref_slice %arg1[%dma_wait3A_336, %dma_wait3A_337] : memref<768x12480xf32, #tpu.memory_space<hbm>> -> memref<16x12480xf32, #tpu.memory_space<hbm>>
    tpu.wait_dma2 semaphore(%dma_wait3A_332 : memref<!tpu.dma_semaphore, #tpu.memory_space<semaphore_mem>>) src(%dma_wait3A_338 : memref<16x12480xf32, #tpu.memory_space<hbm>>) dst(%dma_wait3A_335 : memref<16x12480xf32, #tpu.memory_space<vmem>>)
    %get3A_339 = arith.constant 144 : index
    %get3A_340 = arith.constant 0 : index
    %get3A_341 = vector.load %arg3[%get3A_339, %get3A_340] : memref<256x12480xf32, #tpu.memory_space<vmem>>, vector<16x12480xf32>
    %mul3A_342 = vector.broadcast %get3A_144 : vector<1x12480xf32> to vector<16x12480xf32>
    %mul3A_343 = arith.mulf %get3A_341, %mul3A_342 : vector<16x12480xf32>
    %reduce_sum3A_344 = arith.constant dense<0.000000e+00> : vector<16xf32>
    %reduce_sum3A_345 = vector.multi_reduction <add>, %mul3A_343, %reduce_sum3A_344 [1] : vector<16x12480xf32> to vector<16xf32>
    %swap3A_346 = arith.constant 0 : index
    %swap3A_347 = arith.constant 144 : index
    %swap3A_348 = vector.load %arg2[%swap3A_346, %swap3A_347] : memref<1x256xf32, #tpu.memory_space<vmem>>, vector<1x16xf32>
    %swap3A_349 = vector.shape_cast %swap3A_348 : vector<1x16xf32> to vector<16xf32>
    %swap3A_350 = vector.shape_cast %reduce_sum3A_345 : vector<16xf32> to vector<1x16xf32>
    tpu.vector_store %arg2[%swap3A_346, %swap3A_347], %swap3A_350 {strides = array<i32>} : memref<1x256xf32, #tpu.memory_space<vmem>>, vector<1x16xf32>,
    %dma_wait3A_351 = arith.constant 10 : i32
    %dma_wait3A_352 = tpu.memref_slice %arg4[%dma_wait3A_351] : memref<16x!tpu.dma_semaphore, #tpu.memory_space<semaphore_mem>> -> memref<1x!tpu.dma_semaphore, #tpu.memory_space<semaphore_mem>>
    %dma_wait3A_353 = tpu.memref_squeeze %dma_wait3A_352 : memref<1x!tpu.dma_semaphore, #tpu.memory_space<semaphore_mem>> -> memref<!tpu.dma_semaphore, #tpu.memory_space<semaphore_mem>>
    %dma_wait3A_354 = arith.constant 160 : i32
    %dma_wait3A_355 = arith.constant 0 : i32
    %dma_wait3A_356 = tpu.memref_slice %arg3[%dma_wait3A_354, %dma_wait3A_355] : memref<256x12480xf32, #tpu.memory_space<vmem>> -> memref<16x12480xf32, #tpu.memory_space<vmem>>
    %dma_wait3A_357 = arith.constant 672 : i32
    %dma_wait3A_358 = arith.constant 0 : i32
    %dma_wait3A_359 = tpu.memref_slice %arg1[%dma_wait3A_357, %dma_wait3A_358] : memref<768x12480xf32, #tpu.memory_space<hbm>> -> memref<16x12480xf32, #tpu.memory_space<hbm>>
    tpu.wait_dma2 semaphore(%dma_wait3A_353 : memref<!tpu.dma_semaphore, #tpu.memory_space<semaphore_mem>>) src(%dma_wait3A_359 : memref<16x12480xf32, #tpu.memory_space<hbm>>) dst(%dma_wait3A_356 : memref<16x12480xf32, #tpu.memory_space<vmem>>)
    %get3A_360 = arith.constant 160 : index
    %get3A_361 = arith.constant 0 : index
    %get3A_362 = vector.load %arg3[%get3A_360, %get3A_361] : memref<256x12480xf32, #tpu.memory_space<vmem>>, vector<16x12480xf32>
    %mul3A_363 = vector.broadcast %get3A_144 : vector<1x12480xf32> to vector<16x12480xf32>
    %mul3A_364 = arith.mulf %get3A_362, %mul3A_363 : vector<16x12480xf32>
    %reduce_sum3A_365 = arith.constant dense<0.000000e+00> : vector<16xf32>
    %reduce_sum3A_366 = vector.multi_reduction <add>, %mul3A_364, %reduce_sum3A_365 [1] : vector<16x12480xf32> to vector<16xf32>
    %swap3A_367 = arith.constant 0 : index
    %swap3A_368 = arith.constant 160 : index
    %swap3A_369 = vector.load %arg2[%swap3A_367, %swap3A_368] : memref<1x256xf32, #tpu.memory_space<vmem>>, vector<1x16xf32>
    %swap3A_370 = vector.shape_cast %swap3A_369 : vector<1x16xf32> to vector<16xf32>
    %swap3A_371 = vector.shape_cast %reduce_sum3A_366 : vector<16xf32> to vector<1x16xf32>
    tpu.vector_store %arg2[%swap3A_367, %swap3A_368], %swap3A_371 {strides = array<i32>} : memref<1x256xf32, #tpu.memory_space<vmem>>, vector<1x16xf32>,
    %dma_wait3A_372 = arith.constant 11 : i32
    %dma_wait3A_373 = tpu.memref_slice %arg4[%dma_wait3A_372] : memref<16x!tpu.dma_semaphore, #tpu.memory_space<semaphore_mem>> -> memref<1x!tpu.dma_semaphore, #tpu.memory_space<semaphore_mem>>
    %dma_wait3A_374 = tpu.memref_squeeze %dma_wait3A_373 : memref<1x!tpu.dma_semaphore, #tpu.memory_space<semaphore_mem>> -> memref<!tpu.dma_semaphore, #tpu.memory_space<semaphore_mem>>
    %dma_wait3A_375 = arith.constant 176 : i32
    %dma_wait3A_376 = arith.constant 0 : i32
    %dma_wait3A_377 = tpu.memref_slice %arg3[%dma_wait3A_375, %dma_wait3A_376] : memref<256x12480xf32, #tpu.memory_space<vmem>> -> memref<16x12480xf32, #tpu.memory_space<vmem>>
    %dma_wait3A_378 = arith.constant 688 : i32
    %dma_wait3A_379 = arith.constant 0 : i32
    %dma_wait3A_380 = tpu.memref_slice %arg1[%dma_wait3A_378, %dma_wait3A_379] : memref<768x12480xf32, #tpu.memory_space<hbm>> -> memref<16x12480xf32, #tpu.memory_space<hbm>>
    tpu.wait_dma2 semaphore(%dma_wait3A_374 : memref<!tpu.dma_semaphore, #tpu.memory_space<semaphore_mem>>) src(%dma_wait3A_380 : memref<16x12480xf32, #tpu.memory_space<hbm>>) dst(%dma_wait3A_377 : memref<16x12480xf32, #tpu.memory_space<vmem>>)
    %get3A_381 = arith.constant 176 : index
    %get3A_382 = arith.constant 0 : index
    %get3A_383 = vector.load %arg3[%get3A_381, %get3A_382] : memref<256x12480xf32, #tpu.memory_space<vmem>>, vector<16x12480xf32>
    %mul3A_384 = vector.broadcast %get3A_144 : vector<1x12480xf32> to vector<16x12480xf32>
    %mul3A_385 = arith.mulf %get3A_383, %mul3A_384 : vector<16x12480xf32>
    %reduce_sum3A_386 = arith.constant dense<0.000000e+00> : vector<16xf32>
    %reduce_sum3A_387 = vector.multi_reduction <add>, %mul3A_385, %reduce_sum3A_386 [1] : vector<16x12480xf32> to vector<16xf32>
    %swap3A_388 = arith.constant 0 : index
    %swap3A_389 = arith.constant 176 : index
    %swap3A_390 = vector.load %arg2[%swap3A_388, %swap3A_389] : memref<1x256xf32, #tpu.memory_space<vmem>>, vector<1x16xf32>
    %swap3A_391 = vector.shape_cast %swap3A_390 : vector<1x16xf32> to vector<16xf32>
    %swap3A_392 = vector.shape_cast %reduce_sum3A_387 : vector<16xf32> to vector<1x16xf32>
    tpu.vector_store %arg2[%swap3A_388, %swap3A_389], %swap3A_392 {strides = array<i32>} : memref<1x256xf32, #tpu.memory_space<vmem>>, vector<1x16xf32>,
    %dma_wait3A_393 = arith.constant 12 : i32
    %dma_wait3A_394 = tpu.memref_slice %arg4[%dma_wait3A_393] : memref<16x!tpu.dma_semaphore, #tpu.memory_space<semaphore_mem>> -> memref<1x!tpu.dma_semaphore, #tpu.memory_space<semaphore_mem>>
    %dma_wait3A_395 = tpu.memref_squeeze %dma_wait3A_394 : memref<1x!tpu.dma_semaphore, #tpu.memory_space<semaphore_mem>> -> memref<!tpu.dma_semaphore, #tpu.memory_space<semaphore_mem>>
    %dma_wait3A_396 = arith.constant 192 : i32
    %dma_wait3A_397 = arith.constant 0 : i32
    %dma_wait3A_398 = tpu.memref_slice %arg3[%dma_wait3A_396, %dma_wait3A_397] : memref<256x12480xf32, #tpu.memory_space<vmem>> -> memref<16x12480xf32, #tpu.memory_space<vmem>>
    %dma_wait3A_399 = arith.constant 704 : i32
    %dma_wait3A_400 = arith.constant 0 : i32
    %dma_wait3A_401 = tpu.memref_slice %arg1[%dma_wait3A_399, %dma_wait3A_400] : memref<768x12480xf32, #tpu.memory_space<hbm>> -> memref<16x12480xf32, #tpu.memory_space<hbm>>
    tpu.wait_dma2 semaphore(%dma_wait3A_395 : memref<!tpu.dma_semaphore, #tpu.memory_space<semaphore_mem>>) src(%dma_wait3A_401 : memref<16x12480xf32, #tpu.memory_space<hbm>>) dst(%dma_wait3A_398 : memref<16x12480xf32, #tpu.memory_space<vmem>>)
    %get3A_402 = arith.constant 192 : index
    %get3A_403 = arith.constant 0 : index
    %get3A_404 = vector.load %arg3[%get3A_402, %get3A_403] : memref<256x12480xf32, #tpu.memory_space<vmem>>, vector<16x12480xf32>
    %mul3A_405 = vector.broadcast %get3A_144 : vector<1x12480xf32> to vector<16x12480xf32>
    %mul3A_406 = arith.mulf %get3A_404, %mul3A_405 : vector<16x12480xf32>
    %reduce_sum3A_407 = arith.constant dense<0.000000e+00> : vector<16xf32>
    %reduce_sum3A_408 = vector.multi_reduction <add>, %mul3A_406, %reduce_sum3A_407 [1] : vector<16x12480xf32> to vector<16xf32>
    %swap3A_409 = arith.constant 0 : index
    %swap3A_410 = arith.constant 192 : index
    %swap3A_411 = vector.load %arg2[%swap3A_409, %swap3A_410] : memref<1x256xf32, #tpu.memory_space<vmem>>, vector<1x16xf32>
    %swap3A_412 = vector.shape_cast %swap3A_411 : vector<1x16xf32> to vector<16xf32>
    %swap3A_413 = vector.shape_cast %reduce_sum3A_408 : vector<16xf32> to vector<1x16xf32>
    tpu.vector_store %arg2[%swap3A_409, %swap3A_410], %swap3A_413 {strides = array<i32>} : memref<1x256xf32, #tpu.memory_space<vmem>>, vector<1x16xf32>,
    %dma_wait3A_414 = arith.constant 13 : i32
    %dma_wait3A_415 = tpu.memref_slice %arg4[%dma_wait3A_414] : memref<16x!tpu.dma_semaphore, #tpu.memory_space<semaphore_mem>> -> memref<1x!tpu.dma_semaphore, #tpu.memory_space<semaphore_mem>>
    %dma_wait3A_416 = tpu.memref_squeeze %dma_wait3A_415 : memref<1x!tpu.dma_semaphore, #tpu.memory_space<semaphore_mem>> -> memref<!tpu.dma_semaphore, #tpu.memory_space<semaphore_mem>>
    %dma_wait3A_417 = arith.constant 208 : i32
    %dma_wait3A_418 = arith.constant 0 : i32
    %dma_wait3A_419 = tpu.memref_slice %arg3[%dma_wait3A_417, %dma_wait3A_418] : memref<256x12480xf32, #tpu.memory_space<vmem>> -> memref<16x12480xf32, #tpu.memory_space<vmem>>
    %dma_wait3A_420 = arith.constant 720 : i32
    %dma_wait3A_421 = arith.constant 0 : i32
    %dma_wait3A_422 = tpu.memref_slice %arg1[%dma_wait3A_420, %dma_wait3A_421] : memref<768x12480xf32, #tpu.memory_space<hbm>> -> memref<16x12480xf32, #tpu.memory_space<hbm>>
    tpu.wait_dma2 semaphore(%dma_wait3A_416 : memref<!tpu.dma_semaphore, #tpu.memory_space<semaphore_mem>>) src(%dma_wait3A_422 : memref<16x12480xf32, #tpu.memory_space<hbm>>) dst(%dma_wait3A_419 : memref<16x12480xf32, #tpu.memory_space<vmem>>)
    %get3A_423 = arith.constant 208 : index
    %get3A_424 = arith.constant 0 : index
    %get3A_425 = vector.load %arg3[%get3A_423, %get3A_424] : memref<256x12480xf32, #tpu.memory_space<vmem>>, vector<16x12480xf32>
    %mul3A_426 = vector.broadcast %get3A_144 : vector<1x12480xf32> to vector<16x12480xf32>
    %mul3A_427 = arith.mulf %get3A_425, %mul3A_426 : vector<16x12480xf32>
    %reduce_sum3A_428 = arith.constant dense<0.000000e+00> : vector<16xf32>
    %reduce_sum3A_429 = vector.multi_reduction <add>, %mul3A_427, %reduce_sum3A_428 [1] : vector<16x12480xf32> to vector<16xf32>
    %swap3A_430 = arith.constant 0 : index
    %swap3A_431 = arith.constant 208 : index
    %swap3A_432 = vector.load %arg2[%swap3A_430, %swap3A_431] : memref<1x256xf32, #tpu.memory_space<vmem>>, vector<1x16xf32>
    %swap3A_433 = vector.shape_cast %swap3A_432 : vector<1x16xf32> to vector<16xf32>
    %swap3A_434 = vector.shape_cast %reduce_sum3A_429 : vector<16xf32> to vector<1x16xf32>
    tpu.vector_store %arg2[%swap3A_430, %swap3A_431], %swap3A_434 {strides = array<i32>} : memref<1x256xf32, #tpu.memory_space<vmem>>, vector<1x16xf32>,
    %dma_wait3A_435 = arith.constant 14 : i32
    %dma_wait3A_436 = tpu.memref_slice %arg4[%dma_wait3A_435] : memref<16x!tpu.dma_semaphore, #tpu.memory_space<semaphore_mem>> -> memref<1x!tpu.dma_semaphore, #tpu.memory_space<semaphore_mem>>
    %dma_wait3A_437 = tpu.memref_squeeze %dma_wait3A_436 : memref<1x!tpu.dma_semaphore, #tpu.memory_space<semaphore_mem>> -> memref<!tpu.dma_semaphore, #tpu.memory_space<semaphore_mem>>
    %dma_wait3A_438 = arith.constant 224 : i32
    %dma_wait3A_439 = arith.constant 0 : i32
    %dma_wait3A_440 = tpu.memref_slice %arg3[%dma_wait3A_438, %dma_wait3A_439] : memref<256x12480xf32, #tpu.memory_space<vmem>> -> memref<16x12480xf32, #tpu.memory_space<vmem>>
    %dma_wait3A_441 = arith.constant 736 : i32
    %dma_wait3A_442 = arith.constant 0 : i32
    %dma_wait3A_443 = tpu.memref_slice %arg1[%dma_wait3A_441, %dma_wait3A_442] : memref<768x12480xf32, #tpu.memory_space<hbm>> -> memref<16x12480xf32, #tpu.memory_space<hbm>>
    tpu.wait_dma2 semaphore(%dma_wait3A_437 : memref<!tpu.dma_semaphore, #tpu.memory_space<semaphore_mem>>) src(%dma_wait3A_443 : memref<16x12480xf32, #tpu.memory_space<hbm>>) dst(%dma_wait3A_440 : memref<16x12480xf32, #tpu.memory_space<vmem>>)
    %get3A_444 = arith.constant 224 : index
    %get3A_445 = arith.constant 0 : index
    %get3A_446 = vector.load %arg3[%get3A_444, %get3A_445] : memref<256x12480xf32, #tpu.memory_space<vmem>>, vector<16x12480xf32>
    %mul3A_447 = vector.broadcast %get3A_144 : vector<1x12480xf32> to vector<16x12480xf32>
    %mul3A_448 = arith.mulf %get3A_446, %mul3A_447 : vector<16x12480xf32>
    %reduce_sum3A_449 = arith.constant dense<0.000000e+00> : vector<16xf32>
    %reduce_sum3A_450 = vector.multi_reduction <add>, %mul3A_448, %reduce_sum3A_449 [1] : vector<16x12480xf32> to vector<16xf32>
    %swap3A_451 = arith.constant 0 : index
    %swap3A_452 = arith.constant 224 : index
    %swap3A_453 = vector.load %arg2[%swap3A_451, %swap3A_452] : memref<1x256xf32, #tpu.memory_space<vmem>>, vector<1x16xf32>
    %swap3A_454 = vector.shape_cast %swap3A_453 : vector<1x16xf32> to vector<16xf32>
    %swap3A_455 = vector.shape_cast %reduce_sum3A_450 : vector<16xf32> to vector<1x16xf32>
    tpu.vector_store %arg2[%swap3A_451, %swap3A_452], %swap3A_455 {strides = array<i32>} : memref<1x256xf32, #tpu.memory_space<vmem>>, vector<1x16xf32>,
    %dma_wait3A_456 = arith.constant 15 : i32
    %dma_wait3A_457 = tpu.memref_slice %arg4[%dma_wait3A_456] : memref<16x!tpu.dma_semaphore, #tpu.memory_space<semaphore_mem>> -> memref<1x!tpu.dma_semaphore, #tpu.memory_space<semaphore_mem>>
    %dma_wait3A_458 = tpu.memref_squeeze %dma_wait3A_457 : memref<1x!tpu.dma_semaphore, #tpu.memory_space<semaphore_mem>> -> memref<!tpu.dma_semaphore, #tpu.memory_space<semaphore_mem>>
    %dma_wait3A_459 = arith.constant 240 : i32
    %dma_wait3A_460 = arith.constant 0 : i32
    %dma_wait3A_461 = tpu.memref_slice %arg3[%dma_wait3A_459, %dma_wait3A_460] : memref<256x12480xf32, #tpu.memory_space<vmem>> -> memref<16x12480xf32, #tpu.memory_space<vmem>>
    %dma_wait3A_462 = arith.constant 752 : i32
    %dma_wait3A_463 = arith.constant 0 : i32
    %dma_wait3A_464 = tpu.memref_slice %arg1[%dma_wait3A_462, %dma_wait3A_463] : memref<768x12480xf32, #tpu.memory_space<hbm>> -> memref<16x12480xf32, #tpu.memory_space<hbm>>
    tpu.wait_dma2 semaphore(%dma_wait3A_458 : memref<!tpu.dma_semaphore, #tpu.memory_space<semaphore_mem>>) src(%dma_wait3A_464 : memref<16x12480xf32, #tpu.memory_space<hbm>>) dst(%dma_wait3A_461 : memref<16x12480xf32, #tpu.memory_space<vmem>>)
    %get3A_465 = arith.constant 240 : index
    %get3A_466 = arith.constant 0 : index
    %get3A_467 = vector.load %arg3[%get3A_465, %get3A_466] : memref<256x12480xf32, #tpu.memory_space<vmem>>, vector<16x12480xf32>
    %mul3A_468 = vector.broadcast %get3A_144 : vector<1x12480xf32> to vector<16x12480xf32>
    %mul3A_469 = arith.mulf %get3A_467, %mul3A_468 : vector<16x12480xf32>
    %reduce_sum3A_470 = arith.constant dense<0.000000e+00> : vector<16xf32>
    %reduce_sum3A_471 = vector.multi_reduction <add>, %mul3A_469, %reduce_sum3A_470 [1] : vector<16x12480xf32> to vector<16xf32>
    %swap3A_472 = arith.constant 0 : index
    %swap3A_473 = arith.constant 240 : index
    %swap3A_474 = vector.load %arg2[%swap3A_472, %swap3A_473] : memref<1x256xf32, #tpu.memory_space<vmem>>, vector<1x16xf32>
    %swap3A_475 = vector.shape_cast %swap3A_474 : vector<1x16xf32> to vector<16xf32>
    %swap3A_476 = vector.shape_cast %reduce_sum3A_471 : vector<16xf32> to vector<1x16xf32>
    tpu.vector_store %arg2[%swap3A_472, %swap3A_473], %swap3A_476 {strides = array<i32>} : memref<1x256xf32, #tpu.memory_space<vmem>>, vector<1x16xf32>,
    return
  }
}

module attributes {stable_mosaic.version = 14 : i64} {
  func.func @_ep_body(%arg0: memref<1x512xf32, #tpu.memory_space<vmem>>, %arg1: memref<1x256xf32, #tpu.memory_space<vmem>>, %arg2: memref<768x256xf32, #tpu.memory_space<vmem>>, %arg3: memref<1x768xf32, #tpu.memory_space<vmem>>, %arg4: memref<1x768xf32, #tpu.memory_space<vmem>>, %arg5: memref<1x256xf32, #tpu.memory_space<vmem>>, %arg6: memref<4096xf32, #tpu.memory_space<vmem>>, %arg7: memref<1x1x256xf32, #tpu.memory_space<vmem>>) attributes {dimension_semantics = [], scalar_prefetch = 0 : i64, scratch_operands = 0 : i64, tpu.core_type = #tpu.core_type<tc>} {
    %get3A = arith.constant 0 : index
    %get3A_0 = arith.constant 0 : index
    %get3A_1 = vector.load %arg0[%get3A, %get3A_0] : memref<1x512xf32, #tpu.memory_space<vmem>>, vector<1x512xf32>
    %get3A_2 = vector.shape_cast %get3A_1 : vector<1x512xf32> to vector<512xf32>
    %get3A_3 = arith.constant 0 : index
    %get3A_4 = arith.constant 0 : index
    %get3A_5 = vector.load %arg1[%get3A_3, %get3A_4] : memref<1x256xf32, #tpu.memory_space<vmem>>, vector<1x256xf32>
    %get3A_6 = vector.shape_cast %get3A_5 : vector<1x256xf32> to vector<256xf32>
    %concatenate3A = tpu.concatenate %get3A_2, %get3A_6 in 0 : vector<512xf32>, vector<256xf32> -> vector<768xf32>
    %get3A_7 = arith.constant 0 : index
    %get3A_8 = arith.constant 0 : index
    %get3A_9 = vector.load %arg3[%get3A_7, %get3A_8] : memref<1x768xf32, #tpu.memory_space<vmem>>, vector<1x768xf32>
    %get3A_10 = vector.shape_cast %get3A_9 : vector<1x768xf32> to vector<768xf32>
    %add3A = arith.addf %concatenate3A, %get3A_10 : vector<768xf32>
    %get3A_11 = arith.constant 0 : index
    %get3A_12 = arith.constant 0 : index
    %get3A_13 = vector.load %arg5[%get3A_11, %get3A_12] : memref<1x256xf32, #tpu.memory_space<vmem>>, vector<1x256xf32>
    %get3A_14 = arith.constant 0 : index
    %get3A_15 = arith.constant 0 : index
    %get3A_16 = vector.load %arg2[%get3A_14, %get3A_15] : memref<768x256xf32, #tpu.memory_space<vmem>>, vector<768x256xf32>
    %slice3A = vector.extract_strided_slice %add3A {offsets = [0], sizes = [256], strides = [1]} : vector<768xf32> to vector<256xf32>
    %slice3A_17 = vector.extract_strided_slice %add3A {offsets = [256], sizes = [256], strides = [1]} : vector<768xf32> to vector<256xf32>
    %slice3A_18 = vector.extract_strided_slice %add3A {offsets = [512], sizes = [256], strides = [1]} : vector<768xf32> to vector<256xf32>
    %slice3A_19 = vector.extract_strided_slice %get3A_16 {offsets = [0, 0], sizes = [256, 256], strides = [1, 1]} : vector<768x256xf32> to vector<256x256xf32>
    %mul3A = vector.broadcast %get3A_13 : vector<1x256xf32> to vector<256x256xf32>
    %mul3A_20 = arith.mulf %slice3A_19, %mul3A : vector<256x256xf32>
    %reduce_sum3A = arith.constant dense<0.000000e+00> : vector<256xf32>
    %reduce_sum3A_21 = vector.multi_reduction <add>, %mul3A_20, %reduce_sum3A [1] : vector<256x256xf32> to vector<256xf32>
    %get3A_22 = arith.constant 0 : index
    %get3A_23 = arith.constant 0 : index
    %get3A_24 = vector.load %arg4[%get3A_22, %get3A_23] : memref<1x768xf32, #tpu.memory_space<vmem>>, vector<1x256xf32>
    %get3A_25 = vector.shape_cast %get3A_24 : vector<1x256xf32> to vector<256xf32>
    %add3A_26 = arith.addf %reduce_sum3A_21, %get3A_25 : vector<256xf32>
    %slice3A_27 = vector.extract_strided_slice %get3A_16 {offsets = [256, 0], sizes = [256, 256], strides = [1, 1]} : vector<768x256xf32> to vector<256x256xf32>
    %mul3A_28 = vector.broadcast %get3A_13 : vector<1x256xf32> to vector<256x256xf32>
    %mul3A_29 = arith.mulf %slice3A_27, %mul3A_28 : vector<256x256xf32>
    %reduce_sum3A_30 = arith.constant dense<0.000000e+00> : vector<256xf32>
    %reduce_sum3A_31 = vector.multi_reduction <add>, %mul3A_29, %reduce_sum3A_30 [1] : vector<256x256xf32> to vector<256xf32>
    %get3A_32 = arith.constant 0 : index
    %get3A_33 = arith.constant 256 : index
    %get3A_34 = vector.load %arg4[%get3A_32, %get3A_33] : memref<1x768xf32, #tpu.memory_space<vmem>>, vector<1x256xf32>
    %get3A_35 = vector.shape_cast %get3A_34 : vector<1x256xf32> to vector<256xf32>
    %add3A_36 = arith.addf %reduce_sum3A_31, %get3A_35 : vector<256xf32>
    %slice3A_37 = vector.extract_strided_slice %get3A_16 {offsets = [512, 0], sizes = [256, 256], strides = [1, 1]} : vector<768x256xf32> to vector<256x256xf32>
    %mul3A_38 = vector.broadcast %get3A_13 : vector<1x256xf32> to vector<256x256xf32>
    %mul3A_39 = arith.mulf %slice3A_37, %mul3A_38 : vector<256x256xf32>
    %reduce_sum3A_40 = arith.constant dense<0.000000e+00> : vector<256xf32>
    %reduce_sum3A_41 = vector.multi_reduction <add>, %mul3A_39, %reduce_sum3A_40 [1] : vector<256x256xf32> to vector<256xf32>
    %get3A_42 = arith.constant 0 : index
    %get3A_43 = arith.constant 512 : index
    %get3A_44 = vector.load %arg4[%get3A_42, %get3A_43] : memref<1x768xf32, #tpu.memory_space<vmem>>, vector<1x256xf32>
    %get3A_45 = vector.shape_cast %get3A_44 : vector<1x256xf32> to vector<256xf32>
    %add3A_46 = arith.addf %reduce_sum3A_41, %get3A_45 : vector<256xf32>
    %add3A_47 = arith.addf %slice3A, %add3A_26 : vector<256xf32>
    %logistic3A = arith.negf %add3A_47 : vector<256xf32>
    %logistic3A_48 = math.exp %logistic3A : vector<256xf32>
    %logistic3A_49 = arith.constant 1.000000e+00 : f32
    %logistic3A_50 = vector.broadcast %logistic3A_49 : f32 to vector<256xf32>
    %logistic3A_51 = arith.addf %logistic3A_50, %logistic3A_48 : vector<256xf32>
    %logistic3A_52 = arith.divf %logistic3A_50, %logistic3A_51 : vector<256xf32>
    %add3A_53 = arith.addf %slice3A_17, %add3A_36 : vector<256xf32>
    %logistic3A_54 = arith.negf %add3A_53 : vector<256xf32>
    %logistic3A_55 = math.exp %logistic3A_54 : vector<256xf32>
    %logistic3A_56 = arith.constant 1.000000e+00 : f32
    %logistic3A_57 = vector.broadcast %logistic3A_56 : f32 to vector<256xf32>
    %logistic3A_58 = arith.addf %logistic3A_57, %logistic3A_55 : vector<256xf32>
    %logistic3A_59 = arith.divf %logistic3A_57, %logistic3A_58 : vector<256xf32>
    %mul3A_60 = arith.mulf %logistic3A_52, %add3A_46 : vector<256xf32>
    %add3A_61 = arith.addf %slice3A_18, %mul3A_60 : vector<256xf32>
    %tanh3A = math.tanh %add3A_61 : vector<256xf32>
    %sub3A = arith.constant 1.000000e+00 : f32
    %sub3A_62 = vector.broadcast %sub3A : f32 to vector<256xf32>
    %sub3A_63 = arith.subf %sub3A_62, %logistic3A_59 : vector<256xf32>
    %mul3A_64 = arith.mulf %sub3A_63, %tanh3A : vector<256xf32>
    %squeeze3A = vector.shape_cast %get3A_13 : vector<1x256xf32> to vector<256xf32>
    %mul3A_65 = arith.mulf %logistic3A_59, %squeeze3A : vector<256xf32>
    %add3A_66 = arith.addf %mul3A_64, %mul3A_65 : vector<256xf32>
    %broadcast_in_dim3A = arith.constant 0.000000e+00 : f32
    %broadcast_in_dim3A_67 = vector.broadcast %broadcast_in_dim3A : f32 to vector<3840xf32>
    %concatenate3A_68 = tpu.concatenate %add3A_66, %broadcast_in_dim3A_67 in 0 : vector<256xf32>, vector<3840xf32> -> vector<4096xf32>
    %swap3A = arith.constant 0 : index
    %swap3A_69 = vector.load %arg6[%swap3A] : memref<4096xf32, #tpu.memory_space<vmem>>, vector<4096xf32>
    tpu.vector_store %arg6[%swap3A], %concatenate3A_68 {strides = array<i32>} : memref<4096xf32, #tpu.memory_space<vmem>>, vector<4096xf32>,
    %swap3A_70 = arith.constant 0 : index
    %swap3A_71 = arith.constant 0 : index
    %swap3A_72 = arith.constant 0 : index
    %swap3A_73 = vector.load %arg7[%swap3A_70, %swap3A_71, %swap3A_72] : memref<1x1x256xf32, #tpu.memory_space<vmem>>, vector<1x1x256xf32>
    %swap3A_74 = vector.shape_cast %swap3A_73 : vector<1x1x256xf32> to vector<256xf32>
    %swap3A_75 = vector.shape_cast %add3A_66 : vector<256xf32> to vector<1x1x256xf32>
    tpu.vector_store %arg7[%swap3A_70, %swap3A_71, %swap3A_72], %swap3A_75 {strides = array<i32>} : memref<1x1x256xf32, #tpu.memory_space<vmem>>, vector<1x1x256xf32>,
    return
  }
}

</mosaic_0001>

<sc_bundles>
// kernel: kernel.6.cloned.1.call-start
scs
__scs_entry_jumppad:
0x0: {  	(pc) =	sbr.rel $0x88, $3  }
0x1: {  	(tag) =	ssettag $0x0;
	lr =	simm.s32 $0x1  }
0x2: {  	[smem:$0x3F93] =	sst lr;
	_ =	strace $0xD0000000  }
0x3: {  	_ = 	snop  }
0x4: {  	_ = 	snop  }
0x5: {  	_ = 	snop  }
0x6: {  	_ = 	snop  }
0x7: {  	_ = 	snop  }
__scs_overlays_trampoline_lowered:
0x8: {  	[smem:$0x3FA2] =	sst s0  }
0x9: {  	[smem:$0x3FA3] =	sst s1  }
0xa: {  	[smem:$0x3FA4] =	sst s2  }
0xb: {  	[smem:$0x3FA5] =	sst s3  }
0xc: {  	[smem:$0x3FA6] =	sst s4  }
0xd: {  	[smem:$0x3FA7] =	sst s5  }
0xe: {  	[smem:$0x3FA8] =	sst s6  }
0xf: {  	[smem:$0x3FA9] =	sst s7  }
0x10: {  	[smem:$0x3FAA] =	sst s8  }
0x11: {  	[smem:$0x3FAB] =	sst s9;
	s0 =	simm.s32 @!p0 $0x0  }
0x12: {  	s1 =	sld [smem:$0x3F91];
	s0 =	simm.s32 @p0 $0x1  }
0x13: {  	[smem:$0x3FAC] =	sst s0;
	s0 =	simm.s32 @!p1 $0x0  }
0x14: {  	s2 =	sld [smem:$0x3F90];
	s0 =	simm.s32 @p1 $0x1  }
0x15: {  	[smem:$0x3FAD] =	sst s0;
	s0 =	simm.s32 @!p2 $0x0  }
0x16: {  	s3 =	sld [smem:$0x3FDB];
	s0 =	simm.s32 @p2 $0x1  }
0x17: {  	s4 =	simm.s32 $0x1BF5;
	[smem:$0x3FAF] =	sst s0  }
0x18: {  	s0 =	sld [smem:$0x3F92];
	_ =	swait.ge [sflag:s4], $0x0  }
0x19: {  	s7 =	sld [smem:$0x3F93]  }
0x1a: {  	s8 =	sadd.s32 $0xFFFFE003, lr  }
0x1b: {  	s9 =	sadd.s32 $0xFFFFFEF7, lr;
	s5 =	simm.s32 $0xFFFFFFFF;
	p2 =	slt.u32 s8, $0xFFFFF086  }
0x1c: {  	p1 =	slt.u32 s9, $0xF7A;
	s5 =	simm.s32 @!p2 $0x0  }
0x1d: {  	s5 =	simm.s32 @p1 $0x1;
	p0 =	seq.s32 s7, s2  }
0x1e: {  	s7 =	smul.u32 @!p0 $0xF7A, s2;
	p2 =	seq.s32 @!p0 s5, $0x0  }
0x1f: {  	s9 =	smul.u32 $0xF7A, s1;
	s8 =	simm.s32 @!p0 $0x1BF5;
	p2 =	por !p2, p0  }
0x20: {  	[sflag:s8] =	ssyncset.s32 @!p0 $0xFFFFF086;
	s6 =	sadd.s32 @!p0 s3, s7;
	s7 =	simm.s32 @!p0 $0x108  }
0x21: {  	s3 =	sadd.s32 s3, s9;
	s6 =	sadd.s32 @!p0 $0x88, s6;
	s7 =	simm.s32 @p2 $0x1082  }
0x22: {  	[simem:s7], [sflag:s8] =	dma.local @!p0 [hbm:s6], $0xF7A  }
0x23: {  	s9 =	sor.u32 $0xD0000000, s2;
	s6 =	simm.s32 $0x108;
	_ =	swait.ge @!p0 [sflag:s8], $0x0  }
0x24: {  	s3 =	sadd.s32 $0x88, s3;
	s6 =	simm.s32 @!p1 $0x1082;
	[sflag:s4] =	ssyncset.s32 $0xFFFFF086  }
0x25: {  	[simem:s6], [sflag:s4] =	dma.local [hbm:s3], $0xF7A  }
0x26: {  	[smem:$0x3F93] =	sst s1;
	(tag) =	ssettag s2;
	_ =	strace s9  }
0x27: {  	s1 =	sld [smem:$0x3FA3]  }
0x28: {  	s2 =	sld [smem:$0x3FA4]  }
0x29: {  	s4 =	sld [smem:$0x3FA6]  }
0x2a: {  	p0 =	seq.s32 s5, $0x0;
	s5 =	sld [smem:$0x3FA7]  }
0x2b: {  	s6 =	sld [smem:$0x3FA8]  }
0x2c: {  	s7 =	sld [smem:$0x3FA9]  }
0x2d: {  	s3 =	simm.s32 $0x108;
	s8 =	sld [smem:$0x3FAA]  }
0x2e: {  	s3 =	simm.s32 @!p0 $0x1082;
	s9 =	sld [smem:$0x3FAB]  }
0x2f: {  	lr =	sadd.s32 s0, s3;
	s0 =	sld [smem:$0x3FA2]  }
0x30: {  	s3 =	sld [smem:$0x3FA5]  }
0x31: {  	[smem:$0x3FAE] =	sst s10  }
0x32: {  	s10 =	sld [smem:$0x3FAC];
	_ =	sdelay $0x3  }
0x33: {  	p0 =	seq.s32 s10, $0x1;
	s10 =	sld [smem:$0x3FAE];
	_ =	sdelay $0x3  }
0x34: {  	[smem:$0x3FAE] =	sst s10  }
0x35: {  	s10 =	sld [smem:$0x3FAD];
	_ =	sdelay $0x3  }
0x36: {  	p1 =	seq.s32 s10, $0x1;
	s10 =	sld [smem:$0x3FAE];
	_ =	sdelay $0x3  }
0x37: {  	[smem:$0x3FAE] =	sst s10  }
0x38: {  	s10 =	sld [smem:$0x3FAF]  }
0x39: {  	_ = 	snop;
	(pc) =	sbr.ind lr, $3  }
0x3a: {  	_ = 	snop  }
0x3b: {  	_ = 	snop  }
0x3c: {  	p2 =	seq.s32 s10, $0x1;
	s10 =	sld [smem:$0x3FAE]  }
0x3d: {  	_ =	shalt  }
0x3e: {  	_ =	shalt  }
0x3f: {  	_ =	shalt  }
0x40: {  	_ =	shalt  }
0x41: {  	_ =	shalt  }
0x42: {  	_ =	shalt  }
0x43: {  	_ =	shalt  }
0x44: {  	_ =	shalt  }
0x45: {  	_ =	shalt  }
0x46: {  	_ =	shalt  }
0x47: {  	_ =	shalt  }
0x48: {  	_ =	shalt  }
0x49: {  	_ =	shalt  }
0x4a: {  	_ =	shalt  }
0x4b: {  	_ =	shalt  }
0x4c: {  	_ =	shalt  }
0x4d: {  	_ =	shalt  }
0x4e: {  	_ =	shalt  }
0x4f: {  	_ =	shalt  }
0x50: {  	_ =	shalt  }
0x51: {  	_ =	shalt  }
0x52: {  	_ =	shalt  }
0x53: {  	_ =	shalt  }
0x54: {  	_ =	shalt  }
0x55: {  	_ =	shalt  }
0x56: {  	_ =	shalt  }
0x57: {  	_ =	shalt  }
0x58: {  	_ =	shalt  }
0x59: {  	_ =	shalt  }
0x5a: {  	_ =	shalt  }
0x5b: {  	_ =	shalt  }
0x5c: {  	_ =	shalt  }
0x5d: {  	_ =	shalt  }
0x5e: {  	_ =	shalt  }
0x5f: {  	_ =	shalt  }
0x60: {  	_ =	shalt  }
0x61: {  	_ =	shalt  }
0x62: {  	_ =	shalt  }
0x63: {  	_ =	shalt  }
0x64: {  	_ =	shalt  }
0x65: {  	_ =	shalt  }
0x66: {  	_ =	shalt  }
0x67: {  	_ =	shalt  }
0x68: {  	_ =	shalt  }
0x69: {  	_ =	shalt  }
0x6a: {  	_ =	shalt  }
0x6b: {  	_ =	shalt  }
0x6c: {  	_ =	shalt  }
0x6d: {  	_ =	shalt  }
0x6e: {  	_ =	shalt  }
0x6f: {  	_ =	shalt  }
0x70: {  	_ =	shalt  }
0x71: {  	_ =	shalt  }
0x72: {  	_ =	shalt  }
0x73: {  	_ =	shalt  }
0x74: {  	_ =	shalt  }
0x75: {  	_ =	shalt  }
0x76: {  	_ =	shalt  }
0x77: {  	_ =	shalt  }
0x78: {  	_ =	shalt  }
0x79: {  	_ =	shalt  }
0x7a: {  	_ =	shalt  }
0x7b: {  	_ =	shalt  }
0x7c: {  	_ =	shalt  }
0x7d: {  	_ =	shalt  }
0x7e: {  	_ =	shalt  }
0x7f: {  	_ =	shalt  }
0x80: {  	_ =	shalt  }
0x81: {  	_ =	shalt  }
0x82: {  	_ =	shalt  }
0x83: {  	_ =	shalt  }
0x84: {  	_ =	shalt  }
0x85: {  	_ =	shalt  }
0x86: {  	_ =	shalt  }
0x87: {  	_ =	shalt  }
.Lfunc_end0:
.L_simem_size_0:
called_computation_lowered:
.L_overlay_start_0:
0x88: {  	s2 =	sld [smem:$0x3FD9]  }
0x89: {  	s3 =	sld [smem:$0x3FFE];
	_ =	sdelay $0x1  }
0x8a: {  	s1 =	srdreg.scid  }
0x8b: {  	s0 =	sand.u32 $0x1, s1  }
0x8c: {  	s14 =	sshll.u32 s0, $0xA;
	s2 =	sadd.s32 s3, s2  }
0x8d: {  	s2 =	sadd.s32 s2, s14  }
0x8e: {  	[smem:$0x3FBA] =	sst s2  }
0x8f: {  	_ = 	snop  }
0x90: {  	s2 =	sld [smem:$0x3FD0];
	_ =	sdelay $0x2  }
0x91: {  	s15 =	simm.s32 $0xA;
	s4 =	simm.s32 $0x10  }
0x92: {  	[smem:s4], [sflag:s15] =	dma.local [hbm:s2], $0x1  }
0x93: {  	_ =	swait.eq [sflag:s15], $0x1  }
0x94: {  	[sflag:s15] =	ssyncset.done $0x0  }
0x95: {  	[sflag:s15] =	ssyncadd.s32 $0xFFFFFFFF  }
0x96: {  	s16 =	sld [smem:$0x10];
	(tm) =	ssettm $0x1  }
0x97: {  	s17 =	sld [smem:$0x3FFB];
	_ =	sdelay $0x3  }
0x98: {  	_ =	strace s17  }
0x99: {  	s3 =	sld [smem:$0x3FFC];
	_ =	sdelay $0x3  }
0x9a: {  	_ =	strace s3  }
0x9b: {  	s3 =	sld [smem:$0x3FFD];
	_ =	sdelay $0x3  }
0x9c: {  	_ =	strace s3  }
0x9d: {  	_ =	strace $0x8FFFFFFF  }
0x9e: {  	s18 =	sld [smem:$0x3FDB];
	_ =	sdelay $0x1  }
0x9f: {  	s19 =	simm.s32 $_scs_section_size  }
0xa0: {  	s5 =	simm.s32 $_size__tile_overlayer_lowered;
	s6 =	simm.s32 $_tile_overlayer_lowered  }
0xa1: {  	s22 =	simm.s32 $0x1BFF;
	s21 =	sshll.u32 s6, $0x1;
	s3 =	sadd.s32 s19, s18  }
0xa2: {  	s7 =	simm.s32 $0x0;
	s20 =	sshll.u32 s5, $0x1;
	s5 =	sadd.s32 s21, s3  }
0xa3: {  	[timem:s7], [sflag:s22] =	dma.local [hbm:s5], s20  }
0xa4: {  	_ =	swait.ge [sflag:s22], s20  }
0xa5: {  	s4 =	ssub.s32 $0x0, s20;
	[sflag:s22] =	ssyncset.done $0x0  }
0xa6: {  	[sflag:s22] =	ssyncadd.s32 s4;
	_ =	sdelay $0x1  }
0xa7: {  	s23 =	simm.s32 $0x1B8B  }
0xa8: {  	_ =	swait.ge [sflag:s23], $0x1  }
0xa9: {  	[sflag:s23] =	ssyncset.done $0x0  }
0xaa: {  	s25 =	simm.s32 $0x1B8E;
	s24 =	sld [smem:$0x3FFE];
	[sflag:s23] =	ssyncadd.s32 $0xFFFFFFFF  }
0xab: {  	s26 =	simm.s32 $execute0_lowered;
	[smem:$0x3FD2] =	sst s25  }
0xac: {  	s5 =	sshll.u32 s26, $0x1;
	_ =	strace $0x80000046;
	[dreg:$0x1] =	wrdreg $0xFFFFFFFF  }
0xad: {  	s28 =	simm.s32 $_size_execute0_lowered;
	s3 =	sadd.s32 s3, s5;
	[dreg:$0x0] =	wrdreg $0x0  }
0xae: {  	s5 =	sshll.u32 s28, $0x1;
	[dreg:$0x2] =	wrdreg s3  }
0xaf: {  	[dreg:$0x3] =	wrdreg s5  }
0xb0: {  	[dreg:$0x4] =	wrdreg $0xC0  }
0xb1: {  	_ =	task [dreg:s7], $0x5FFFF  }
0xb2: {  	[dreg:$0x1] =	wrdreg $0xFFFFFFFF  }
0xb3: {  	[dreg:$0x0] =	wrdreg $0x60  }
0xb4: {  	[dreg:$0x2] =	wrdreg s24  }
0xb5: {  	[dreg:$0x3] =	wrdreg s16  }
0xb6: {  	[dreg:$0x4] =	wrdreg $0x9  }
0xb7: {  	_ =	task.clear_ibuf [dreg:s7], $0x5FFFF;
	_ =	strace $0x90000046  }
0xb8: {  	s29 =	simm.s32 $0x9;
	_ =	strace $0x80000048  }
0xb9: {  	_ =	swait.ge [sflag:s29], $0x1  }
0xba: {  	[sflag:s29] =	ssyncadd.s32 $0xFFFFFFFF  }
0xbb: {  	_ =	strace $0x90000048  }
0xbc: {  	_ =	sfence  }
0xbd: {  	s30 =	sld [smem:$0x0];
	_ =	sdelay $0x2  }
0xbe: {  	s31 =	sshll.u32 s1, $0xD;
	s1 =	sshrl.u32 s1, $0x2  }
0xbf: {  	s3 =	sand.u32 $0x4000, s31;
	s1 =	sadd.s32 s1, s30  }
0xc0: {  	s0 =	sor.u32 s3, s0;
	s1 =	sshll.u32 s1, $0x11  }
0xc1: {  	s0 =	sor.u32 s1, s0  }
0xc2: {  	s0 =	sadd.s32 $0x8F2B, s0  }
0xc3: {  	[sflag:s0] =	ssyncadd.remote.s32 $0x1  }
0xc4: {  	_ =	sfence.sel $0xFFFF  }
0xc5: {  	[dreg:$0x0] =	wrdreg $0xFFFFFFFF;
	(pc) =	sbr.abs _section_cstart, $3  }
0xc6: {  	[dreg:$0x1] =	wrdreg $0xFFFFFFFF  }
0xc7: {  	_ =	task.clear_ibuf [dreg:s7], $0x2FFFF;
	_ =	strace $0x9FFFFFFF  }
0xc8: {  	(tm) =	ssettm $0x7FFFFFFF  }
0xc9: {  	_ =	shalt  }
tec
execute0_lowered:
.L_overlay_start_1:
0x0: {  	(tag) =	ssettag $0x1  }
0x1: {  	s3 =	rddreg [dreg:$0x0];
	v0 =	vimm.s32 $0x76543210  }
0x2: {  	v1 =	vimm.s32 $0xFEDCBA98;
	s8 =	rddreg [dreg:$0x1];
	v2 =	vimm.s32 $0x3210FEDC;
	v3 =	vimm.s32 $0xBA987654  }
0x3: {  	s2 =	srdreg.scid;
	s0 =	rddreg [dreg:$0x2];
	v4 =	vimm.s32 $0x10FEDCBA;
	v5 =	vimm.s32 $0x98765432;
	v6 =	vimm.s32 $0xFEDCBA9  }
0x4: {  	s1 =	stileid.u32;
	v7 =	vimm.s32 $0x87654321;
	s11 =	simm.s32 $0x200;
	s12 =	simm.s32 $0x400;
	vm0 =	vmmov $0x1;
	vm1 =	vmmov $0x3  }
0x5: {  	s13 =	simm.s32 $0x3100;
	s14 =	simm.s32 $0xF500;
	s15 =	simm.s32 $0x1;
	vm2 =	vmmov $0x7;
	vm3 =	vmmov $0xf;
	vm4 =	vmmov $0x1f  }
0x6: {  	s16 =	simm.s32 $0x1B980;
	s17 =	simm.s32 $0x2;
	s18 =	simm.s32 $0x1B900;
	v0 =	vunpack.c.l.s4.s8 v0;
	v1 =	vunpack.c.l.s4.s8 v1;
	v2 =	vunpack.c.l.s4.s8 v2  }
0x7: {  	s19 =	simm.s32 $0x0;
	s4 =	sand.u32 $0x1, s2;
	s2 =	simm.s32 $0x0;
	v3 =	vunpack.c.l.s4.s8 v3;
	v4 =	vunpack.c.l.s4.s8 v4;
	v5 =	vunpack.c.l.s4.s8 v5  }
0x8: {  	s5 =	sshll.u32 s1, $0x2;
	v6 =	vunpack.c.l.s4.s8 v6;
	v7 =	vunpack.c.l.s4.s8 v7;
	s30 =	sadd.s32 $0x2600, s3;
	s6 =	sshll.u32 s4, $0x1;
	v2 =	vunpack.c.0.s8.s32 v2  }
0x9: {  	s3 =	sadd.s32 $0x1E00, s3;
	s4 =	ssub.s32 $0x2, s4;
	s9 =	sor.u32 s6, s5;
	v3 =	vunpack.c.0.s8.s32 v3;
	v4 =	vunpack.c.0.s8.s32 v4;
	v5 =	vunpack.c.0.s8.s32 v5  }
0xa: {  	[smem:$0x7FF] =	sst s2;
	s10 =	sshrl.u32 s4, $0x1;
	v1 =	vunpack.c.0.s8.s32 v1;
	v6 =	vunpack.c.0.s8.s32 v6;
	v7 =	vunpack.c.0.s8.s32 v7;
	s5 =	smul.u32 $0x18800, s9  }
0xb: {  	vm5 =	vmmov $0x3f;
	_ =	strace $0x80000047;
	v0 =	vunpack.c.0.s8.s32 v0;
	s7 =	smul.u32 $0x3100, s9;
	s10 =	ssub.s32 s4, s10;
	v2 =	vcombine.low v3, v2  }
0xc: {  	s8 =	sadd.s32 s8, s9;
	v3 =	vcombine.low v5, v4;
	v4 =	vcombine.low v7, v6;
	v1 =	vand.u32 $0xF, v1;
	s9 =	smax.u32 s10, $0x1;
	s5 =	sshrl.u32 s5, $0x3  }
0xd: {  	vm6 =	vmmov $0x7f;
	vm7 =	vmmov $0xff;
	s10 =	simm.s32 $0x3;
	s4 =	sadd.s32 s30, s7;
	v0 =	vcombine.low v1, v0;
	s31 =	sadd.s32 s30, s5  }
0xe: {  	s5 =	sadd.s32 $0x40, s4;
	v1 =	vand.u32 $0xF, v2;
	v2 =	vand.u32 $0xF, v3;
	v3 =	vand.u32 $0xF, v4;
	s6 =	sadd.s32 $0x3100, s31;
	s7 =	sadd.s32 $0x3140, s31  }
.LBB2_1:
0xf: {  	[tilespmem:s2], [sflag:$0x3] =	stream.linear.gather [hbm4b:s3+s2], $0x3100, $0x38;
	[tilespmem:$0x1BA00] =	vst v63  }
0x10: {  	_ =	swait.ge [sflag:s10], $0x3100  }
0x11: {  	[sflag:s10] =	ssyncset.done $0x0  }
0x12: {  	[sflag:s10] =	ssyncadd.s32 $0xFFFFCF00  }
0x13: {  	[tilespmem:s13], [sflag:$0x1] =	stream.strided.gather [hbm4b:s4+s11], $0xC400, s12, s11, $0x38;
	[tilespmem:$0x1BA00] =	vst v63  }
0x14: {  	_ = 	snop  }
0x15: {  	[tilespmem:s14], [sflag:$0x2] =	stream.strided.gather [hbm4b:s5+s11], $0xC400, s12, s11, $0x38;
	[tilespmem:$0x1BA00] =	vst v63  }
0x16: {  	_ =	swait.ge [sflag:s15], $0xC400  }
0x17: {  	s20 =	sand.u32 $0xFE00, s2;
	s21 =	sand.u32 $0x40, s2;
	[sflag:s15] =	ssyncset.done $0x0  }
0x18: {  	s22 =	simm.s32 $0x0;
	s20 =	sadd.s32 $0x3100, s20;
	[sflag:s15] =	ssyncadd.s32 $0xFFFF3C00  }
0x19: {  	s25 =	sor.u32 s21, s20;
	v8 =	vld [tilespmem:s22+$0x0]  }
0x1a: {  	s23 =	sand.u32 $0x3F80, s2;
	s24 =	sor.u32 $0x30, s21;
	v13 =	vld [tilespmem:s25+$0x0]  }
0x1b: {  	s26 =	sor.u32 s24, s23;
	v4 =	vld [tilespmem:s25+$0x80]  }
0x1c: {  	s28 =	sor.u32 s24, s20;
	v9 =	vld [tilespmem:s26+$0x0]  }
0x1d: {  	s29 =	sor.u32 $0x20, s21;
	v14 =	vld [tilespmem:s28+$0x0]  }
0x1e: {  	s30 =	sor.u32 s29, s20;
	v7 =	vld [tilespmem:s28+$0x80]  }
0x1f: {  	p0 =	por $0x0, $0x0;
	s24 =	simm.s32 $0x1;
	s21 =	sor.u32 $0x10, s21;
	v17 =	vld [tilespmem:s30+$0x0]  }
0x20: {  	s24 =	simm.s32 @!p0 $0x0;
	s31 =	sor.u32 s21, s23;
	v16 =	vld [tilespmem:s30+$0x80]  }
0x21: {  	v15 =	vimm.f32 $0.0e+00;
	s24 =	sshll.u32 s24, $0x6;
	s25 =	sor.u32 s29, s23;
	s23 =	sor.u32 s21, s20;
	v12 =	vld [tilespmem:s31+$0x0]  }
0x22: {  	v5 =	vimm.f32 $0.0e+00;
	v6 =	vimm.f32 $0.0e+00;
	v11 =	vimm.f32 $0.0e+00;
	s20 =	simm.s32 $0x100;
	s21 =	simm.s32 $0x0;
	s22 =	simm.s32 $0x0;
	v10 =	vld [tilespmem:s25+$0x0]  }
.LBB2_2:
0x23: {  	p1 =	sne.s32 s20, $0xC200;
	s24 =	sadd.s32 s24, s21;
	v18 =	vld [tilespmem:s23+$0x0];
	s21 =	smov.u32 s20  }
0x24: {  	s25 =	sor.u32 $0x100, s24;
	v19 =	vld [tilespmem:s23+$0x80]  }
0x25: {  	s23 =	sor.u32 $0x180, s24;
	v20 =	vld [tilespmem:s25+$0x3100];
	s25 =	sadd.s32 $0x10, s24  }
0x26: {  	v21 =	vld [tilespmem:s23+$0x3100];
	s23 =	sor.u32 $0x100, s25  }
0x27: {  	v13 =	vmul.f32 v13, v8;
	v4 =	vmul.f32 v4, v8;
	v22 =	vld [tilespmem:s23+$0x3100];
	s23 =	sor.u32 $0x180, s25;
	s25 =	sadd.s32 $0x20, s24  }
0x28: {  	v24 =	vmul.f32 v14, v9;
	v25 =	vmul.f32 v7, v9;
	v23 =	vld [tilespmem:s23+$0x3100];
	s23 =	sor.u32 $0x100, s25  }
0x29: {  	v7 =	vmul.f32 v17, v10;
	v14 =	vmul.f32 v16, v10;
	s24 =	sadd.s32 $0x30, s24;
	v16 =	vld [tilespmem:s23+$0x3100];
	s23 =	sor.u32 $0x180, s25  }
0x2a: {  	v17 =	vmul.f32 v18, v12;
	v18 =	vmul.f32 v19, v12;
	v19 =	vld [tilespmem:s23+$0x3100];
	s23 =	sor.u32 $0x100, s24  }
0x2b: {  	s22 =	sadd.s32 $0x40, s22;
	s25 =	sand.u32 $0xFE00, s20;
	v20 =	vmul.f32 v20, v8;
	v21 =	vmul.f32 v21, v8;
	v26 =	vld [tilespmem:s23+$0x3100];
	s23 =	sor.u32 $0x180, s24  }
0x2c: {  	s26 =	sshra.s32 s20, $0x2;
	v15 =	vadd.f32 v13, v15;
	v4 =	vadd.f32 v4, v5;
	s25 =	sadd.s32 $0x3100, s25;
	s24 =	sand.u32 $0x40, s22;
	v5 =	vmul.f32 v22, v12;
	v22 =	vld [tilespmem:s23+$0x3100]  }
0x2d: {  	s23 =	sor.u32 s24, s25;
	v6 =	vadd.f32 v20, v6;
	v8 =	vld [tilespmem:s26+$0x0];
	v11 =	vadd.f32 v21, v11;
	v12 =	vmul.f32 v23, v12  }
0x2e: {  	v15 =	vadd.f32 v17, v15;
	v17 =	vadd.f32 v18, v4;
	s28 =	sor.u32 $0x30, s24;
	s26 =	sand.u32 $0x3F80, s22;
	v13 =	vld [tilespmem:s23+$0x0];
	v16 =	vmul.f32 v16, v10  }
0x2f: {  	v5 =	vadd.f32 v5, v6;
	v4 =	vld [tilespmem:s23+$0x80];
	s23 =	sor.u32 s28, s26;
	v6 =	vadd.f32 v12, v11;
	v10 =	vmul.f32 v19, v10  }
0x30: {  	v17 =	vadd.f32 v14, v17;
	v11 =	vadd.f32 v7, v15;
	v12 =	vld [tilespmem:s23+$0x0];
	s23 =	sor.u32 s28, s25;
	v18 =	vmul.f32 v26, v9  }
0x31: {  	s28 =	sor.u32 $0x20, s24;
	v16 =	vadd.f32 v16, v5;
	v14 =	vld [tilespmem:s23+$0x0];
	v19 =	vadd.f32 v10, v6;
	v9 =	vmul.f32 v22, v9  }
.Ltmp0:
0x32: {  	v5 =	vadd.f32 v25, v17;
	s29 =	sor.u32 s28, s26;
	v15 =	vadd.f32 v24, v11;
	v7 =	vld [tilespmem:s23+$0x80];
	(pc) =	sbr.rel @p1 .LBB2_2-.Ltmp0, $4  }
0x33: {  	s23 =	sor.u32 s28, s25;
	v6 =	vadd.f32 v18, v16;
	v10 =	vld [tilespmem:s29+$0x0];
	v11 =	vadd.f32 v9, v19  }
0x34: {  	p0 =	por !p0, !p0;
	s28 =	sor.u32 $0x10, s24;
	s24 =	simm.s32 $0x1;
	v17 =	vld [tilespmem:s23+$0x0]  }
0x35: {  	s24 =	simm.s32 @!p0 $0x0;
	s26 =	sor.u32 s28, s26;
	v16 =	vld [tilespmem:s23+$0x80];
	v9 =	vmov v12  }
0x36: {  	s20 =	sadd.s32 $0x100, s20;
	s24 =	sshll.u32 s24, $0x6;
	s23 =	sor.u32 s28, s25;
	v12 =	vld [tilespmem:s26+$0x0]  }
0x37: {  	v18 =	vld [tilespmem:s23+$0x0];
	_ =	sdelay $0x2  }
0x38: {  	v13 =	vmul.f32 v13, v8  }
0x39: {  	s20 =	sadd.s32 s24, s21  }
0x3a: {  	v19 =	vld [tilespmem:s23+$0x80];
	s21 =	sor.u32 $0x100, s20;
	v13 =	vadd.f32 v13, v15;
	v18 =	vmul.f32 v18, v12  }
0x3b: {  	s30 =	sor.u32 $0x180, s20;
	s22 =	sadd.s32 $0x10, s20;
	v20 =	vld [tilespmem:s21+$0x3100]  }
0x3c: {  	s23 =	sadd.s32 $0x20, s20;
	v15 =	vld [tilespmem:s30+$0x3100];
	s31 =	sor.u32 $0x100, s22;
	v17 =	vmul.f32 v17, v10;
	v13 =	vadd.f32 v18, v13  }
0x3d: {  	s20 =	sadd.s32 $0x30, s20;
	s24 =	sor.u32 $0x100, s23;
	v21 =	vld [tilespmem:s31+$0x3100]  }
0x3e: {  	v14 =	vmul.f32 v14, v9;
	s26 =	sor.u32 $0x100, s20;
	v22 =	vld [tilespmem:s24+$0x3100];
	v13 =	vadd.f32 v17, v13  }
0x3f: {  	s22 =	sor.u32 $0x180, s22;
	v23 =	vld [tilespmem:s26+$0x3100]  }
0x40: {  	s25 =	sor.u32 $0x180, s23;
	v18 =	vld [tilespmem:s22+$0x3100];
	v13 =	vadd.f32 v14, v13  }
0x41: {  	s20 =	sor.u32 $0x180, s20;
	v17 =	vld [tilespmem:s25+$0x3100]  }
0x42: {  	v14 =	vld [tilespmem:s20+$0x3100];
	[tilespmem:$0x1B980] =	vst v13  }
0x43: {  	v24 =	vld.idx.msk [tilespmem:v0+s16+$0x0], $0xffff;
	_ =	sdelay $0x4  }
0x44: {  	v13 =	vadd.f32 v24, v13;
	_ =	sdelay $0x1  }
0x45: {  	[tilespmem:$0x1B980] =	vst v13  }
0x46: {  	v24 =	vld.idx.msk [tilespmem:v1+s16+$0x0], $0xffff;
	_ =	sdelay $0x4  }
0x47: {  	v13 =	vadd.f32 v24, v13  }
0x48: {  	v4 =	vmul.f32 v4, v8  }
0x49: {  	[tilespmem:$0x1B980] =	vst v13  }
0x4a: {  	v4 =	vadd.f32 v4, v5;
	v19 =	vmul.f32 v19, v12;
	v24 =	vld.idx.msk [tilespmem:v2+s16+$0x0], $0xffff;
	_ =	sdelay $0x1  }
0x4b: {  	v5 =	vmul.f32 v16, v10;
	v4 =	vadd.f32 v19, v4;
	_ =	sdelay $0x1  }
0x4c: {  	v7 =	vmul.f32 v7, v9;
	v5 =	vadd.f32 v5, v4  }
0x4d: {  	v4 =	vadd.f32 v24, v13  }
0x4e: {  	v7 =	vadd.f32 v7, v5  }
0x4f: {  	[tilespmem:$0x1B980] =	vst v4  }
0x50: {  	v5 =	vld.idx.msk [tilespmem:v3+s16+$0x0], $0xffff;
	[tilespmem:$0x1B980] =	vst v7  }
0x51: {  	v13 =	vld.idx.msk [tilespmem:v0+s16+$0x0], $0xffff;
	_ =	sdelay $0x4  }
0x52: {  	v7 =	vadd.f32 v13, v7;
	_ =	sdelay $0x1  }
0x53: {  	[tilespmem:$0x1B980] =	vst v7  }
0x54: {  	v13 =	vld.idx.msk [tilespmem:v1+s16+$0x0], $0xffff;
	_ =	sdelay $0x4  }
0x55: {  	v7 =	vadd.f32 v13, v7  }
0x56: {  	v13 =	vmul.f32 v20, v8  }
0x57: {  	[tilespmem:$0x1B980] =	vst v7  }
0x58: {  	v19 =	vmul.f32 v21, v12;
	v6 =	vadd.f32 v13, v6;
	v16 =	vld.idx.msk [tilespmem:v2+s16+$0x0], $0xffff;
	_ =	sdelay $0x1  }
0x59: {  	v13 =	vmul.f32 v22, v10;
	v6 =	vadd.f32 v19, v6;
	_ =	sdelay $0x1  }
0x5a: {  	v19 =	vmul.f32 v23, v9;
	v13 =	vadd.f32 v13, v6  }
0x5b: {  	v6 =	vadd.f32 v16, v7  }
0x5c: {  	v13 =	vadd.f32 v19, v13  }
0x5d: {  	[tilespmem:$0x1B980] =	vst v6  }
0x5e: {  	v7 =	vld.idx.msk [tilespmem:v3+s16+$0x0], $0xffff;
	[tilespmem:$0x1B980] =	vst v13  }
0x5f: {  	v16 =	vld.idx.msk [tilespmem:v0+s16+$0x0], $0xffff;
	_ =	sdelay $0x4  }
0x60: {  	v13 =	vadd.f32 v16, v13;
	_ =	sdelay $0x1  }
0x61: {  	[tilespmem:$0x1B980] =	vst v13  }
0x62: {  	v16 =	vld.idx.msk [tilespmem:v1+s16+$0x0], $0xffff;
	_ =	sdelay $0x4  }
0x63: {  	v13 =	vadd.f32 v16, v13  }
0x64: {  	v8 =	vmul.f32 v15, v8  }
0x65: {  	[tilespmem:$0x1B980] =	vst v13  }
0x66: {  	v8 =	vadd.f32 v8, v11;
	v11 =	vmul.f32 v18, v12;
	v15 =	vld.idx.msk [tilespmem:v2+s16+$0x0], $0xffff;
	_ =	sdelay $0x1  }
0x67: {  	v10 =	vmul.f32 v17, v10;
	v8 =	vadd.f32 v11, v8;
	_ =	sdelay $0x1  }
0x68: {  	v9 =	vmul.f32 v14, v9;
	v10 =	vadd.f32 v10, v8  }
0x69: {  	v8 =	vadd.f32 v15, v13  }
0x6a: {  	v10 =	vadd.f32 v9, v10  }
0x6b: {  	[tilespmem:$0x1B980] =	vst v8  }
0x6c: {  	v9 =	vld.idx.msk [tilespmem:v3+s16+$0x0], $0xffff;
	[tilespmem:$0x1B980] =	vst v10  }
0x6d: {  	v11 =	vld.idx.msk [tilespmem:v0+s16+$0x0], $0xffff;
	_ =	sdelay $0x4  }
0x6e: {  	v10 =	vadd.f32 v11, v10;
	_ =	sdelay $0x1  }
0x6f: {  	[tilespmem:$0x1B980] =	vst v10  }
0x70: {  	v11 =	vld.idx.msk [tilespmem:v1+s16+$0x0], $0xffff;
	_ =	sdelay $0x4  }
0x71: {  	v10 =	vadd.f32 v11, v10;
	_ =	sdelay $0x1  }
0x72: {  	[tilespmem:$0x1B980] =	vst v10  }
0x73: {  	v11 =	vld.idx.msk [tilespmem:v2+s16+$0x0], $0xffff;
	_ =	sdelay $0x4  }
0x74: {  	v10 =	vadd.f32 v11, v10;
	_ =	sdelay $0x1  }
0x75: {  	[tilespmem:$0x1B980] =	vst v10  }
0x76: {  	v11 =	vld.idx.msk [tilespmem:v3+s16+$0x0], $0xffff;
	[tilespmem:s13], [sflag:$0x1] =	stream.strided.gather [hbm4b:s6+s11], $0xC400, s12, s11, $0x38  }
0x77: {  	s21 =	simm.s32 $0x0;
	_ =	swait.ge [sflag:s17], $0xC400  }
0x78: {  	s30 =	simm.s32 $0x0;
	s23 =	sand.u32 $0x40, s21;
	[sflag:s17] =	ssyncset.done $0x0  }
0x79: {  	s31 =	sand.u32 $0x3F80, s21;
	s20 =	sor.u32 $0x30, s23;
	[sflag:s17] =	ssyncadd.s32 $0xFFFF3C00  }
0x7a: {  	s22 =	sor.u32 $0x20, s23;
	s28 =	sor.u32 s20, s31;
	v18 =	vld [tilespmem:s30+$0x0]  }
0x7b: {  	s26 =	sand.u32 $0xFE00, s21;
	s29 =	sor.u32 s22, s31;
	s25 =	sor.u32 $0x10, s23;
	v17 =	vld [tilespmem:s28+$0x0]  }
0x7c: {  	s24 =	sor.u32 s25, s31;
	s28 =	sadd.s32 $0xF500, s26;
	v16 =	vld [tilespmem:s29+$0x0]  }
0x7d: {  	s29 =	sadd.s32 $0xF580, s26;
	v19 =	vld [tilespmem:s24+$0x0];
	s30 =	sor.u32 s20, s28  }
0x7e: {  	s31 =	sor.u32 s20, s29;
	v22 =	vld [tilespmem:s30+$0x0]  }
0x7f: {  	s24 =	sor.u32 s22, s29;
	v13 =	vld [tilespmem:s31+$0x0]  }
0x80: {  	s30 =	sor.u32 s22, s28;
	v15 =	vld [tilespmem:s24+$0x0]  }
0x81: {  	s31 =	sor.u32 s25, s28;
	v24 =	vld [tilespmem:s30+$0x0]  }
0x82: {  	s28 =	sor.u32 s23, s28;
	v25 =	vld [tilespmem:s31+$0x0]  }
0x83: {  	v21 =	vimm.f32 $0.0e+00;
	s31 =	sor.u32 s25, s29;
	v26 =	vld [tilespmem:s28+$0x0]  }
0x84: {  	v20 =	vimm.f32 $0.0e+00;
	v12 =	vimm.f32 $0.0e+00;
	v14 =	vimm.f32 $0.0e+00;
	s24 =	simm.s32 $0x40;
	s29 =	sor.u32 s23, s29;
	s28 =	sadd.s32 $0xF600, s26;
	v23 =	vld [tilespmem:s31+$0x0]  }
.LBB2_4:
0x85: {  	p0 =	sne.s32 s24, $0x3080;
	v27 =	vld [tilespmem:s29+$0x0];
	s29 =	sor.u32 s23, s28;
	s26 =	sadd.s32 $0xF680, s26  }
0x86: {  	v28 =	vld [tilespmem:s29+$0x0];
	s23 =	sor.u32 s23, s26  }
0x87: {  	v29 =	vld [tilespmem:s23+$0x0];
	s23 =	sor.u32 s25, s28  }
0x88: {  	v31 =	vmul.f32 v22, v17;
	v32 =	vmul.f32 v13, v17;
	v30 =	vld [tilespmem:s23+$0x0];
	s23 =	sor.u32 s25, s26  }
0x89: {  	v22 =	vmul.f32 v24, v16;
	v15 =	vmul.f32 v15, v16;
	v13 =	vld [tilespmem:s23+$0x0];
	s23 =	sor.u32 s22, s28  }
0x8a: {  	v24 =	vmul.f32 v25, v19;
	v23 =	vmul.f32 v23, v19;
	s22 =	sor.u32 s22, s26;
	v25 =	vld [tilespmem:s23+$0x0]  }
0x8b: {  	v26 =	vmul.f32 v26, v18;
	v27 =	vmul.f32 v27, v18;
	v33 =	vld [tilespmem:s22+$0x0];
	s22 =	sor.u32 s20, s28  }
0x8c: {  	s21 =	sadd.s32 $0x100, s21;
	s23 =	sand.u32 $0x40, s24;
	v28 =	vmul.f32 v28, v18;
	v29 =	vmul.f32 v29, v18;
	v34 =	vld [tilespmem:s22+$0x0];
	s22 =	sor.u32 s20, s26  }
0x8d: {  	s25 =	sshra.s32 s21, $0x2;
	s28 =	sand.u32 $0x3F80, s24;
	v21 =	vadd.f32 v26, v21;
	s20 =	sor.u32 $0x30, s23;
	v12 =	vadd.f32 v27, v12;
	v26 =	vmul.f32 v30, v19;
	v27 =	vld [tilespmem:s22+$0x0]  }
0x8e: {  	s22 =	sor.u32 $0x20, s23;
	s29 =	sor.u32 s20, s28;
	v14 =	vadd.f32 v28, v14;
	v18 =	vld [tilespmem:s25+$0x0];
	v20 =	vadd.f32 v29, v20;
	v13 =	vmul.f32 v13, v19  }
0x8f: {  	s26 =	sand.u32 $0xFE00, s21;
	v21 =	vadd.f32 v24, v21;
	s25 =	sor.u32 $0x10, s23;
	s30 =	sor.u32 s22, s28;
	v12 =	vadd.f32 v23, v12;
	v28 =	vld [tilespmem:s29+$0x0];
	v23 =	vmul.f32 v25, v16  }
0x90: {  	s29 =	sadd.s32 $0xF500, s26;
	s28 =	sor.u32 s25, s28;
	v14 =	vadd.f32 v26, v14;
	v13 =	vadd.f32 v13, v20;
	v20 =	vmul.f32 v33, v16;
	v16 =	vld [tilespmem:s30+$0x0]  }
0x91: {  	v21 =	vadd.f32 v22, v21;
	s30 =	sadd.s32 $0xF580, s26;
	v12 =	vadd.f32 v15, v12;
	v19 =	vld [tilespmem:s28+$0x0];
	s28 =	sor.u32 s20, s29;
	v15 =	vmul.f32 v34, v17  }
0x92: {  	v14 =	vadd.f32 v23, v14;
	v22 =	vld [tilespmem:s28+$0x0];
	s28 =	sor.u32 s20, s30;
	v20 =	vadd.f32 v20, v13;
	v23 =	vmul.f32 v27, v17  }
0x93: {  	s31 =	sor.u32 s22, s29;
	v21 =	vadd.f32 v31, v21;
	v12 =	vadd.f32 v32, v12;
	v13 =	vld [tilespmem:s28+$0x0]  }
.Ltmp1:
0x94: {  	s28 =	sor.u32 s22, s30;
	v14 =	vadd.f32 v15, v14;
	v24 =	vld [tilespmem:s31+$0x0];
	v20 =	vadd.f32 v23, v20;
	v17 =	vmov v28;
	(pc) =	sbr.rel @p0 .LBB2_4-.Ltmp1, $4  }
0x95: {  	s31 =	sor.u32 s25, s29;
	v15 =	vld [tilespmem:s28+$0x0]  }
0x96: {  	s28 =	sor.u32 s25, s30;
	v25 =	vld [tilespmem:s31+$0x0]  }
0x97: {  	s29 =	sor.u32 s23, s29;
	v23 =	vld [tilespmem:s28+$0x0]  }
0x98: {  	s24 =	sadd.s32 $0x40, s24;
	s28 =	sadd.s32 $0xF600, s26;
	v26 =	vld [tilespmem:s29+$0x0];
	s29 =	sor.u32 s23, s30  }
0x99: {  	_ =	sdelay $0x3  }
0x9a: {  	v26 =	vmul.f32 v26, v18;
	_ =	sdelay $0x1  }
0x9b: {  	v27 =	vld [tilespmem:s29+$0x0];
	s21 =	sor.u32 s23, s28;
	v25 =	vmul.f32 v25, v19;
	v21 =	vadd.f32 v26, v21  }
0x9c: {  	s29 =	sor.u32 s25, s28;
	v28 =	vld [tilespmem:s21+$0x0]  }
0x9d: {  	s24 =	sadd.s32 $0xF680, s26;
	v24 =	vmul.f32 v24, v16;
	s31 =	sor.u32 s22, s28;
	v29 =	vld [tilespmem:s29+$0x0];
	v21 =	vadd.f32 v25, v21  }
0x9e: {  	s26 =	sor.u32 s23, s24;
	v30 =	vld [tilespmem:s31+$0x0];
	s23 =	sor.u32 s20, s28  }
0x9f: {  	v22 =	vmul.f32 v22, v17;
	v31 =	vld [tilespmem:s23+$0x0];
	v21 =	vadd.f32 v24, v21  }
0xa0: {  	s30 =	sor.u32 s25, s24;
	v26 =	vld [tilespmem:s26+$0x0]  }
0xa1: {  	s22 =	sor.u32 s22, s24;
	v25 =	vld [tilespmem:s30+$0x0];
	v21 =	vadd.f32 v22, v21  }
0xa2: {  	s25 =	sor.u32 s20, s24;
	v24 =	vld [tilespmem:s22+$0x0]  }
0xa3: {  	v22 =	vld [tilespmem:s25+$0x0];
	[tilespmem:$0x1B980] =	vst v21  }
0xa4: {  	v32 =	vld.idx.msk [tilespmem:v0+s16+$0x0], $0xffff;
	_ =	sdelay $0x4  }
0xa5: {  	v21 =	vadd.f32 v32, v21;
	_ =	sdelay $0x1  }
0xa6: {  	[tilespmem:$0x1B980] =	vst v21  }
0xa7: {  	v62 =	vld.idx.msk [tilespmem:v1+s16+$0x0], $0xffff;
	_ =	sdelay $0x4  }
0xa8: {  	v21 =	vadd.f32 v62, v21  }
0xa9: {  	v27 =	vmul.f32 v27, v18  }
0xaa: {  	[tilespmem:$0x1B980] =	vst v21  }
0xab: {  	v23 =	vmul.f32 v23, v19;
	v12 =	vadd.f32 v27, v12;
	v63 =	vld.idx.msk [tilespmem:v2+s16+$0x0], $0xffff;
	_ =	sdelay $0x1  }
0xac: {  	v15 =	vmul.f32 v15, v16;
	v12 =	vadd.f32 v23, v12;
	_ =	sdelay $0x1  }
0xad: {  	v13 =	vmul.f32 v13, v17;
	v15 =	vadd.f32 v15, v12  }
0xae: {  	v12 =	vadd.f32 v63, v21  }
0xaf: {  	v15 =	vadd.f32 v13, v15  }
0xb0: {  	[tilespmem:$0x1B980] =	vst v12  }
0xb1: {  	v13 =	vld.idx.msk [tilespmem:v3+s16+$0x0], $0xffff;
	[tilespmem:$0x1B980] =	vst v15  }
0xb2: {  	v21 =	vld.idx.msk [tilespmem:v0+s16+$0x0], $0xffff;
	_ =	sdelay $0x4  }
0xb3: {  	v15 =	vadd.f32 v21, v15;
	_ =	sdelay $0x1  }
0xb4: {  	[tilespmem:$0x1B980] =	vst v15  }
0xb5: {  	v21 =	vld.idx.msk [tilespmem:v1+s16+$0x0], $0xffff;
	_ =	sdelay $0x4  }
0xb6: {  	v15 =	vadd.f32 v21, v15  }
0xb7: {  	v21 =	vmul.f32 v28, v18  }
0xb8: {  	[tilespmem:$0x1B980] =	vst v15  }
0xb9: {  	v27 =	vmul.f32 v29, v19;
	v14 =	vadd.f32 v21, v14;
	v23 =	vld.idx.msk [tilespmem:v2+s16+$0x0], $0xffff;
	_ =	sdelay $0x1  }
0xba: {  	v21 =	vmul.f32 v30, v16;
	v14 =	vadd.f32 v27, v14;
	_ =	sdelay $0x1  }
0xbb: {  	v27 =	vmul.f32 v31, v17;
	v21 =	vadd.f32 v21, v14  }
0xbc: {  	v14 =	vadd.f32 v23, v15  }
0xbd: {  	v21 =	vadd.f32 v27, v21  }
0xbe: {  	[tilespmem:$0x1B980] =	vst v14  }
0xbf: {  	v15 =	vld.idx.msk [tilespmem:v3+s16+$0x0], $0xffff;
	[tilespmem:$0x1B980] =	vst v21  }
0xc0: {  	v23 =	vld.idx.msk [tilespmem:v0+s16+$0x0], $0xffff;
	_ =	sdelay $0x4  }
0xc1: {  	v21 =	vadd.f32 v23, v21;
	_ =	sdelay $0x1  }
0xc2: {  	[tilespmem:$0x1B980] =	vst v21  }
0xc3: {  	v23 =	vld.idx.msk [tilespmem:v1+s16+$0x0], $0xffff;
	_ =	sdelay $0x4  }
0xc4: {  	v21 =	vadd.f32 v23, v21  }
0xc5: {  	v18 =	vmul.f32 v26, v18  }
0xc6: {  	[tilespmem:$0x1B980] =	vst v21  }
0xc7: {  	v19 =	vmul.f32 v25, v19;
	v18 =	vadd.f32 v18, v20;
	v23 =	vld.idx.msk [tilespmem:v2+s16+$0x0], $0xffff;
	_ =	sdelay $0x1  }
0xc8: {  	v16 =	vmul.f32 v24, v16;
	v18 =	vadd.f32 v19, v18;
	_ =	sdelay $0x1  }
0xc9: {  	v17 =	vmul.f32 v22, v17;
	v18 =	vadd.f32 v16, v18  }
0xca: {  	v16 =	vadd.f32 v23, v21  }
0xcb: {  	v18 =	vadd.f32 v17, v18  }
0xcc: {  	[tilespmem:$0x1B980] =	vst v16  }
0xcd: {  	v17 =	vld.idx.msk [tilespmem:v3+s16+$0x0], $0xffff;
	[tilespmem:$0x1B980] =	vst v18  }
0xce: {  	v19 =	vld.idx.msk [tilespmem:v0+s16+$0x0], $0xffff;
	_ =	sdelay $0x4  }
0xcf: {  	v18 =	vadd.f32 v19, v18;
	_ =	sdelay $0x1  }
0xd0: {  	[tilespmem:$0x1B980] =	vst v18  }
0xd1: {  	v19 =	vld.idx.msk [tilespmem:v1+s16+$0x0], $0xffff;
	_ =	sdelay $0x4  }
0xd2: {  	v18 =	vadd.f32 v19, v18;
	_ =	sdelay $0x1  }
0xd3: {  	[tilespmem:$0x1B980] =	vst v18  }
0xd4: {  	v19 =	vld.idx.msk [tilespmem:v2+s16+$0x0], $0xffff;
	_ =	sdelay $0x4  }
0xd5: {  	v18 =	vadd.f32 v19, v18;
	_ =	sdelay $0x1  }
0xd6: {  	[tilespmem:$0x1B980] =	vst v18  }
0xd7: {  	v19 =	vld.idx.msk [tilespmem:v3+s16+$0x0], $0xffff;
	[tilespmem:s14], [sflag:$0x2] =	stream.strided.gather [hbm4b:s7+s11], $0xC400, s12, s11, $0x38  }
0xd8: {  	s20 =	simm.s32 $0x0;
	_ =	swait.ge [sflag:s15], $0xC400  }
0xd9: {  	s28 =	simm.s32 $0x0;
	s26 =	sand.u32 $0xFE00, s20;
	[sflag:s15] =	ssyncset.done $0x0  }
0xda: {  	s21 =	sadd.s32 $0x3100, s26;
	s22 =	sand.u32 $0x40, s20;
	[sflag:s15] =	ssyncadd.s32 $0xFFFF3C00  }
0xdb: {  	s29 =	sor.u32 s22, s21;
	v24 =	vld [tilespmem:s28+$0x0]  }
0xdc: {  	s24 =	sand.u32 $0x3F80, s20;
	s30 =	sor.u32 $0x30, s22;
	v29 =	vld [tilespmem:s29+$0x0]  }
0xdd: {  	s31 =	sor.u32 s30, s24;
	v20 =	vld [tilespmem:s29+$0x80]  }
0xde: {  	s26 =	sor.u32 s30, s21;
	v25 =	vld [tilespmem:s31+$0x0]  }
0xdf: {  	s28 =	sor.u32 $0x20, s22;
	v30 =	vld [tilespmem:s26+$0x0]  }
0xe0: {  	v23 =	vld [tilespmem:s26+$0x80];
	s29 =	sor.u32 s28, s24  }
0xe1: {  	p0 =	por $0x0, $0x0;
	s25 =	simm.s32 $0x1;
	s30 =	sor.u32 s28, s21;
	v26 =	vld [tilespmem:s29+$0x0]  }
0xe2: {  	s25 =	simm.s32 @!p0 $0x0;
	s22 =	sor.u32 $0x10, s22;
	v33 =	vld [tilespmem:s30+$0x0]  }
0xe3: {  	v31 =	vimm.f32 $0.0e+00;
	s31 =	sor.u32 s22, s24;
	s24 =	sshll.u32 s25, $0x6;
	v32 =	vld [tilespmem:s30+$0x80]  }
0xe4: {  	v22 =	vimm.f32 $0.0e+00;
	v27 =	vimm.f32 $0.0e+00;
	v21 =	vimm.f32 $0.0e+00;
	s23 =	sor.u32 s22, s21;
	s21 =	simm.s32 $0x100;
	s22 =	simm.s32 $0x0;
	v28 =	vld [tilespmem:s31+$0x0]  }
.LBB2_6:
0xe5: {  	p1 =	sne.s32 s21, $0xC200;
	s24 =	sadd.s32 s24, s20;
	v34 =	vld [tilespmem:s23+$0x0];
	s20 =	smov.u32 s21  }
0xe6: {  	s25 =	sor.u32 $0x100, s24;
	v35 =	vld [tilespmem:s23+$0x80]  }
0xe7: {  	s23 =	sor.u32 $0x180, s24;
	v36 =	vld [tilespmem:s25+$0x3100];
	s25 =	sadd.s32 $0x10, s24  }
0xe8: {  	v37 =	vld [tilespmem:s23+$0x3100];
	s23 =	sor.u32 $0x100, s25  }
0xe9: {  	v29 =	vmul.f32 v29, v24;
	v20 =	vmul.f32 v20, v24;
	v38 =	vld [tilespmem:s23+$0x3100];
	s23 =	sor.u32 $0x180, s25;
	s25 =	sadd.s32 $0x20, s24  }
0xea: {  	v40 =	vmul.f32 v30, v25;
	v41 =	vmul.f32 v23, v25;
	v39 =	vld [tilespmem:s23+$0x3100];
	s23 =	sor.u32 $0x100, s25  }
0xeb: {  	v23 =	vmul.f32 v33, v26;
	v30 =	vmul.f32 v32, v26;
	s24 =	sadd.s32 $0x30, s24;
	v32 =	vld [tilespmem:s23+$0x3100];
	s23 =	sor.u32 $0x180, s25  }
0xec: {  	v33 =	vmul.f32 v34, v28;
	v34 =	vmul.f32 v35, v28;
	v35 =	vld [tilespmem:s23+$0x3100];
	s23 =	sor.u32 $0x100, s24  }
0xed: {  	s22 =	sadd.s32 $0x40, s22;
	s25 =	sand.u32 $0xFE00, s21;
	v36 =	vmul.f32 v36, v24;
	v37 =	vmul.f32 v37, v24;
	v42 =	vld [tilespmem:s23+$0x3100];
	s23 =	sor.u32 $0x180, s24  }
0xee: {  	s26 =	sshra.s32 s21, $0x2;
	v31 =	vadd.f32 v29, v31;
	v20 =	vadd.f32 v20, v21;
	s25 =	sadd.s32 $0x3100, s25;
	s24 =	sand.u32 $0x40, s22;
	v21 =	vmul.f32 v38, v28;
	v38 =	vld [tilespmem:s23+$0x3100]  }
0xef: {  	s23 =	sor.u32 s24, s25;
	v22 =	vadd.f32 v36, v22;
	v24 =	vld [tilespmem:s26+$0x0];
	v27 =	vadd.f32 v37, v27;
	v28 =	vmul.f32 v39, v28  }
0xf0: {  	v31 =	vadd.f32 v33, v31;
	v33 =	vadd.f32 v34, v20;
	s28 =	sor.u32 $0x30, s24;
	s26 =	sand.u32 $0x3F80, s22;
	v29 =	vld [tilespmem:s23+$0x0];
	v32 =	vmul.f32 v32, v26  }
0xf1: {  	v21 =	vadd.f32 v21, v22;
	v20 =	vld [tilespmem:s23+$0x80];
	s23 =	sor.u32 s28, s26;
	v22 =	vadd.f32 v28, v27;
	v26 =	vmul.f32 v35, v26  }
0xf2: {  	v33 =	vadd.f32 v30, v33;
	v27 =	vadd.f32 v23, v31;
	v28 =	vld [tilespmem:s23+$0x0];
	s23 =	sor.u32 s28, s25;
	v34 =	vmul.f32 v42, v25  }
0xf3: {  	s28 =	sor.u32 $0x20, s24;
	v32 =	vadd.f32 v32, v21;
	v30 =	vld [tilespmem:s23+$0x0];
	v35 =	vadd.f32 v26, v22;
	v25 =	vmul.f32 v38, v25  }
.Ltmp2:
0xf4: {  	v21 =	vadd.f32 v41, v33;
	s29 =	sor.u32 s28, s26;
	v31 =	vadd.f32 v40, v27;
	v23 =	vld [tilespmem:s23+$0x80];
	(pc) =	sbr.rel @p1 .LBB2_6-.Ltmp2, $4  }
0xf5: {  	s23 =	sor.u32 s28, s25;
	v22 =	vadd.f32 v34, v32;
	v26 =	vld [tilespmem:s29+$0x0];
	v27 =	vadd.f32 v25, v35  }
0xf6: {  	p0 =	por !p0, !p0;
	s28 =	sor.u32 $0x10, s24;
	s24 =	simm.s32 $0x1;
	v33 =	vld [tilespmem:s23+$0x0]  }
0xf7: {  	s24 =	simm.s32 @!p0 $0x0;
	s26 =	sor.u32 s28, s26;
	v32 =	vld [tilespmem:s23+$0x80];
	v25 =	vmov v28  }
0xf8: {  	s21 =	sadd.s32 $0x100, s21;
	s24 =	sshll.u32 s24, $0x6;
	s23 =	sor.u32 s28, s25;
	v28 =	vld [tilespmem:s26+$0x0]  }
0xf9: {  	v34 =	vld [tilespmem:s23+$0x0];
	_ =	sdelay $0x2  }
0xfa: {  	v29 =	vmul.f32 v29, v24  }
0xfb: {  	s20 =	sadd.s32 s24, s20  }
0xfc: {  	v35 =	vld [tilespmem:s23+$0x80];
	s21 =	sor.u32 $0x100, s20;
	v29 =	vadd.f32 v29, v31;
	v34 =	vmul.f32 v34, v28  }
0xfd: {  	s30 =	sor.u32 $0x180, s20;
	s22 =	sadd.s32 $0x10, s20;
	v36 =	vld [tilespmem:s21+$0x3100]  }
0xfe: {  	v31 =	vld [tilespmem:s30+$0x3100];
	s31 =	sor.u32 $0x100, s22;
	v33 =	vmul.f32 v33, v26;
	v29 =	vadd.f32 v34, v29  }
0xff: {  	s23 =	sadd.s32 $0x20, s20;
	s22 =	sor.u32 $0x180, s22;
	v37 =	vld [tilespmem:s31+$0x3100]  }
0x100: {  	v30 =	vmul.f32 v30, v25;
	s24 =	sor.u32 $0x100, s23;
	v55 =	vld [tilespmem:s22+$0x3100];
	v29 =	vadd.f32 v33, v29  }
0x101: {  	s20 =	sadd.s32 $0x30, s20;
	s25 =	sor.u32 $0x180, s23;
	v38 =	vld [tilespmem:s24+$0x3100]  }
0x102: {  	s26 =	sor.u32 $0x100, s20;
	v56 =	vld [tilespmem:s25+$0x3100];
	v29 =	vadd.f32 v30, v29  }
0x103: {  	s20 =	sor.u32 $0x180, s20;
	v39 =	vld [tilespmem:s26+$0x3100]  }
0x104: {  	v30 =	vld [tilespmem:s20+$0x3100];
	[tilespmem:$0x1B980] =	vst v29  }
0x105: {  	v40 =	vld.idx.msk [tilespmem:v0+s16+$0x0], $0xffff;
	_ =	sdelay $0x4  }
0x106: {  	v29 =	vadd.f32 v40, v29;
	_ =	sdelay $0x1  }
0x107: {  	[tilespmem:$0x1B980] =	vst v29  }
0x108: {  	v57 =	vld.idx.msk [tilespmem:v1+s16+$0x0], $0xffff;
	_ =	sdelay $0x4  }
0x109: {  	v29 =	vadd.f32 v57, v29  }
0x10a: {  	v20 =	vmul.f32 v20, v24  }
0x10b: {  	[tilespmem:$0x1B980] =	vst v29  }
0x10c: {  	v20 =	vadd.f32 v20, v21;
	v35 =	vmul.f32 v35, v28;
	v58 =	vld.idx.msk [tilespmem:v2+s16+$0x0], $0xffff;
	_ =	sdelay $0x1  }
0x10d: {  	v21 =	vmul.f32 v32, v26;
	v20 =	vadd.f32 v35, v20;
	_ =	sdelay $0x1  }
0x10e: {  	v23 =	vmul.f32 v23, v25;
	v21 =	vadd.f32 v21, v20  }
0x10f: {  	v20 =	vadd.f32 v58, v29  }
0x110: {  	v23 =	vadd.f32 v23, v21  }
0x111: {  	[tilespmem:$0x1B980] =	vst v20  }
0x112: {  	v21 =	vld.idx.msk [tilespmem:v3+s16+$0x0], $0xffff;
	[tilespmem:$0x1B980] =	vst v23  }
0x113: {  	v29 =	vld.idx.msk [tilespmem:v0+s16+$0x0], $0xffff;
	_ =	sdelay $0x4  }
0x114: {  	v23 =	vadd.f32 v29, v23;
	_ =	sdelay $0x1  }
0x115: {  	[tilespmem:$0x1B980] =	vst v23  }
0x116: {  	v29 =	vld.idx.msk [tilespmem:v1+s16+$0x0], $0xffff;
	_ =	sdelay $0x4  }
0x117: {  	v23 =	vadd.f32 v29, v23  }
0x118: {  	v29 =	vmul.f32 v36, v24  }
0x119: {  	[tilespmem:$0x1B980] =	vst v23  }
0x11a: {  	v60 =	vmul.f32 v37, v28;
	v22 =	vadd.f32 v29, v22;
	v59 =	vld.idx.msk [tilespmem:v2+s16+$0x0], $0xffff;
	_ =	sdelay $0x1  }
0x11b: {  	v29 =	vmul.f32 v38, v26;
	v22 =	vadd.f32 v60, v22;
	_ =	sdelay $0x1  }
0x11c: {  	v61 =	vmul.f32 v39, v25;
	v29 =	vadd.f32 v29, v22  }
0x11d: {  	v22 =	vadd.f32 v59, v23  }
0x11e: {  	v29 =	vadd.f32 v61, v29  }
0x11f: {  	[tilespmem:$0x1B980] =	vst v22  }
0x120: {  	v23 =	vld.idx.msk [tilespmem:v3+s16+$0x0], $0xffff;
	[tilespmem:$0x1B980] =	vst v29  }
0x121: {  	v62 =	vld.idx.msk [tilespmem:v0+s16+$0x0], $0xffff;
	_ =	sdelay $0x4  }
0x122: {  	v29 =	vadd.f32 v62, v29;
	_ =	sdelay $0x1  }
0x123: {  	[tilespmem:$0x1B980] =	vst v29  }
0x124: {  	v63 =	vld.idx.msk [tilespmem:v1+s16+$0x0], $0xffff;
	_ =	sdelay $0x4  }
0x125: {  	v29 =	vadd.f32 v63, v29  }
0x126: {  	v24 =	vmul.f32 v31, v24  }
0x127: {  	[tilespmem:$0x1B980] =	vst v29  }
0x128: {  	v24 =	vadd.f32 v24, v27;
	v27 =	vmul.f32 v55, v28;
	v31 =	vld.idx.msk [tilespmem:v2+s16+$0x0], $0xffff;
	_ =	sdelay $0x1  }
0x129: {  	v26 =	vmul.f32 v56, v26;
	v24 =	vadd.f32 v27, v24;
	_ =	sdelay $0x1  }
0x12a: {  	v25 =	vmul.f32 v30, v25;
	v26 =	vadd.f32 v26, v24  }
0x12b: {  	v24 =	vadd.f32 v31, v29  }
0x12c: {  	v26 =	vadd.f32 v25, v26  }
0x12d: {  	[tilespmem:$0x1B980] =	vst v24  }
0x12e: {  	v25 =	vld.idx.msk [tilespmem:v3+s16+$0x0], $0xffff;
	[tilespmem:$0x1B980] =	vst v26  }
0x12f: {  	v27 =	vld.idx.msk [tilespmem:v0+s16+$0x0], $0xffff;
	_ =	sdelay $0x4  }
0x130: {  	v26 =	vadd.f32 v27, v26;
	_ =	sdelay $0x1  }
0x131: {  	[tilespmem:$0x1B980] =	vst v26  }
0x132: {  	v27 =	vld.idx.msk [tilespmem:v1+s16+$0x0], $0xffff;
	_ =	sdelay $0x4  }
0x133: {  	v26 =	vadd.f32 v27, v26;
	_ =	sdelay $0x1  }
0x134: {  	[tilespmem:$0x1B980] =	vst v26  }
0x135: {  	v27 =	vld.idx.msk [tilespmem:v2+s16+$0x0], $0xffff;
	_ =	sdelay $0x4  }
0x136: {  	v26 =	vadd.f32 v27, v26;
	_ =	sdelay $0x1  }
0x137: {  	[tilespmem:$0x1B980] =	vst v26  }
0x138: {  	s21 =	simm.s32 $0x0;
	v27 =	vld.idx.msk [tilespmem:v3+s16+$0x0], $0xffff;
	_ =	swait.ge [sflag:s17], $0xC400  }
0x139: {  	s30 =	simm.s32 $0x0;
	s23 =	sand.u32 $0x40, s21;
	[sflag:s17] =	ssyncset.done $0x0  }
0x13a: {  	s31 =	sand.u32 $0x3F80, s21;
	s20 =	sor.u32 $0x30, s23;
	[sflag:s17] =	ssyncadd.s32 $0xFFFF3C00  }
0x13b: {  	s22 =	sor.u32 $0x20, s23;
	s28 =	sor.u32 s20, s31;
	v30 =	vld [tilespmem:s30+$0x0]  }
0x13c: {  	s26 =	sand.u32 $0xFE00, s21;
	s25 =	sor.u32 $0x10, s23;
	s29 =	sor.u32 s22, s31;
	v29 =	vld [tilespmem:s28+$0x0]  }
0x13d: {  	s24 =	sor.u32 s25, s31;
	s28 =	sadd.s32 $0xF500, s26;
	v28 =	vld [tilespmem:s29+$0x0]  }
0x13e: {  	s29 =	sadd.s32 $0xF580, s26;
	v31 =	vld [tilespmem:s24+$0x0];
	s30 =	sor.u32 s20, s28  }
0x13f: {  	s31 =	sor.u32 s20, s29;
	v38 =	vld [tilespmem:s30+$0x0]  }
0x140: {  	s24 =	sor.u32 s22, s29;
	v35 =	vld [tilespmem:s31+$0x0]  }
0x141: {  	s30 =	sor.u32 s22, s28;
	v36 =	vld [tilespmem:s24+$0x0]  }
0x142: {  	s31 =	sor.u32 s25, s28;
	v40 =	vld [tilespmem:s30+$0x0]  }
0x143: {  	s28 =	sor.u32 s23, s28;
	v41 =	vld [tilespmem:s31+$0x0]  }
0x144: {  	v32 =	vimm.f32 $0.0e+00;
	s31 =	sor.u32 s25, s29;
	v42 =	vld [tilespmem:s28+$0x0]  }
0x145: {  	v34 =	vimm.f32 $0.0e+00;
	v37 =	vimm.f32 $0.0e+00;
	v33 =	vimm.f32 $0.0e+00;
	s24 =	simm.s32 $0x40;
	s29 =	sor.u32 s23, s29;
	s28 =	sadd.s32 $0xF600, s26;
	v39 =	vld [tilespmem:s31+$0x0]  }
.LBB2_8:
0x146: {  	p0 =	sne.s32 s24, $0x3080;
	v43 =	vld [tilespmem:s29+$0x0];
	s29 =	sor.u32 s23, s28;
	s26 =	sadd.s32 $0xF680, s26  }
0x147: {  	v44 =	vld [tilespmem:s29+$0x0];
	s23 =	sor.u32 s23, s26  }
0x148: {  	v45 =	vld [tilespmem:s23+$0x0];
	s23 =	sor.u32 s25, s28  }
0x149: {  	v47 =	vmul.f32 v38, v29;
	v48 =	vmul.f32 v35, v29;
	v46 =	vld [tilespmem:s23+$0x0];
	s23 =	sor.u32 s25, s26  }
0x14a: {  	v38 =	vmul.f32 v40, v28;
	v36 =	vmul.f32 v36, v28;
	v35 =	vld [tilespmem:s23+$0x0];
	s23 =	sor.u32 s22, s28  }
0x14b: {  	v40 =	vmul.f32 v41, v31;
	v39 =	vmul.f32 v39, v31;
	s22 =	sor.u32 s22, s26;
	v41 =	vld [tilespmem:s23+$0x0]  }
0x14c: {  	v42 =	vmul.f32 v42, v30;
	v43 =	vmul.f32 v43, v30;
	v49 =	vld [tilespmem:s22+$0x0];
	s22 =	sor.u32 s20, s28  }
0x14d: {  	s21 =	sadd.s32 $0x100, s21;
	s23 =	sand.u32 $0x40, s24;
	v44 =	vmul.f32 v44, v30;
	v45 =	vmul.f32 v45, v30;
	v50 =	vld [tilespmem:s22+$0x0];
	s22 =	sor.u32 s20, s26  }
0x14e: {  	s25 =	sshra.s32 s21, $0x2;
	s28 =	sand.u32 $0x3F80, s24;
	v37 =	vadd.f32 v42, v37;
	s20 =	sor.u32 $0x30, s23;
	v34 =	vadd.f32 v43, v34;
	v42 =	vmul.f32 v46, v31;
	v43 =	vld [tilespmem:s22+$0x0]  }
0x14f: {  	s22 =	sor.u32 $0x20, s23;
	s29 =	sor.u32 s20, s28;
	v33 =	vadd.f32 v44, v33;
	v30 =	vld [tilespmem:s25+$0x0];
	v32 =	vadd.f32 v45, v32;
	v31 =	vmul.f32 v35, v31  }
0x150: {  	s26 =	sand.u32 $0xFE00, s21;
	s25 =	sor.u32 $0x10, s23;
	s30 =	sor.u32 s22, s28;
	v35 =	vadd.f32 v40, v37;
	v34 =	vadd.f32 v39, v34;
	v44 =	vld [tilespmem:s29+$0x0];
	v37 =	vmul.f32 v41, v28  }
0x151: {  	s29 =	sadd.s32 $0xF500, s26;
	s28 =	sor.u32 s25, s28;
	v33 =	vadd.f32 v42, v33;
	v32 =	vadd.f32 v31, v32;
	v39 =	vmul.f32 v49, v28;
	v28 =	vld [tilespmem:s30+$0x0]  }
0x152: {  	s30 =	sadd.s32 $0xF580, s26;
	v40 =	vadd.f32 v38, v35;
	v34 =	vadd.f32 v36, v34;
	v31 =	vld [tilespmem:s28+$0x0];
	s28 =	sor.u32 s20, s29;
	v36 =	vmul.f32 v50, v29  }
0x153: {  	v33 =	vadd.f32 v37, v33;
	v38 =	vld [tilespmem:s28+$0x0];
	s28 =	sor.u32 s20, s30;
	v32 =	vadd.f32 v39, v32;
	v39 =	vmul.f32 v43, v29  }
0x154: {  	s31 =	sor.u32 s22, s29;
	v37 =	vadd.f32 v47, v40;
	v34 =	vadd.f32 v48, v34;
	v35 =	vld [tilespmem:s28+$0x0]  }
.Ltmp3:
0x155: {  	s28 =	sor.u32 s22, s30;
	v33 =	vadd.f32 v36, v33;
	v40 =	vld [tilespmem:s31+$0x0];
	v32 =	vadd.f32 v39, v32;
	v29 =	vmov v44;
	(pc) =	sbr.rel @p0 .LBB2_8-.Ltmp3, $4  }
0x156: {  	s31 =	sor.u32 s25, s29;
	v36 =	vld [tilespmem:s28+$0x0]  }
0x157: {  	s28 =	sor.u32 s25, s30;
	v41 =	vld [tilespmem:s31+$0x0]  }
0x158: {  	s29 =	sor.u32 s23, s29;
	v39 =	vld [tilespmem:s28+$0x0]  }
0x159: {  	s24 =	sadd.s32 $0x40, s24;
	s28 =	sadd.s32 $0xF600, s26;
	v42 =	vld [tilespmem:s29+$0x0];
	s29 =	sor.u32 s23, s30  }
0x15a: {  	_ =	sdelay $0x3  }
0x15b: {  	v42 =	vmul.f32 v42, v30;
	_ =	sdelay $0x1  }
0x15c: {  	v43 =	vld [tilespmem:s29+$0x0];
	s21 =	sor.u32 s23, s28;
	v41 =	vmul.f32 v41, v31;
	v37 =	vadd.f32 v42, v37  }
0x15d: {  	s24 =	sadd.s32 $0xF680, s26;
	s26 =	sor.u32 s22, s28;
	v44 =	vld [tilespmem:s21+$0x0]  }
0x15e: {  	v40 =	vmul.f32 v40, v28;
	s30 =	sor.u32 s20, s28;
	v46 =	vld [tilespmem:s26+$0x0];
	v37 =	vadd.f32 v41, v37  }
0x15f: {  	s31 =	sor.u32 s23, s24;
	s23 =	sor.u32 s25, s28;
	v47 =	vld [tilespmem:s30+$0x0]  }
0x160: {  	v38 =	vmul.f32 v38, v29;
	s25 =	sor.u32 s25, s24;
	v45 =	vld [tilespmem:s23+$0x0];
	v37 =	vadd.f32 v40, v37  }
0x161: {  	s29 =	sor.u32 s22, s24;
	v52 =	vld [tilespmem:s25+$0x0]  }
0x162: {  	v53 =	vld [tilespmem:s29+$0x0];
	v37 =	vadd.f32 v38, v37  }
0x163: {  	v42 =	vld [tilespmem:s31+$0x0];
	s31 =	sor.u32 s20, s24  }
0x164: {  	v54 =	vld [tilespmem:s31+$0x0];
	[tilespmem:$0x1B980] =	vst v37  }
0x165: {  	v48 =	vld.idx.msk [tilespmem:v0+s16+$0x0], $0xffff;
	_ =	sdelay $0x4  }
0x166: {  	v37 =	vadd.f32 v48, v37;
	_ =	sdelay $0x1  }
0x167: {  	[tilespmem:$0x1B980] =	vst v37  }
0x168: {  	v55 =	vld.idx.msk [tilespmem:v1+s16+$0x0], $0xffff;
	_ =	sdelay $0x4  }
0x169: {  	v37 =	vadd.f32 v55, v37  }
0x16a: {  	v43 =	vmul.f32 v43, v30  }
0x16b: {  	[tilespmem:$0x1B980] =	vst v37  }
0x16c: {  	v39 =	vmul.f32 v39, v31;
	v34 =	vadd.f32 v43, v34;
	v56 =	vld.idx.msk [tilespmem:v2+s16+$0x0], $0xffff;
	_ =	sdelay $0x1  }
0x16d: {  	v36 =	vmul.f32 v36, v28;
	v34 =	vadd.f32 v39, v34;
	_ =	sdelay $0x1  }
0x16e: {  	v35 =	vmul.f32 v35, v29;
	v34 =	vadd.f32 v36, v34  }
0x16f: {  	v36 =	vadd.f32 v56, v37  }
0x170: {  	v34 =	vadd.f32 v35, v34  }
0x171: {  	[tilespmem:$0x1B980] =	vst v36  }
0x172: {  	v35 =	vld.idx.msk [tilespmem:v3+s16+$0x0], $0xffff;
	[tilespmem:$0x1B980] =	vst v34  }
0x173: {  	v57 =	vld.idx.msk [tilespmem:v0+s16+$0x0], $0xffff;
	_ =	sdelay $0x4  }
0x174: {  	v34 =	vadd.f32 v57, v34;
	_ =	sdelay $0x1  }
0x175: {  	[tilespmem:$0x1B980] =	vst v34  }
0x176: {  	v58 =	vld.idx.msk [tilespmem:v1+s16+$0x0], $0xffff;
	_ =	sdelay $0x4  }
0x177: {  	v34 =	vadd.f32 v58, v34  }
0x178: {  	v59 =	vmul.f32 v44, v30  }
0x179: {  	[tilespmem:$0x1B980] =	vst v34  }
0x17a: {  	v61 =	vmul.f32 v45, v31;
	v33 =	vadd.f32 v59, v33;
	v60 =	vld.idx.msk [tilespmem:v2+s16+$0x0], $0xffff;
	_ =	sdelay $0x1  }
0x17b: {  	v62 =	vmul.f32 v46, v28;
	v33 =	vadd.f32 v61, v33;
	_ =	sdelay $0x1  }
0x17c: {  	v63 =	vmul.f32 v47, v29;
	v33 =	vadd.f32 v62, v33  }
0x17d: {  	v34 =	vadd.f32 v60, v34  }
0x17e: {  	v33 =	vadd.f32 v63, v33  }
0x17f: {  	[tilespmem:$0x1B980] =	vst v34  }
0x180: {  	v43 =	vld.idx.msk [tilespmem:v3+s16+$0x0], $0xffff;
	[tilespmem:$0x1B980] =	vst v33  }
0x181: {  	v44 =	vld.idx.msk [tilespmem:v0+s16+$0x0], $0xffff;
	_ =	sdelay $0x4  }
0x182: {  	v33 =	vadd.f32 v44, v33;
	_ =	sdelay $0x1  }
0x183: {  	[tilespmem:$0x1B980] =	vst v33  }
0x184: {  	v45 =	vld.idx.msk [tilespmem:v1+s16+$0x0], $0xffff;
	_ =	sdelay $0x4  }
0x185: {  	v33 =	vadd.f32 v45, v33  }
0x186: {  	v46 =	vmul.f32 v42, v30  }
0x187: {  	[tilespmem:$0x1B980] =	vst v33  }
0x188: {  	v30 =	vadd.f32 v46, v32;
	v48 =	vmul.f32 v52, v31;
	v47 =	vld.idx.msk [tilespmem:v2+s16+$0x0], $0xffff;
	_ =	sdelay $0x1  }
0x189: {  	v49 =	vmul.f32 v53, v28;
	v30 =	vadd.f32 v48, v30;
	_ =	sdelay $0x1  }
0x18a: {  	v50 =	vmul.f32 v54, v29;
	v28 =	vadd.f32 v49, v30  }
0x18b: {  	v51 =	vadd.f32 v47, v33  }
0x18c: {  	v28 =	vadd.f32 v50, v28  }
0x18d: {  	[tilespmem:$0x1B980] =	vst v51  }
0x18e: {  	v52 =	vld.idx.msk [tilespmem:v3+s16+$0x0], $0xffff;
	[tilespmem:$0x1B980] =	vst v28  }
0x18f: {  	v53 =	vld.idx.msk [tilespmem:v0+s16+$0x0], $0xffff;
	_ =	sdelay $0x4  }
0x190: {  	v28 =	vadd.f32 v53, v28;
	_ =	sdelay $0x1  }
0x191: {  	[tilespmem:$0x1B980] =	vst v28  }
0x192: {  	v54 =	vld.idx.msk [tilespmem:v1+s16+$0x0], $0xffff;
	_ =	sdelay $0x4  }
0x193: {  	v28 =	vadd.f32 v54, v28;
	_ =	sdelay $0x1  }
0x194: {  	v4 =	vadd.f32 v5, v4;
	v5 =	vadd.f32 v7, v6;
	[tilespmem:$0x1B980] =	vst v28  }
0x195: {  	v55 =	vadd.f32 v9, v8;
	v56 =	vld.idx.msk [tilespmem:v2+s16+$0x0], $0xffff  }
0x196: {  	v4 =	vsel vm0, v4, v5;
	v5 =	vadd.f32 v11, v10  }
0x197: {  	v4 =	vsel vm1, v4, v55;
	v57 =	vadd.f32 v13, v12  }
0x198: {  	v4 =	vsel vm2, v4, v5;
	v5 =	vadd.f32 v15, v14  }
0x199: {  	v4 =	vsel vm3, v4, v57;
	v58 =	vadd.f32 v17, v16  }
0x19a: {  	v4 =	vsel vm4, v4, v5;
	v5 =	vadd.f32 v19, v18;
	v7 =	vadd.f32 v56, v28  }
0x19b: {  	v59 =	vadd.f32 v21, v20;
	v4 =	vsel vm5, v4, v58  }
0x19c: {  	v4 =	vsel vm6, v4, v5;
	v5 =	vadd.f32 v23, v22;
	[tilespmem:$0x1B980] =	vst v7  }
0x19d: {  	vm8 =	vmmov $0x1ff;
	v4 =	vsel vm7, v4, v59;
	v60 =	vadd.f32 v25, v24;
	v61 =	vld.idx.msk [tilespmem:v3+s16+$0x0], $0xffff  }
0x19e: {  	v4 =	vsel vm8, v4, v5;
	vm8 =	vmmov $0x3ff;
	v5 =	vadd.f32 v27, v26  }
0x19f: {  	v62 =	vadd.f32 v35, v36;
	v4 =	vsel vm8, v4, v60;
	vm8 =	vmmov $0x7ff  }
0x1a0: {  	v4 =	vsel vm8, v4, v5;
	vm8 =	vmmov $0xfff;
	v5 =	vadd.f32 v43, v34  }
0x1a1: {  	v4 =	vsel vm8, v4, v62;
	vm8 =	vmmov $0x1fff;
	v63 =	vadd.f32 v52, v51  }
0x1a2: {  	v4 =	vsel vm8, v4, v5;
	vm8 =	vmmov $0x3fff;
	v5 =	vadd.f32 v61, v7  }
0x1a3: {  	s19 =	sadd.s32 $0x1, s19;
	v4 =	vsel vm8, v4, v63;
	vm8 =	vmmov $0x7fff  }
0x1a4: {  	p0 =	sne.s32 s19, s9;
	v4 =	vsel vm8, v4, v5  }
.Ltmp4:
0x1a5: {  	[tilespmem:$0x1B900] =	vst v4;
	(pc) =	sbr.rel @p0 .LBB2_1-.Ltmp4, $4  }
0x1a6: {  	[hbm4b:s8+s2] =	stream.linear.scatter [tilespmem:s18], [sflag:$0x3], $0x10, $0x38;
	[tilespmem:$0x1BA00] =	vst v63  }
0x1a7: {  	_ =	swait.ge [sflag:s10], $0x10  }
0x1a8: {  	[sflag:s10] =	ssyncset.done $0x0  }
0x1a9: {  	[sflag:s10] =	ssyncadd.s32 $0xFFFFFFF0  }
0x1aa: {  	_ =	sfence.sel $0x180000  }
0x1ab: {  	[bflag:$0x0] =	sbarrier.arrive $0xFFFF  }
0x1ac: {  	p0 =	sne.s32 s1, $0x0;
	_ =	strace $0x90000047  }
0x1ad: {  	s0 =	sadd.s32 @!p0 $0x100000, s0;
	[bflag:$0x2] =	sbarrier.arrive $0xFFFF  }
0x1ae: {  	[sflag:s0] =	ssyncadd.tile.s32 @!p0 $0x1;
	_ =	shalt  }
.Lfunc_end2:
_tile_overlayer_lowered:
.L_overlay_start_2:
0x1af: {  	(tag) =	ssettag $0x2  }
0x1b0: {  	s0 =	rddreg [dreg:$0x0];
	s2 =	stileid.u32  }
0x1b1: {  	s1 =	rddreg [dreg:$0x1];
	p0 =	sne.s32 s2, $0x0  }
0x1b2: {  	s3 =	rddreg [dreg:$0x2];
	[bflag:$0x3] =	sbarrier.arrive $0xFFFF;
	s2 =	simm.s32 @!p0 $0x1C03  }
0x1b3: {  	[timem:s3], [sflag:s2] =	dma.local @!p0 [hbm:s0], s1  }
0x1b4: {  	s0 =	simm.s32 @!p0 $0x3  }
0x1b5: {  	_ =	swait.ge @!p0 [sflag:s0], s1  }
0x1b6: {  	s1 =	ssub.s32 @!p0 $0x0, s1;
	[sflag:s0] =	ssyncset.done @!p0 $0x0  }
0x1b7: {  	[sflag:s0] =	ssyncadd.s32 @!p0 s1  }
0x1b8: {  	[bflag:$0x3] =	sbarrier.arrive $0xFFFF  }
0x1b9: {  	_ =	shalt  }

</sc_bundles>
